<compile_context>
chip_gen: v7x
topology: tpu7x:2x2x1
jax: 0.10.2.dev20260603
libtpu: 0.0.44.dev20260713+nightly
codegen_flags: <defaults>
</compile_context>

<pallas_src>
import functools

import jax
import jax.numpy as jnp
from jax import lax
from jax.experimental import pallas as pl
from jax.experimental.pallas import tpu as pltpu
from jax.experimental.pallas import tpu_sc as plsc

NC = 2
NS = 16
NW = NC * NS
K = 128
KG = 64
DEG_W = 32
CORE0_FRAC = 0.2025


def _fill_rows(ref, rows, width, value):
    def body(j, carry):
        for l in range(width // 16):
            ref[j, pl.ds(l * 16, 16)] = jnp.full((16,), value, jnp.float32)
        return carry
    lax.fori_loop(0, rows, body, 0)


@functools.lru_cache(maxsize=None)
def _make_deg(N, E_pad):
    EPT = E_pad // NW
    steps = EPT // K
    NR = ((N + 1 + NS * K - 1) // (NS * K)) * (NS * K)
    RZ = NR // NS
    RO_STRIDE = 8 * (N // (8 * NS))
    RO_LEN = N - (NS - 1) * RO_STRIDE
    mesh = plsc.VectorSubcoreMesh(core_axis_name="c", subcore_axis_name="s", num_cores=NC, num_subcores=NS)

    @functools.partial(
        pl.kernel,
        out_type=jax.ShapeDtypeStruct((NC, N, DEG_W), jnp.float32),
        mesh=mesh,
        scratch_types=[
            pltpu.VMEM((steps, 1, K), jnp.int32),
            pltpu.VMEM((K, DEG_W), jnp.float32),
            pltpu.VMEM_SHARED((NR, DEG_W), jnp.float32),
        ],
    )
    def deg_kernel(dstp3_hbm, out_hbm, didx, buf, acc):
        c = lax.axis_index("c")
        s = lax.axis_index("s")
        tid = c * NS + s
        pltpu.sync_copy(dstp3_hbm.at[tid], didx)
        _fill_rows(buf, K, DEG_W, 0.0)
        for i in range(RZ // K):
            pltpu.sync_copy(buf, acc.at[pl.ds(s * RZ + i * K, K)])
        _fill_rows(buf, K, DEG_W, 1.0)
        plsc.subcore_barrier()

        def step(i, carry):
            pltpu.sync_copy(buf, acc.at[didx.at[i, 0]], add=True)
            return carry
        lax.fori_loop(0, steps, step, 0)
        plsc.subcore_barrier()
        pltpu.sync_copy(acc.at[pl.ds(s * RO_STRIDE, RO_LEN)],
                        out_hbm.at[c, pl.ds(s * RO_STRIDE, RO_LEN)])

    return deg_kernel


@functools.lru_cache(maxsize=None)
def _make_agg(N, D, E_pad, steps0, steps1):
    assert steps0 % 2 == 0 and steps1 % 2 == 0
    assert NS * KG * (steps0 + steps1) == E_pad
    smax = max(steps0, steps1)
    EPT0 = steps0 * KG
    EPT1 = steps1 * KG
    NR = ((N + 1 + NS * 8 - 1) // (NS * 8)) * (NS * 8)
    RZ = NR // NS
    RO_STRIDE = 8 * (N // (8 * NS))
    RO_LEN = N - (NS - 1) * RO_STRIDE
    mesh = plsc.VectorSubcoreMesh(core_axis_name="c", subcore_axis_name="s", num_cores=NC, num_subcores=NS)

    @functools.partial(
        pl.kernel,
        out_type=jax.ShapeDtypeStruct((NC, N, D), jnp.float32),
        mesh=mesh,
        scratch_types=[
            pltpu.VMEM(((smax + 1) * KG,), jnp.int32),
            pltpu.VMEM((smax * KG,), jnp.int32),
            pltpu.VMEM((KG, D), jnp.float32),
            pltpu.VMEM((KG, D), jnp.float32),
            pltpu.VMEM_SHARED((NR, D), jnp.float32),
            pltpu.SemaphoreType.DMA,
            pltpu.SemaphoreType.DMA,
        ],
    )
    def agg_kernel(hs_hbm, srcp_hbm, dstf_hbm, out_hbm,
                   sidx, didx, rows0, rows1, acc, sem0, sem1):
        c = lax.axis_index("c")
        s = lax.axis_index("s")
        base = jnp.where(c == 0, s * EPT0, NS * EPT0 + s * EPT1)
        pltpu.sync_copy(srcp_hbm.at[pl.ds(base, (smax + 1) * KG)], sidx)
        pltpu.sync_copy(dstf_hbm.at[pl.ds(base, smax * KG)], didx)
        _fill_rows(rows0, KG, D, 0.0)
        off = 0
        while off < RZ:
            n = min(KG, RZ - off)
            pltpu.sync_copy(rows0.at[pl.ds(0, n)], acc.at[pl.ds(s * RZ + off, n)])
            off += n
        plsc.subcore_barrier()

        SUB = 4
        CH = KG // SUB

        def gather(i, buf, sem):
            for u in range(SUB):
                pltpu.async_copy(hs_hbm.at[sidx.at[pl.ds(i * KG + u * CH, CH)]],
                                 buf.at[pl.ds(u * CH, CH)], sem)

        def gwait(buf, sem):
            pltpu.make_async_copy(hs_hbm.at[pl.ds(0, KG)], buf, sem).wait()

        def run_edges(nsteps):
            gather(0, rows0, sem0)

            def step(i2, carry):
                i = i2 * 2
                gather(i + 1, rows1, sem1)
                gwait(rows0, sem0)
                pltpu.sync_copy(rows0, acc.at[didx.at[pl.ds(i * KG, KG)]], add=True)
                gather(i + 2, rows0, sem0)
                gwait(rows1, sem1)
                pltpu.sync_copy(rows1, acc.at[didx.at[pl.ds((i + 1) * KG, KG)]], add=True)
                return carry
            lax.fori_loop(0, nsteps // 2, step, 0)
            gwait(rows0, sem0)

        @pl.when(c == 0)
        def _():
            run_edges(steps0)

        @pl.when(c == 1)
        def _():
            run_edges(steps1)

        plsc.subcore_barrier()
        pltpu.sync_copy(acc.at[pl.ds(s * RO_STRIDE, RO_LEN)],
                        out_hbm.at[c, pl.ds(s * RO_STRIDE, RO_LEN)])

    return agg_kernel


def _dinv_from(degs_ref):
    deg = degs_ref[0, :, 0] + degs_ref[1, :, 0] + 1.0
    return lax.rsqrt(deg)


def _t1_body(x_ref, w_ref, degs_ref, o_ref):
    dinv = _dinv_from(degs_ref)
    h = jnp.dot(x_ref[...], w_ref[...], preferred_element_type=jnp.float32)
    o_ref[...] = h * dinv[:, None]


def _t2_body(p_ref, hs_ref, degs_ref, b_ref, w_ref, o_ref):
    dinv = _dinv_from(degs_ref)
    t = (p_ref[0] + p_ref[1] + hs_ref[...]) * dinv[:, None] + b_ref[0]
    t = jnp.maximum(t, 0.0)
    r = jnp.dot(t, w_ref[...], preferred_element_type=jnp.float32) * dinv[:, None]
    d = r.shape[1]
    o_ref[...] = jnp.concatenate([r, jnp.zeros_like(r)], axis=1) if d * 2 == o_ref.shape[1] else r


def _t3_body(p_ref, hs_ref, degs_ref, b_ref, o_ref):
    d = o_ref.shape[1]
    dinv = _dinv_from(degs_ref)
    agg = (p_ref[0] + p_ref[1] + hs_ref[...])[:, :d]
    z = agg * dinv[:, None] + b_ref[0]
    m = jnp.max(z, axis=1, keepdims=True)
    e = jnp.exp(z - m)
    o_ref[...] = z - m - jnp.log(jnp.sum(e, axis=1, keepdims=True))


_BN = 1000


def _t1(x, W1, degs):
    N, D_in = x.shape
    D_h = W1.shape[1]
    grid = N // _BN
    return pl.pallas_call(
        _t1_body,
        grid=(grid,),
        in_specs=[
            pl.BlockSpec((_BN, D_in), lambda i: (i, 0)),
            pl.BlockSpec((D_in, D_h), lambda i: (0, 0)),
            pl.BlockSpec((NC, _BN, DEG_W), lambda i: (0, i, 0)),
        ],
        out_specs=pl.BlockSpec((_BN, D_h), lambda i: (i, 0)),
        out_shape=jax.ShapeDtypeStruct((N, D_h), jnp.float32),
    )(x, W1, degs)


def _t2(p, hs1, degs, b1, W2):
    N, D_h = hs1.shape
    D_out = W2.shape[1]
    grid = N // _BN
    return pl.pallas_call(
        _t2_body,
        grid=(grid,),
        in_specs=[
            pl.BlockSpec((NC, _BN, D_h), lambda i: (0, i, 0)),
            pl.BlockSpec((_BN, D_h), lambda i: (i, 0)),
            pl.BlockSpec((NC, _BN, DEG_W), lambda i: (0, i, 0)),
            pl.BlockSpec((1, D_h), lambda i: (0, 0)),
            pl.BlockSpec((D_h, D_out), lambda i: (0, 0)),
        ],
        out_specs=pl.BlockSpec((_BN, 2 * D_out), lambda i: (i, 0)),
        out_shape=jax.ShapeDtypeStruct((N, 2 * D_out), jnp.float32),
    )(p, hs1, degs, b1.reshape(1, D_h), W2)


def _t3(p, hs2, degs, b2):
    N = hs2.shape[0]
    D_out = b2.shape[0]
    grid = N // _BN
    return pl.pallas_call(
        _t3_body,
        grid=(grid,),
        in_specs=[
            pl.BlockSpec((NC, _BN, 2 * D_out), lambda i: (0, i, 0)),
            pl.BlockSpec((_BN, 2 * D_out), lambda i: (i, 0)),
            pl.BlockSpec((NC, _BN, DEG_W), lambda i: (0, i, 0)),
            pl.BlockSpec((1, D_out), lambda i: (0, 0)),
        ],
        out_specs=pl.BlockSpec((_BN, D_out), lambda i: (i, 0)),
        out_shape=jax.ShapeDtypeStruct((N, D_out), jnp.float32),
    )(p, hs2, degs, b2.reshape(1, D_out))


def kernel(x, edge_index, W1, b1, W2, b2):
    N = x.shape[0]
    E = edge_index.shape[1]
    chunk = NS * K * 2
    E_pad = ((E + chunk - 1) // chunk) * chunk
    src = edge_index[0]
    dst = edge_index[1]
    srcp = jnp.concatenate([src, jnp.zeros((E_pad - E + 2 * KG,), jnp.int32)])
    dstp = jnp.concatenate([dst, jnp.full((E_pad - E,), N, jnp.int32)])
    dstpD = dstp.reshape(NW, E_pad // (NW * K), 1, K)
    total_steps = E_pad // (NS * KG)
    steps0 = max(2, 2 * round(total_steps * CORE0_FRAC / 2))
    steps1 = total_steps - steps0
    dstf = dstp

    degs = _make_deg(N, E_pad)(dstpD)
    hs1 = _t1(x, W1, degs)
    p1 = _make_agg(N, hs1.shape[1], E_pad, steps0, steps1)(hs1, srcp, dstf)
    hs2 = _t2(p1, hs1, degs, b1, W2)
    p2 = _make_agg(N, hs2.shape[1], E_pad, steps0, steps1)(hs2, srcp, dstf)
    return _t3(p2, hs2, degs, b2)

# --- scband reference (transcript-rebuilt; emitter-appended) ---
"""Pipeline reference for scband-basic-gcn-67989332295801 (READ-ONLY COPY).

The authoritative reference and input builder live on the scoring server;
editing this copy changes nothing except your own understanding.
"""

import jax, jax.numpy as jnp
import numpy as np

N = 10000
E = 320000
D_IN = 128
D_H = 128
D_OUT = 64


def setup_inputs(seed: int = 0) -> dict:
    key = jax.random.key(seed)
    k1, k2, k3, k4, k5, k6 = jax.random.split(key, 6)
    x = jax.random.normal(k1, (N, D_IN), dtype=jnp.float32)
    edge_index = jax.random.randint(k2, (2, E), 0, N, dtype=jnp.int32)
    W1 = jax.random.normal(k3, (D_IN, D_H), dtype=jnp.float32) * 0.05
    b1 = jnp.zeros((D_H,), dtype=jnp.float32)
    W2 = jax.random.normal(k4, (D_H, D_OUT), dtype=jnp.float32) * 0.05
    b2 = jnp.zeros((D_OUT,), dtype=jnp.float32)
    return {"x": x, "edge_index": edge_index, "W1": W1, "b1": b1, "W2": W2, "b2": b2}


def gcn_conv(x, edge_index, W, b):
    # GCNConv: out = D^{-1/2} (A + I) D^{-1/2} X W + b (add_self_loops=True, symmetric norm)
    num_nodes = x.shape[0]
    src = edge_index[0]
    dst = edge_index[1]
    loop = jnp.arange(num_nodes, dtype=src.dtype)
    src = jnp.concatenate([src, loop])
    dst = jnp.concatenate([dst, loop])
    deg = jax.ops.segment_sum(jnp.ones_like(src, dtype=x.dtype), dst, num_segments=num_nodes)
    dinv = jnp.where(deg > 0, jax.lax.rsqrt(jnp.maximum(deg, 1e-12)), 0.0)
    norm = dinv[src] * dinv[dst]
    h = x @ W
    msg = h[src] * norm[:, None]
    out = jax.ops.segment_sum(msg, dst, num_segments=num_nodes)
    return out + b


def reference(x, edge_index, W1, b1, W2, b2):
    h = gcn_conv(x, edge_index, W1, b1)
    h = jax.nn.relu(h)
    # dropout is identity in eval mode
    h = gcn_conv(h, edge_index, W2, b2)
    return jax.nn.log_softmax(h, axis=1)

if __name__ == "__main__":
    import jax
    _d = setup_inputs()
    print(jax.jit(kernel)(*tuple(_d.values())))

</pallas_src>

<mosaic_0001>
#map = affine_map<(d0, d1) -> (0, 0)>
#map1 = affine_map<(d0, d1) -> (0)>
#map2 = affine_map<(d0, d1) -> (0, 0, 0)>
module attributes {stable_mosaic.version = 14 : i64} {
  func.func @agg_kernel(%arg0: i32, %arg1: i32, %arg2: memref<10000x128xf32, #tpu.memory_space<hbm>>, %arg3: memref<323712xi32, #tpu.memory_space<hbm>>, %arg4: memref<323584xi32, #tpu.memory_space<hbm>>, %arg5: memref<2x10000x128xf32, #tpu.memory_space<hbm>>, %arg6: memref<16192xi32, #tpu.memory_space<vmem>>, %arg7: memref<16128xi32, #tpu.memory_space<vmem>>, %arg8: memref<64x128xf32, #tpu.memory_space<vmem>>, %arg9: memref<64x128xf32, #tpu.memory_space<vmem>>, %arg10: memref<10112x128xf32, #tpu.memory_space<vmem_shared>>, %arg11: memref<!tpu.dma_semaphore, #tpu.memory_space<semaphore_mem>>, %arg12: memref<!tpu.dma_semaphore, #tpu.memory_space<semaphore_mem>>) attributes {dimension_semantics = [#tpu.dimension_semantics<core_parallel>, #tpu.dimension_semantics<subcore_parallel>], iteration_bounds = array<i64: 2, 16>, scalar_prefetch = 0 : i64, scratch_operands = 7 : i64, tpu.core_type = #tpu.core_type<sc_vector_subcore>, window_params = [{transform_indices = #map}, {transform_indices = #map1}, {transform_indices = #map1}, {transform_indices = #map2}]} {
    %eq3A = arith.constant 0 : i32
    %eq3A_0 = arith.cmpi eq, %arg0, %eq3A : i32
    %mul3A = arith.constant 4096 : i32
    %mul3A_1 = arith.muli %arg1, %mul3A : i32
    %mul3A_2 = arith.constant 16128 : i32
    %mul3A_3 = arith.muli %arg1, %mul3A_2 : i32
    %add3A = arith.constant 65536 : i32
    %add3A_4 = arith.addi %add3A, %mul3A_3 : i32
    %select_n3A = arith.select %eq3A_0, %mul3A_1, %add3A_4 : i32
    "tpu.region"() ({
      %run_scoped3A = tpu.sem_alloc : memref<!tpu.dma_semaphore, #tpu.memory_space<semaphore_mem>>
      %dma_start3A = tpu.memref_slice %arg3[%select_n3A] : memref<323712xi32, #tpu.memory_space<hbm>> -> memref<16192xi32, #tpu.memory_space<hbm>>
      %dma_start3A_63 = tpu.memref_slice %arg3[%select_n3A] : memref<323712xi32, #tpu.memory_space<hbm>> -> memref<16192xi32, #tpu.memory_space<hbm>>
      tpu.enqueue_dma source(%dma_start3A_63 : memref<16192xi32, #tpu.memory_space<hbm>>) target(%arg6 : memref<16192xi32, #tpu.memory_space<vmem>>) target_semaphore(%run_scoped3A : memref<!tpu.dma_semaphore, #tpu.memory_space<semaphore_mem>>)
      %dma_wait3A = tpu.memref_slice %arg3[%select_n3A] : memref<323712xi32, #tpu.memory_space<hbm>> -> memref<16192xi32, #tpu.memory_space<hbm>>
      %dma_wait3A_64 = tpu.memref_slice %arg3[%select_n3A] : memref<323712xi32, #tpu.memory_space<hbm>> -> memref<16192xi32, #tpu.memory_space<hbm>>
      tpu.wait_dma2 semaphore(%run_scoped3A : memref<!tpu.dma_semaphore, #tpu.memory_space<semaphore_mem>>) src(%dma_wait3A_64 : memref<16192xi32, #tpu.memory_space<hbm>>) dst(%arg6 : memref<16192xi32, #tpu.memory_space<vmem>>)
      tpu.yield
    }) : () -> ()
    "tpu.region"() ({
      %run_scoped3A = tpu.sem_alloc : memref<!tpu.dma_semaphore, #tpu.memory_space<semaphore_mem>>
      %dma_start3A = tpu.memref_slice %arg4[%select_n3A] : memref<323584xi32, #tpu.memory_space<hbm>> -> memref<16128xi32, #tpu.memory_space<hbm>>
      %dma_start3A_63 = tpu.memref_slice %arg4[%select_n3A] : memref<323584xi32, #tpu.memory_space<hbm>> -> memref<16128xi32, #tpu.memory_space<hbm>>
      tpu.enqueue_dma source(%dma_start3A_63 : memref<16128xi32, #tpu.memory_space<hbm>>) target(%arg7 : memref<16128xi32, #tpu.memory_space<vmem>>) target_semaphore(%run_scoped3A : memref<!tpu.dma_semaphore, #tpu.memory_space<semaphore_mem>>)
      %dma_wait3A = tpu.memref_slice %arg4[%select_n3A] : memref<323584xi32, #tpu.memory_space<hbm>> -> memref<16128xi32, #tpu.memory_space<hbm>>
      %dma_wait3A_64 = tpu.memref_slice %arg4[%select_n3A] : memref<323584xi32, #tpu.memory_space<hbm>> -> memref<16128xi32, #tpu.memory_space<hbm>>
      tpu.wait_dma2 semaphore(%run_scoped3A : memref<!tpu.dma_semaphore, #tpu.memory_space<semaphore_mem>>) src(%dma_wait3A_64 : memref<16128xi32, #tpu.memory_space<hbm>>) dst(%arg7 : memref<16128xi32, #tpu.memory_space<vmem>>)
      tpu.yield
    }) : () -> ()
    %scan3A = arith.constant 0 : i32
    %scan3A_5 = arith.constant 0 : i32
    %scan3A_6 = arith.constant 64 : i32
    %scan3A_7 = arith.addi %scan3A_5, %scan3A_6 : i32
    %scan3A_8 = arith.constant 1 : i32
    scf.for %scan3A_63 = %scan3A_5 to %scan3A_7 step %scan3A_8  : i32 {
      %broadcast_in_dim3A = arith.constant 0.000000e+00 : f32
      %broadcast_in_dim3A_64 = vector.broadcast %broadcast_in_dim3A : f32 to vector<16xf32>
      %swap3A = arith.index_cast %scan3A_63 : i32 to index
      %swap3A_65 = arith.constant 0 : index
      %swap3A_66 = tpu.vector_load %arg8[%swap3A, %swap3A_65] {strides = array<i32>} : memref<64x128xf32, #tpu.memory_space<vmem>>, vector<1x16xf32>,
      %swap3A_67 = vector.shape_cast %swap3A_66 : vector<1x16xf32> to vector<16xf32>
      %swap3A_68 = vector.shape_cast %broadcast_in_dim3A_64 : vector<16xf32> to vector<1x16xf32>
      tpu.vector_store %arg8[%swap3A, %swap3A_65], %swap3A_68 {strides = array<i32>} : memref<64x128xf32, #tpu.memory_space<vmem>>, vector<1x16xf32>,
      %broadcast_in_dim3A_69 = arith.constant 0.000000e+00 : f32
      %broadcast_in_dim3A_70 = vector.broadcast %broadcast_in_dim3A_69 : f32 to vector<16xf32>
      %swap3A_71 = arith.index_cast %scan3A_63 : i32 to index
      %swap3A_72 = arith.constant 16 : index
      %swap3A_73 = tpu.vector_load %arg8[%swap3A_71, %swap3A_72] {strides = array<i32>} : memref<64x128xf32, #tpu.memory_space<vmem>>, vector<1x16xf32>,
      %swap3A_74 = vector.shape_cast %swap3A_73 : vector<1x16xf32> to vector<16xf32>
      %swap3A_75 = vector.shape_cast %broadcast_in_dim3A_70 : vector<16xf32> to vector<1x16xf32>
      tpu.vector_store %arg8[%swap3A_71, %swap3A_72], %swap3A_75 {strides = array<i32>} : memref<64x128xf32, #tpu.memory_space<vmem>>, vector<1x16xf32>,
      %broadcast_in_dim3A_76 = arith.constant 0.000000e+00 : f32
      %broadcast_in_dim3A_77 = vector.broadcast %broadcast_in_dim3A_76 : f32 to vector<16xf32>
      %swap3A_78 = arith.index_cast %scan3A_63 : i32 to index
      %swap3A_79 = arith.constant 32 : index
      %swap3A_80 = tpu.vector_load %arg8[%swap3A_78, %swap3A_79] {strides = array<i32>} : memref<64x128xf32, #tpu.memory_space<vmem>>, vector<1x16xf32>,
      %swap3A_81 = vector.shape_cast %swap3A_80 : vector<1x16xf32> to vector<16xf32>
      %swap3A_82 = vector.shape_cast %broadcast_in_dim3A_77 : vector<16xf32> to vector<1x16xf32>
      tpu.vector_store %arg8[%swap3A_78, %swap3A_79], %swap3A_82 {strides = array<i32>} : memref<64x128xf32, #tpu.memory_space<vmem>>, vector<1x16xf32>,
      %broadcast_in_dim3A_83 = arith.constant 0.000000e+00 : f32
      %broadcast_in_dim3A_84 = vector.broadcast %broadcast_in_dim3A_83 : f32 to vector<16xf32>
      %swap3A_85 = arith.index_cast %scan3A_63 : i32 to index
      %swap3A_86 = arith.constant 48 : index
      %swap3A_87 = tpu.vector_load %arg8[%swap3A_85, %swap3A_86] {strides = array<i32>} : memref<64x128xf32, #tpu.memory_space<vmem>>, vector<1x16xf32>,
      %swap3A_88 = vector.shape_cast %swap3A_87 : vector<1x16xf32> to vector<16xf32>
      %swap3A_89 = vector.shape_cast %broadcast_in_dim3A_84 : vector<16xf32> to vector<1x16xf32>
      tpu.vector_store %arg8[%swap3A_85, %swap3A_86], %swap3A_89 {strides = array<i32>} : memref<64x128xf32, #tpu.memory_space<vmem>>, vector<1x16xf32>,
      %broadcast_in_dim3A_90 = arith.constant 0.000000e+00 : f32
      %broadcast_in_dim3A_91 = vector.broadcast %broadcast_in_dim3A_90 : f32 to vector<16xf32>
      %swap3A_92 = arith.index_cast %scan3A_63 : i32 to index
      %swap3A_93 = arith.constant 64 : index
      %swap3A_94 = tpu.vector_load %arg8[%swap3A_92, %swap3A_93] {strides = array<i32>} : memref<64x128xf32, #tpu.memory_space<vmem>>, vector<1x16xf32>,
      %swap3A_95 = vector.shape_cast %swap3A_94 : vector<1x16xf32> to vector<16xf32>
      %swap3A_96 = vector.shape_cast %broadcast_in_dim3A_91 : vector<16xf32> to vector<1x16xf32>
      tpu.vector_store %arg8[%swap3A_92, %swap3A_93], %swap3A_96 {strides = array<i32>} : memref<64x128xf32, #tpu.memory_space<vmem>>, vector<1x16xf32>,
      %broadcast_in_dim3A_97 = arith.constant 0.000000e+00 : f32
      %broadcast_in_dim3A_98 = vector.broadcast %broadcast_in_dim3A_97 : f32 to vector<16xf32>
      %swap3A_99 = arith.index_cast %scan3A_63 : i32 to index
      %swap3A_100 = arith.constant 80 : index
      %swap3A_101 = tpu.vector_load %arg8[%swap3A_99, %swap3A_100] {strides = array<i32>} : memref<64x128xf32, #tpu.memory_space<vmem>>, vector<1x16xf32>,
      %swap3A_102 = vector.shape_cast %swap3A_101 : vector<1x16xf32> to vector<16xf32>
      %swap3A_103 = vector.shape_cast %broadcast_in_dim3A_98 : vector<16xf32> to vector<1x16xf32>
      tpu.vector_store %arg8[%swap3A_99, %swap3A_100], %swap3A_103 {strides = array<i32>} : memref<64x128xf32, #tpu.memory_space<vmem>>, vector<1x16xf32>,
      %broadcast_in_dim3A_104 = arith.constant 0.000000e+00 : f32
      %broadcast_in_dim3A_105 = vector.broadcast %broadcast_in_dim3A_104 : f32 to vector<16xf32>
      %swap3A_106 = arith.index_cast %scan3A_63 : i32 to index
      %swap3A_107 = arith.constant 96 : index
      %swap3A_108 = tpu.vector_load %arg8[%swap3A_106, %swap3A_107] {strides = array<i32>} : memref<64x128xf32, #tpu.memory_space<vmem>>, vector<1x16xf32>,
      %swap3A_109 = vector.shape_cast %swap3A_108 : vector<1x16xf32> to vector<16xf32>
      %swap3A_110 = vector.shape_cast %broadcast_in_dim3A_105 : vector<16xf32> to vector<1x16xf32>
      tpu.vector_store %arg8[%swap3A_106, %swap3A_107], %swap3A_110 {strides = array<i32>} : memref<64x128xf32, #tpu.memory_space<vmem>>, vector<1x16xf32>,
      %broadcast_in_dim3A_111 = arith.constant 0.000000e+00 : f32
      %broadcast_in_dim3A_112 = vector.broadcast %broadcast_in_dim3A_111 : f32 to vector<16xf32>
      %swap3A_113 = arith.index_cast %scan3A_63 : i32 to index
      %swap3A_114 = arith.constant 112 : index
      %swap3A_115 = tpu.vector_load %arg8[%swap3A_113, %swap3A_114] {strides = array<i32>} : memref<64x128xf32, #tpu.memory_space<vmem>>, vector<1x16xf32>,
      %swap3A_116 = vector.shape_cast %swap3A_115 : vector<1x16xf32> to vector<16xf32>
      %swap3A_117 = vector.shape_cast %broadcast_in_dim3A_112 : vector<16xf32> to vector<1x16xf32>
      tpu.vector_store %arg8[%swap3A_113, %swap3A_114], %swap3A_117 {strides = array<i32>} : memref<64x128xf32, #tpu.memory_space<vmem>>, vector<1x16xf32>,
    }
    %scan3A_9 = arith.constant 64 : i32
    %mul3A_10 = arith.constant 632 : i32
    %mul3A_11 = arith.muli %arg1, %mul3A_10 : i32
    %add3A_12 = arith.constant 0 : i32
    %add3A_13 = arith.addi %mul3A_11, %add3A_12 : i32
    "tpu.region"() ({
      %run_scoped3A = tpu.sem_alloc : memref<!tpu.dma_semaphore, #tpu.memory_space<semaphore_mem>>
      %dma_start3A = arith.constant 0 : i32
      %dma_start3A_63 = arith.constant 0 : i32
      %dma_start3A_64 = tpu.memref_slice %arg8[%dma_start3A, %dma_start3A_63] : memref<64x128xf32, #tpu.memory_space<vmem>> -> memref<64x128xf32, #tpu.memory_space<vmem>>
      %dma_start3A_65 = arith.constant 0 : i32
      %dma_start3A_66 = tpu.memref_slice %arg10[%add3A_13, %dma_start3A_65] : memref<10112x128xf32, #tpu.memory_space<vmem_shared>> -> memref<64x128xf32, #tpu.memory_space<vmem_shared>>
      %dma_start3A_67 = arith.constant 0 : i32
      %dma_start3A_68 = tpu.memref_slice %arg10[%add3A_13, %dma_start3A_67] : memref<10112x128xf32, #tpu.memory_space<vmem_shared>> -> memref<64x128xf32, #tpu.memory_space<vmem_shared>>
      %dma_start3A_69 = arith.constant 0 : i32
      %dma_start3A_70 = arith.constant 0 : i32
      %dma_start3A_71 = tpu.memref_slice %arg8[%dma_start3A_69, %dma_start3A_70] : memref<64x128xf32, #tpu.memory_space<vmem>> -> memref<64x128xf32, #tpu.memory_space<vmem>>
      tpu.enqueue_dma source(%dma_start3A_71 : memref<64x128xf32, #tpu.memory_space<vmem>>) target(%dma_start3A_68 : memref<64x128xf32, #tpu.memory_space<vmem_shared>>) target_semaphore(%run_scoped3A : memref<!tpu.dma_semaphore, #tpu.memory_space<semaphore_mem>>)
      %dma_wait3A = arith.constant 0 : i32
      %dma_wait3A_72 = arith.constant 0 : i32
      %dma_wait3A_73 = tpu.memref_slice %arg8[%dma_wait3A, %dma_wait3A_72] : memref<64x128xf32, #tpu.memory_space<vmem>> -> memref<64x128xf32, #tpu.memory_space<vmem>>
      %dma_wait3A_74 = arith.constant 0 : i32
      %dma_wait3A_75 = tpu.memref_slice %arg10[%add3A_13, %dma_wait3A_74] : memref<10112x128xf32, #tpu.memory_space<vmem_shared>> -> memref<64x128xf32, #tpu.memory_space<vmem_shared>>
      %dma_wait3A_76 = arith.constant 0 : i32
      %dma_wait3A_77 = tpu.memref_slice %arg10[%add3A_13, %dma_wait3A_76] : memref<10112x128xf32, #tpu.memory_space<vmem_shared>> -> memref<64x128xf32, #tpu.memory_space<vmem_shared>>
      %dma_wait3A_78 = arith.constant 0 : i32
      %dma_wait3A_79 = arith.constant 0 : i32
      %dma_wait3A_80 = tpu.memref_slice %arg8[%dma_wait3A_78, %dma_wait3A_79] : memref<64x128xf32, #tpu.memory_space<vmem>> -> memref<64x128xf32, #tpu.memory_space<vmem>>
      tpu.wait_dma2 semaphore(%run_scoped3A : memref<!tpu.dma_semaphore, #tpu.memory_space<semaphore_mem>>) src(%dma_wait3A_80 : memref<64x128xf32, #tpu.memory_space<vmem>>) dst(%dma_wait3A_77 : memref<64x128xf32, #tpu.memory_space<vmem_shared>>)
      tpu.yield
    }) : () -> ()
    %mul3A_14 = arith.constant 632 : i32
    %mul3A_15 = arith.muli %arg1, %mul3A_14 : i32
    %add3A_16 = arith.constant 64 : i32
    %add3A_17 = arith.addi %mul3A_15, %add3A_16 : i32
    "tpu.region"() ({
      %run_scoped3A = tpu.sem_alloc : memref<!tpu.dma_semaphore, #tpu.memory_space<semaphore_mem>>
      %dma_start3A = arith.constant 0 : i32
      %dma_start3A_63 = arith.constant 0 : i32
      %dma_start3A_64 = tpu.memref_slice %arg8[%dma_start3A, %dma_start3A_63] : memref<64x128xf32, #tpu.memory_space<vmem>> -> memref<64x128xf32, #tpu.memory_space<vmem>>
      %dma_start3A_65 = arith.constant 0 : i32
      %dma_start3A_66 = tpu.memref_slice %arg10[%add3A_17, %dma_start3A_65] : memref<10112x128xf32, #tpu.memory_space<vmem_shared>> -> memref<64x128xf32, #tpu.memory_space<vmem_shared>>
      %dma_start3A_67 = arith.constant 0 : i32
      %dma_start3A_68 = tpu.memref_slice %arg10[%add3A_17, %dma_start3A_67] : memref<10112x128xf32, #tpu.memory_space<vmem_shared>> -> memref<64x128xf32, #tpu.memory_space<vmem_shared>>
      %dma_start3A_69 = arith.constant 0 : i32
      %dma_start3A_70 = arith.constant 0 : i32
      %dma_start3A_71 = tpu.memref_slice %arg8[%dma_start3A_69, %dma_start3A_70] : memref<64x128xf32, #tpu.memory_space<vmem>> -> memref<64x128xf32, #tpu.memory_space<vmem>>
      tpu.enqueue_dma source(%dma_start3A_71 : memref<64x128xf32, #tpu.memory_space<vmem>>) target(%dma_start3A_68 : memref<64x128xf32, #tpu.memory_space<vmem_shared>>) target_semaphore(%run_scoped3A : memref<!tpu.dma_semaphore, #tpu.memory_space<semaphore_mem>>)
      %dma_wait3A = arith.constant 0 : i32
      %dma_wait3A_72 = arith.constant 0 : i32
      %dma_wait3A_73 = tpu.memref_slice %arg8[%dma_wait3A, %dma_wait3A_72] : memref<64x128xf32, #tpu.memory_space<vmem>> -> memref<64x128xf32, #tpu.memory_space<vmem>>
      %dma_wait3A_74 = arith.constant 0 : i32
      %dma_wait3A_75 = tpu.memref_slice %arg10[%add3A_17, %dma_wait3A_74] : memref<10112x128xf32, #tpu.memory_space<vmem_shared>> -> memref<64x128xf32, #tpu.memory_space<vmem_shared>>
      %dma_wait3A_76 = arith.constant 0 : i32
      %dma_wait3A_77 = tpu.memref_slice %arg10[%add3A_17, %dma_wait3A_76] : memref<10112x128xf32, #tpu.memory_space<vmem_shared>> -> memref<64x128xf32, #tpu.memory_space<vmem_shared>>
      %dma_wait3A_78 = arith.constant 0 : i32
      %dma_wait3A_79 = arith.constant 0 : i32
      %dma_wait3A_80 = tpu.memref_slice %arg8[%dma_wait3A_78, %dma_wait3A_79] : memref<64x128xf32, #tpu.memory_space<vmem>> -> memref<64x128xf32, #tpu.memory_space<vmem>>
      tpu.wait_dma2 semaphore(%run_scoped3A : memref<!tpu.dma_semaphore, #tpu.memory_space<semaphore_mem>>) src(%dma_wait3A_80 : memref<64x128xf32, #tpu.memory_space<vmem>>) dst(%dma_wait3A_77 : memref<64x128xf32, #tpu.memory_space<vmem_shared>>)
      tpu.yield
    }) : () -> ()
    %mul3A_18 = arith.constant 632 : i32
    %mul3A_19 = arith.muli %arg1, %mul3A_18 : i32
    %add3A_20 = arith.constant 128 : i32
    %add3A_21 = arith.addi %mul3A_19, %add3A_20 : i32
    "tpu.region"() ({
      %run_scoped3A = tpu.sem_alloc : memref<!tpu.dma_semaphore, #tpu.memory_space<semaphore_mem>>
      %dma_start3A = arith.constant 0 : i32
      %dma_start3A_63 = arith.constant 0 : i32
      %dma_start3A_64 = tpu.memref_slice %arg8[%dma_start3A, %dma_start3A_63] : memref<64x128xf32, #tpu.memory_space<vmem>> -> memref<64x128xf32, #tpu.memory_space<vmem>>
      %dma_start3A_65 = arith.constant 0 : i32
      %dma_start3A_66 = tpu.memref_slice %arg10[%add3A_21, %dma_start3A_65] : memref<10112x128xf32, #tpu.memory_space<vmem_shared>> -> memref<64x128xf32, #tpu.memory_space<vmem_shared>>
      %dma_start3A_67 = arith.constant 0 : i32
      %dma_start3A_68 = tpu.memref_slice %arg10[%add3A_21, %dma_start3A_67] : memref<10112x128xf32, #tpu.memory_space<vmem_shared>> -> memref<64x128xf32, #tpu.memory_space<vmem_shared>>
      %dma_start3A_69 = arith.constant 0 : i32
      %dma_start3A_70 = arith.constant 0 : i32
      %dma_start3A_71 = tpu.memref_slice %arg8[%dma_start3A_69, %dma_start3A_70] : memref<64x128xf32, #tpu.memory_space<vmem>> -> memref<64x128xf32, #tpu.memory_space<vmem>>
      tpu.enqueue_dma source(%dma_start3A_71 : memref<64x128xf32, #tpu.memory_space<vmem>>) target(%dma_start3A_68 : memref<64x128xf32, #tpu.memory_space<vmem_shared>>) target_semaphore(%run_scoped3A : memref<!tpu.dma_semaphore, #tpu.memory_space<semaphore_mem>>)
      %dma_wait3A = arith.constant 0 : i32
      %dma_wait3A_72 = arith.constant 0 : i32
      %dma_wait3A_73 = tpu.memref_slice %arg8[%dma_wait3A, %dma_wait3A_72] : memref<64x128xf32, #tpu.memory_space<vmem>> -> memref<64x128xf32, #tpu.memory_space<vmem>>
      %dma_wait3A_74 = arith.constant 0 : i32
      %dma_wait3A_75 = tpu.memref_slice %arg10[%add3A_21, %dma_wait3A_74] : memref<10112x128xf32, #tpu.memory_space<vmem_shared>> -> memref<64x128xf32, #tpu.memory_space<vmem_shared>>
      %dma_wait3A_76 = arith.constant 0 : i32
      %dma_wait3A_77 = tpu.memref_slice %arg10[%add3A_21, %dma_wait3A_76] : memref<10112x128xf32, #tpu.memory_space<vmem_shared>> -> memref<64x128xf32, #tpu.memory_space<vmem_shared>>
      %dma_wait3A_78 = arith.constant 0 : i32
      %dma_wait3A_79 = arith.constant 0 : i32
      %dma_wait3A_80 = tpu.memref_slice %arg8[%dma_wait3A_78, %dma_wait3A_79] : memref<64x128xf32, #tpu.memory_space<vmem>> -> memref<64x128xf32, #tpu.memory_space<vmem>>
      tpu.wait_dma2 semaphore(%run_scoped3A : memref<!tpu.dma_semaphore, #tpu.memory_space<semaphore_mem>>) src(%dma_wait3A_80 : memref<64x128xf32, #tpu.memory_space<vmem>>) dst(%dma_wait3A_77 : memref<64x128xf32, #tpu.memory_space<vmem_shared>>)
      tpu.yield
    }) : () -> ()
    %mul3A_22 = arith.constant 632 : i32
    %mul3A_23 = arith.muli %arg1, %mul3A_22 : i32
    %add3A_24 = arith.constant 192 : i32
    %add3A_25 = arith.addi %mul3A_23, %add3A_24 : i32
    "tpu.region"() ({
      %run_scoped3A = tpu.sem_alloc : memref<!tpu.dma_semaphore, #tpu.memory_space<semaphore_mem>>
      %dma_start3A = arith.constant 0 : i32
      %dma_start3A_63 = arith.constant 0 : i32
      %dma_start3A_64 = tpu.memref_slice %arg8[%dma_start3A, %dma_start3A_63] : memref<64x128xf32, #tpu.memory_space<vmem>> -> memref<64x128xf32, #tpu.memory_space<vmem>>
      %dma_start3A_65 = arith.constant 0 : i32
      %dma_start3A_66 = tpu.memref_slice %arg10[%add3A_25, %dma_start3A_65] : memref<10112x128xf32, #tpu.memory_space<vmem_shared>> -> memref<64x128xf32, #tpu.memory_space<vmem_shared>>
      %dma_start3A_67 = arith.constant 0 : i32
      %dma_start3A_68 = tpu.memref_slice %arg10[%add3A_25, %dma_start3A_67] : memref<10112x128xf32, #tpu.memory_space<vmem_shared>> -> memref<64x128xf32, #tpu.memory_space<vmem_shared>>
      %dma_start3A_69 = arith.constant 0 : i32
      %dma_start3A_70 = arith.constant 0 : i32
      %dma_start3A_71 = tpu.memref_slice %arg8[%dma_start3A_69, %dma_start3A_70] : memref<64x128xf32, #tpu.memory_space<vmem>> -> memref<64x128xf32, #tpu.memory_space<vmem>>
      tpu.enqueue_dma source(%dma_start3A_71 : memref<64x128xf32, #tpu.memory_space<vmem>>) target(%dma_start3A_68 : memref<64x128xf32, #tpu.memory_space<vmem_shared>>) target_semaphore(%run_scoped3A : memref<!tpu.dma_semaphore, #tpu.memory_space<semaphore_mem>>)
      %dma_wait3A = arith.constant 0 : i32
      %dma_wait3A_72 = arith.constant 0 : i32
      %dma_wait3A_73 = tpu.memref_slice %arg8[%dma_wait3A, %dma_wait3A_72] : memref<64x128xf32, #tpu.memory_space<vmem>> -> memref<64x128xf32, #tpu.memory_space<vmem>>
      %dma_wait3A_74 = arith.constant 0 : i32
      %dma_wait3A_75 = tpu.memref_slice %arg10[%add3A_25, %dma_wait3A_74] : memref<10112x128xf32, #tpu.memory_space<vmem_shared>> -> memref<64x128xf32, #tpu.memory_space<vmem_shared>>
      %dma_wait3A_76 = arith.constant 0 : i32
      %dma_wait3A_77 = tpu.memref_slice %arg10[%add3A_25, %dma_wait3A_76] : memref<10112x128xf32, #tpu.memory_space<vmem_shared>> -> memref<64x128xf32, #tpu.memory_space<vmem_shared>>
      %dma_wait3A_78 = arith.constant 0 : i32
      %dma_wait3A_79 = arith.constant 0 : i32
      %dma_wait3A_80 = tpu.memref_slice %arg8[%dma_wait3A_78, %dma_wait3A_79] : memref<64x128xf32, #tpu.memory_space<vmem>> -> memref<64x128xf32, #tpu.memory_space<vmem>>
      tpu.wait_dma2 semaphore(%run_scoped3A : memref<!tpu.dma_semaphore, #tpu.memory_space<semaphore_mem>>) src(%dma_wait3A_80 : memref<64x128xf32, #tpu.memory_space<vmem>>) dst(%dma_wait3A_77 : memref<64x128xf32, #tpu.memory_space<vmem_shared>>)
      tpu.yield
    }) : () -> ()
    %mul3A_26 = arith.constant 632 : i32
    %mul3A_27 = arith.muli %arg1, %mul3A_26 : i32
    %add3A_28 = arith.constant 256 : i32
    %add3A_29 = arith.addi %mul3A_27, %add3A_28 : i32
    "tpu.region"() ({
      %run_scoped3A = tpu.sem_alloc : memref<!tpu.dma_semaphore, #tpu.memory_space<semaphore_mem>>
      %dma_start3A = arith.constant 0 : i32
      %dma_start3A_63 = arith.constant 0 : i32
      %dma_start3A_64 = tpu.memref_slice %arg8[%dma_start3A, %dma_start3A_63] : memref<64x128xf32, #tpu.memory_space<vmem>> -> memref<64x128xf32, #tpu.memory_space<vmem>>
      %dma_start3A_65 = arith.constant 0 : i32
      %dma_start3A_66 = tpu.memref_slice %arg10[%add3A_29, %dma_start3A_65] : memref<10112x128xf32, #tpu.memory_space<vmem_shared>> -> memref<64x128xf32, #tpu.memory_space<vmem_shared>>
      %dma_start3A_67 = arith.constant 0 : i32
      %dma_start3A_68 = tpu.memref_slice %arg10[%add3A_29, %dma_start3A_67] : memref<10112x128xf32, #tpu.memory_space<vmem_shared>> -> memref<64x128xf32, #tpu.memory_space<vmem_shared>>
      %dma_start3A_69 = arith.constant 0 : i32
      %dma_start3A_70 = arith.constant 0 : i32
      %dma_start3A_71 = tpu.memref_slice %arg8[%dma_start3A_69, %dma_start3A_70] : memref<64x128xf32, #tpu.memory_space<vmem>> -> memref<64x128xf32, #tpu.memory_space<vmem>>
      tpu.enqueue_dma source(%dma_start3A_71 : memref<64x128xf32, #tpu.memory_space<vmem>>) target(%dma_start3A_68 : memref<64x128xf32, #tpu.memory_space<vmem_shared>>) target_semaphore(%run_scoped3A : memref<!tpu.dma_semaphore, #tpu.memory_space<semaphore_mem>>)
      %dma_wait3A = arith.constant 0 : i32
      %dma_wait3A_72 = arith.constant 0 : i32
      %dma_wait3A_73 = tpu.memref_slice %arg8[%dma_wait3A, %dma_wait3A_72] : memref<64x128xf32, #tpu.memory_space<vmem>> -> memref<64x128xf32, #tpu.memory_space<vmem>>
      %dma_wait3A_74 = arith.constant 0 : i32
      %dma_wait3A_75 = tpu.memref_slice %arg10[%add3A_29, %dma_wait3A_74] : memref<10112x128xf32, #tpu.memory_space<vmem_shared>> -> memref<64x128xf32, #tpu.memory_space<vmem_shared>>
      %dma_wait3A_76 = arith.constant 0 : i32
      %dma_wait3A_77 = tpu.memref_slice %arg10[%add3A_29, %dma_wait3A_76] : memref<10112x128xf32, #tpu.memory_space<vmem_shared>> -> memref<64x128xf32, #tpu.memory_space<vmem_shared>>
      %dma_wait3A_78 = arith.constant 0 : i32
      %dma_wait3A_79 = arith.constant 0 : i32
      %dma_wait3A_80 = tpu.memref_slice %arg8[%dma_wait3A_78, %dma_wait3A_79] : memref<64x128xf32, #tpu.memory_space<vmem>> -> memref<64x128xf32, #tpu.memory_space<vmem>>
      tpu.wait_dma2 semaphore(%run_scoped3A : memref<!tpu.dma_semaphore, #tpu.memory_space<semaphore_mem>>) src(%dma_wait3A_80 : memref<64x128xf32, #tpu.memory_space<vmem>>) dst(%dma_wait3A_77 : memref<64x128xf32, #tpu.memory_space<vmem_shared>>)
      tpu.yield
    }) : () -> ()
    %mul3A_30 = arith.constant 632 : i32
    %mul3A_31 = arith.muli %arg1, %mul3A_30 : i32
    %add3A_32 = arith.constant 320 : i32
    %add3A_33 = arith.addi %mul3A_31, %add3A_32 : i32
    "tpu.region"() ({
      %run_scoped3A = tpu.sem_alloc : memref<!tpu.dma_semaphore, #tpu.memory_space<semaphore_mem>>
      %dma_start3A = arith.constant 0 : i32
      %dma_start3A_63 = arith.constant 0 : i32
      %dma_start3A_64 = tpu.memref_slice %arg8[%dma_start3A, %dma_start3A_63] : memref<64x128xf32, #tpu.memory_space<vmem>> -> memref<64x128xf32, #tpu.memory_space<vmem>>
      %dma_start3A_65 = arith.constant 0 : i32
      %dma_start3A_66 = tpu.memref_slice %arg10[%add3A_33, %dma_start3A_65] : memref<10112x128xf32, #tpu.memory_space<vmem_shared>> -> memref<64x128xf32, #tpu.memory_space<vmem_shared>>
      %dma_start3A_67 = arith.constant 0 : i32
      %dma_start3A_68 = tpu.memref_slice %arg10[%add3A_33, %dma_start3A_67] : memref<10112x128xf32, #tpu.memory_space<vmem_shared>> -> memref<64x128xf32, #tpu.memory_space<vmem_shared>>
      %dma_start3A_69 = arith.constant 0 : i32
      %dma_start3A_70 = arith.constant 0 : i32
      %dma_start3A_71 = tpu.memref_slice %arg8[%dma_start3A_69, %dma_start3A_70] : memref<64x128xf32, #tpu.memory_space<vmem>> -> memref<64x128xf32, #tpu.memory_space<vmem>>
      tpu.enqueue_dma source(%dma_start3A_71 : memref<64x128xf32, #tpu.memory_space<vmem>>) target(%dma_start3A_68 : memref<64x128xf32, #tpu.memory_space<vmem_shared>>) target_semaphore(%run_scoped3A : memref<!tpu.dma_semaphore, #tpu.memory_space<semaphore_mem>>)
      %dma_wait3A = arith.constant 0 : i32
      %dma_wait3A_72 = arith.constant 0 : i32
      %dma_wait3A_73 = tpu.memref_slice %arg8[%dma_wait3A, %dma_wait3A_72] : memref<64x128xf32, #tpu.memory_space<vmem>> -> memref<64x128xf32, #tpu.memory_space<vmem>>
      %dma_wait3A_74 = arith.constant 0 : i32
      %dma_wait3A_75 = tpu.memref_slice %arg10[%add3A_33, %dma_wait3A_74] : memref<10112x128xf32, #tpu.memory_space<vmem_shared>> -> memref<64x128xf32, #tpu.memory_space<vmem_shared>>
      %dma_wait3A_76 = arith.constant 0 : i32
      %dma_wait3A_77 = tpu.memref_slice %arg10[%add3A_33, %dma_wait3A_76] : memref<10112x128xf32, #tpu.memory_space<vmem_shared>> -> memref<64x128xf32, #tpu.memory_space<vmem_shared>>
      %dma_wait3A_78 = arith.constant 0 : i32
      %dma_wait3A_79 = arith.constant 0 : i32
      %dma_wait3A_80 = tpu.memref_slice %arg8[%dma_wait3A_78, %dma_wait3A_79] : memref<64x128xf32, #tpu.memory_space<vmem>> -> memref<64x128xf32, #tpu.memory_space<vmem>>
      tpu.wait_dma2 semaphore(%run_scoped3A : memref<!tpu.dma_semaphore, #tpu.memory_space<semaphore_mem>>) src(%dma_wait3A_80 : memref<64x128xf32, #tpu.memory_space<vmem>>) dst(%dma_wait3A_77 : memref<64x128xf32, #tpu.memory_space<vmem_shared>>)
      tpu.yield
    }) : () -> ()
    %mul3A_34 = arith.constant 632 : i32
    %mul3A_35 = arith.muli %arg1, %mul3A_34 : i32
    %add3A_36 = arith.constant 384 : i32
    %add3A_37 = arith.addi %mul3A_35, %add3A_36 : i32
    "tpu.region"() ({
      %run_scoped3A = tpu.sem_alloc : memref<!tpu.dma_semaphore, #tpu.memory_space<semaphore_mem>>
      %dma_start3A = arith.constant 0 : i32
      %dma_start3A_63 = arith.constant 0 : i32
      %dma_start3A_64 = tpu.memref_slice %arg8[%dma_start3A, %dma_start3A_63] : memref<64x128xf32, #tpu.memory_space<vmem>> -> memref<64x128xf32, #tpu.memory_space<vmem>>
      %dma_start3A_65 = arith.constant 0 : i32
      %dma_start3A_66 = tpu.memref_slice %arg10[%add3A_37, %dma_start3A_65] : memref<10112x128xf32, #tpu.memory_space<vmem_shared>> -> memref<64x128xf32, #tpu.memory_space<vmem_shared>>
      %dma_start3A_67 = arith.constant 0 : i32
      %dma_start3A_68 = tpu.memref_slice %arg10[%add3A_37, %dma_start3A_67] : memref<10112x128xf32, #tpu.memory_space<vmem_shared>> -> memref<64x128xf32, #tpu.memory_space<vmem_shared>>
      %dma_start3A_69 = arith.constant 0 : i32
      %dma_start3A_70 = arith.constant 0 : i32
      %dma_start3A_71 = tpu.memref_slice %arg8[%dma_start3A_69, %dma_start3A_70] : memref<64x128xf32, #tpu.memory_space<vmem>> -> memref<64x128xf32, #tpu.memory_space<vmem>>
      tpu.enqueue_dma source(%dma_start3A_71 : memref<64x128xf32, #tpu.memory_space<vmem>>) target(%dma_start3A_68 : memref<64x128xf32, #tpu.memory_space<vmem_shared>>) target_semaphore(%run_scoped3A : memref<!tpu.dma_semaphore, #tpu.memory_space<semaphore_mem>>)
      %dma_wait3A = arith.constant 0 : i32
      %dma_wait3A_72 = arith.constant 0 : i32
      %dma_wait3A_73 = tpu.memref_slice %arg8[%dma_wait3A, %dma_wait3A_72] : memref<64x128xf32, #tpu.memory_space<vmem>> -> memref<64x128xf32, #tpu.memory_space<vmem>>
      %dma_wait3A_74 = arith.constant 0 : i32
      %dma_wait3A_75 = tpu.memref_slice %arg10[%add3A_37, %dma_wait3A_74] : memref<10112x128xf32, #tpu.memory_space<vmem_shared>> -> memref<64x128xf32, #tpu.memory_space<vmem_shared>>
      %dma_wait3A_76 = arith.constant 0 : i32
      %dma_wait3A_77 = tpu.memref_slice %arg10[%add3A_37, %dma_wait3A_76] : memref<10112x128xf32, #tpu.memory_space<vmem_shared>> -> memref<64x128xf32, #tpu.memory_space<vmem_shared>>
      %dma_wait3A_78 = arith.constant 0 : i32
      %dma_wait3A_79 = arith.constant 0 : i32
      %dma_wait3A_80 = tpu.memref_slice %arg8[%dma_wait3A_78, %dma_wait3A_79] : memref<64x128xf32, #tpu.memory_space<vmem>> -> memref<64x128xf32, #tpu.memory_space<vmem>>
      tpu.wait_dma2 semaphore(%run_scoped3A : memref<!tpu.dma_semaphore, #tpu.memory_space<semaphore_mem>>) src(%dma_wait3A_80 : memref<64x128xf32, #tpu.memory_space<vmem>>) dst(%dma_wait3A_77 : memref<64x128xf32, #tpu.memory_space<vmem_shared>>)
      tpu.yield
    }) : () -> ()
    %mul3A_38 = arith.constant 632 : i32
    %mul3A_39 = arith.muli %arg1, %mul3A_38 : i32
    %add3A_40 = arith.constant 448 : i32
    %add3A_41 = arith.addi %mul3A_39, %add3A_40 : i32
    "tpu.region"() ({
      %run_scoped3A = tpu.sem_alloc : memref<!tpu.dma_semaphore, #tpu.memory_space<semaphore_mem>>
      %dma_start3A = arith.constant 0 : i32
      %dma_start3A_63 = arith.constant 0 : i32
      %dma_start3A_64 = tpu.memref_slice %arg8[%dma_start3A, %dma_start3A_63] : memref<64x128xf32, #tpu.memory_space<vmem>> -> memref<64x128xf32, #tpu.memory_space<vmem>>
      %dma_start3A_65 = arith.constant 0 : i32
      %dma_start3A_66 = tpu.memref_slice %arg10[%add3A_41, %dma_start3A_65] : memref<10112x128xf32, #tpu.memory_space<vmem_shared>> -> memref<64x128xf32, #tpu.memory_space<vmem_shared>>
      %dma_start3A_67 = arith.constant 0 : i32
      %dma_start3A_68 = tpu.memref_slice %arg10[%add3A_41, %dma_start3A_67] : memref<10112x128xf32, #tpu.memory_space<vmem_shared>> -> memref<64x128xf32, #tpu.memory_space<vmem_shared>>
      %dma_start3A_69 = arith.constant 0 : i32
      %dma_start3A_70 = arith.constant 0 : i32
      %dma_start3A_71 = tpu.memref_slice %arg8[%dma_start3A_69, %dma_start3A_70] : memref<64x128xf32, #tpu.memory_space<vmem>> -> memref<64x128xf32, #tpu.memory_space<vmem>>
      tpu.enqueue_dma source(%dma_start3A_71 : memref<64x128xf32, #tpu.memory_space<vmem>>) target(%dma_start3A_68 : memref<64x128xf32, #tpu.memory_space<vmem_shared>>) target_semaphore(%run_scoped3A : memref<!tpu.dma_semaphore, #tpu.memory_space<semaphore_mem>>)
      %dma_wait3A = arith.constant 0 : i32
      %dma_wait3A_72 = arith.constant 0 : i32
      %dma_wait3A_73 = tpu.memref_slice %arg8[%dma_wait3A, %dma_wait3A_72] : memref<64x128xf32, #tpu.memory_space<vmem>> -> memref<64x128xf32, #tpu.memory_space<vmem>>
      %dma_wait3A_74 = arith.constant 0 : i32
      %dma_wait3A_75 = tpu.memref_slice %arg10[%add3A_41, %dma_wait3A_74] : memref<10112x128xf32, #tpu.memory_space<vmem_shared>> -> memref<64x128xf32, #tpu.memory_space<vmem_shared>>
      %dma_wait3A_76 = arith.constant 0 : i32
      %dma_wait3A_77 = tpu.memref_slice %arg10[%add3A_41, %dma_wait3A_76] : memref<10112x128xf32, #tpu.memory_space<vmem_shared>> -> memref<64x128xf32, #tpu.memory_space<vmem_shared>>
      %dma_wait3A_78 = arith.constant 0 : i32
      %dma_wait3A_79 = arith.constant 0 : i32
      %dma_wait3A_80 = tpu.memref_slice %arg8[%dma_wait3A_78, %dma_wait3A_79] : memref<64x128xf32, #tpu.memory_space<vmem>> -> memref<64x128xf32, #tpu.memory_space<vmem>>
      tpu.wait_dma2 semaphore(%run_scoped3A : memref<!tpu.dma_semaphore, #tpu.memory_space<semaphore_mem>>) src(%dma_wait3A_80 : memref<64x128xf32, #tpu.memory_space<vmem>>) dst(%dma_wait3A_77 : memref<64x128xf32, #tpu.memory_space<vmem_shared>>)
      tpu.yield
    }) : () -> ()
    %mul3A_42 = arith.constant 632 : i32
    %mul3A_43 = arith.muli %arg1, %mul3A_42 : i32
    %add3A_44 = arith.constant 512 : i32
    %add3A_45 = arith.addi %mul3A_43, %add3A_44 : i32
    "tpu.region"() ({
      %run_scoped3A = tpu.sem_alloc : memref<!tpu.dma_semaphore, #tpu.memory_space<semaphore_mem>>
      %dma_start3A = arith.constant 0 : i32
      %dma_start3A_63 = arith.constant 0 : i32
      %dma_start3A_64 = tpu.memref_slice %arg8[%dma_start3A, %dma_start3A_63] : memref<64x128xf32, #tpu.memory_space<vmem>> -> memref<64x128xf32, #tpu.memory_space<vmem>>
      %dma_start3A_65 = arith.constant 0 : i32
      %dma_start3A_66 = tpu.memref_slice %arg10[%add3A_45, %dma_start3A_65] : memref<10112x128xf32, #tpu.memory_space<vmem_shared>> -> memref<64x128xf32, #tpu.memory_space<vmem_shared>>
      %dma_start3A_67 = arith.constant 0 : i32
      %dma_start3A_68 = tpu.memref_slice %arg10[%add3A_45, %dma_start3A_67] : memref<10112x128xf32, #tpu.memory_space<vmem_shared>> -> memref<64x128xf32, #tpu.memory_space<vmem_shared>>
      %dma_start3A_69 = arith.constant 0 : i32
      %dma_start3A_70 = arith.constant 0 : i32
      %dma_start3A_71 = tpu.memref_slice %arg8[%dma_start3A_69, %dma_start3A_70] : memref<64x128xf32, #tpu.memory_space<vmem>> -> memref<64x128xf32, #tpu.memory_space<vmem>>
      tpu.enqueue_dma source(%dma_start3A_71 : memref<64x128xf32, #tpu.memory_space<vmem>>) target(%dma_start3A_68 : memref<64x128xf32, #tpu.memory_space<vmem_shared>>) target_semaphore(%run_scoped3A : memref<!tpu.dma_semaphore, #tpu.memory_space<semaphore_mem>>)
      %dma_wait3A = arith.constant 0 : i32
      %dma_wait3A_72 = arith.constant 0 : i32
      %dma_wait3A_73 = tpu.memref_slice %arg8[%dma_wait3A, %dma_wait3A_72] : memref<64x128xf32, #tpu.memory_space<vmem>> -> memref<64x128xf32, #tpu.memory_space<vmem>>
      %dma_wait3A_74 = arith.constant 0 : i32
      %dma_wait3A_75 = tpu.memref_slice %arg10[%add3A_45, %dma_wait3A_74] : memref<10112x128xf32, #tpu.memory_space<vmem_shared>> -> memref<64x128xf32, #tpu.memory_space<vmem_shared>>
      %dma_wait3A_76 = arith.constant 0 : i32
      %dma_wait3A_77 = tpu.memref_slice %arg10[%add3A_45, %dma_wait3A_76] : memref<10112x128xf32, #tpu.memory_space<vmem_shared>> -> memref<64x128xf32, #tpu.memory_space<vmem_shared>>
      %dma_wait3A_78 = arith.constant 0 : i32
      %dma_wait3A_79 = arith.constant 0 : i32
      %dma_wait3A_80 = tpu.memref_slice %arg8[%dma_wait3A_78, %dma_wait3A_79] : memref<64x128xf32, #tpu.memory_space<vmem>> -> memref<64x128xf32, #tpu.memory_space<vmem>>
      tpu.wait_dma2 semaphore(%run_scoped3A : memref<!tpu.dma_semaphore, #tpu.memory_space<semaphore_mem>>) src(%dma_wait3A_80 : memref<64x128xf32, #tpu.memory_space<vmem>>) dst(%dma_wait3A_77 : memref<64x128xf32, #tpu.memory_space<vmem_shared>>)
      tpu.yield
    }) : () -> ()
    %mul3A_46 = arith.constant 632 : i32
    %mul3A_47 = arith.muli %arg1, %mul3A_46 : i32
    %add3A_48 = arith.constant 576 : i32
    %add3A_49 = arith.addi %mul3A_47, %add3A_48 : i32
    "tpu.region"() ({
      %run_scoped3A = tpu.sem_alloc : memref<!tpu.dma_semaphore, #tpu.memory_space<semaphore_mem>>
      %dma_start3A = arith.constant 0 : i32
      %dma_start3A_63 = arith.constant 0 : i32
      %dma_start3A_64 = tpu.memref_slice %arg8[%dma_start3A, %dma_start3A_63] : memref<64x128xf32, #tpu.memory_space<vmem>> -> memref<56x128xf32, #tpu.memory_space<vmem>>
      %dma_start3A_65 = arith.constant 0 : i32
      %dma_start3A_66 = tpu.memref_slice %arg10[%add3A_49, %dma_start3A_65] : memref<10112x128xf32, #tpu.memory_space<vmem_shared>> -> memref<56x128xf32, #tpu.memory_space<vmem_shared>>
      %dma_start3A_67 = arith.constant 0 : i32
      %dma_start3A_68 = tpu.memref_slice %arg10[%add3A_49, %dma_start3A_67] : memref<10112x128xf32, #tpu.memory_space<vmem_shared>> -> memref<56x128xf32, #tpu.memory_space<vmem_shared>>
      %dma_start3A_69 = arith.constant 0 : i32
      %dma_start3A_70 = arith.constant 0 : i32
      %dma_start3A_71 = tpu.memref_slice %arg8[%dma_start3A_69, %dma_start3A_70] : memref<64x128xf32, #tpu.memory_space<vmem>> -> memref<56x128xf32, #tpu.memory_space<vmem>>
      tpu.enqueue_dma source(%dma_start3A_71 : memref<56x128xf32, #tpu.memory_space<vmem>>) target(%dma_start3A_68 : memref<56x128xf32, #tpu.memory_space<vmem_shared>>) target_semaphore(%run_scoped3A : memref<!tpu.dma_semaphore, #tpu.memory_space<semaphore_mem>>)
      %dma_wait3A = arith.constant 0 : i32
      %dma_wait3A_72 = arith.constant 0 : i32
      %dma_wait3A_73 = tpu.memref_slice %arg8[%dma_wait3A, %dma_wait3A_72] : memref<64x128xf32, #tpu.memory_space<vmem>> -> memref<56x128xf32, #tpu.memory_space<vmem>>
      %dma_wait3A_74 = arith.constant 0 : i32
      %dma_wait3A_75 = tpu.memref_slice %arg10[%add3A_49, %dma_wait3A_74] : memref<10112x128xf32, #tpu.memory_space<vmem_shared>> -> memref<56x128xf32, #tpu.memory_space<vmem_shared>>
      %dma_wait3A_76 = arith.constant 0 : i32
      %dma_wait3A_77 = tpu.memref_slice %arg10[%add3A_49, %dma_wait3A_76] : memref<10112x128xf32, #tpu.memory_space<vmem_shared>> -> memref<56x128xf32, #tpu.memory_space<vmem_shared>>
      %dma_wait3A_78 = arith.constant 0 : i32
      %dma_wait3A_79 = arith.constant 0 : i32
      %dma_wait3A_80 = tpu.memref_slice %arg8[%dma_wait3A_78, %dma_wait3A_79] : memref<64x128xf32, #tpu.memory_space<vmem>> -> memref<56x128xf32, #tpu.memory_space<vmem>>
      tpu.wait_dma2 semaphore(%run_scoped3A : memref<!tpu.dma_semaphore, #tpu.memory_space<semaphore_mem>>) src(%dma_wait3A_80 : memref<56x128xf32, #tpu.memory_space<vmem>>) dst(%dma_wait3A_77 : memref<56x128xf32, #tpu.memory_space<vmem_shared>>)
      tpu.yield
    }) : () -> ()
    %barrier3A = arith.constant 0 : index
    tpu.barrier barrier_id(%barrier3A)
    %eq3A_50 = arith.constant 0 : i32
    %eq3A_51 = arith.cmpi eq, %arg0, %eq3A_50 : i32
    %convert_element_type3A = arith.extui %eq3A_51 : i1 to i32
    %cond3A = arith.constant 0 : i32
    %cond3A_52 = arith.cmpi ne, %convert_element_type3A, %cond3A : i32
    scf.if %cond3A_52 {
      %dma_start3A = arith.constant 0 : i32
      %dma_start3A_63 = arith.constant 0 : i32
      %dma_start3A_64 = tpu.memref_slice %arg8[%dma_start3A, %dma_start3A_63] : memref<64x128xf32, #tpu.memory_space<vmem>> -> memref<16x128xf32, #tpu.memory_space<vmem>>
      %dma_start3A_65 = arith.constant 0 : i32
      %dma_start3A_66 = tpu.memref_slice %arg6[%dma_start3A_65] : memref<16192xi32, #tpu.memory_space<vmem>> -> memref<16xi32, #tpu.memory_space<vmem>>
      %dma_start3A_67 = arith.constant 0 : i32
      %dma_start3A_68 = arith.constant 0 : i32
      %dma_start3A_69 = tpu.memref_slice %arg2[%dma_start3A_67, %dma_start3A_68] : memref<10000x128xf32, #tpu.memory_space<hbm>> -> memref<10000x128xf32, #tpu.memory_space<hbm>>
      tpu.enqueue_indirect_dma source(%dma_start3A_69 : memref<10000x128xf32, #tpu.memory_space<hbm>>) target(%dma_start3A_64 : memref<16x128xf32, #tpu.memory_space<vmem>>) offsets(%dma_start3A_66 : memref<16xi32, #tpu.memory_space<vmem>>) semaphore(%arg11 : memref<!tpu.dma_semaphore, #tpu.memory_space<semaphore_mem>>)
      %dma_start3A_70 = arith.constant 16 : i32
      %dma_start3A_71 = arith.constant 0 : i32
      %dma_start3A_72 = tpu.memref_slice %arg8[%dma_start3A_70, %dma_start3A_71] : memref<64x128xf32, #tpu.memory_space<vmem>> -> memref<16x128xf32, #tpu.memory_space<vmem>>
      %dma_start3A_73 = arith.constant 16 : i32
      %dma_start3A_74 = tpu.memref_slice %arg6[%dma_start3A_73] : memref<16192xi32, #tpu.memory_space<vmem>> -> memref<16xi32, #tpu.memory_space<vmem>>
      %dma_start3A_75 = arith.constant 0 : i32
      %dma_start3A_76 = arith.constant 0 : i32
      %dma_start3A_77 = tpu.memref_slice %arg2[%dma_start3A_75, %dma_start3A_76] : memref<10000x128xf32, #tpu.memory_space<hbm>> -> memref<10000x128xf32, #tpu.memory_space<hbm>>
      tpu.enqueue_indirect_dma source(%dma_start3A_77 : memref<10000x128xf32, #tpu.memory_space<hbm>>) target(%dma_start3A_72 : memref<16x128xf32, #tpu.memory_space<vmem>>) offsets(%dma_start3A_74 : memref<16xi32, #tpu.memory_space<vmem>>) semaphore(%arg11 : memref<!tpu.dma_semaphore, #tpu.memory_space<semaphore_mem>>)
      %dma_start3A_78 = arith.constant 32 : i32
      %dma_start3A_79 = arith.constant 0 : i32
      %dma_start3A_80 = tpu.memref_slice %arg8[%dma_start3A_78, %dma_start3A_79] : memref<64x128xf32, #tpu.memory_space<vmem>> -> memref<16x128xf32, #tpu.memory_space<vmem>>
      %dma_start3A_81 = arith.constant 32 : i32
      %dma_start3A_82 = tpu.memref_slice %arg6[%dma_start3A_81] : memref<16192xi32, #tpu.memory_space<vmem>> -> memref<16xi32, #tpu.memory_space<vmem>>
      %dma_start3A_83 = arith.constant 0 : i32
      %dma_start3A_84 = arith.constant 0 : i32
      %dma_start3A_85 = tpu.memref_slice %arg2[%dma_start3A_83, %dma_start3A_84] : memref<10000x128xf32, #tpu.memory_space<hbm>> -> memref<10000x128xf32, #tpu.memory_space<hbm>>
      tpu.enqueue_indirect_dma source(%dma_start3A_85 : memref<10000x128xf32, #tpu.memory_space<hbm>>) target(%dma_start3A_80 : memref<16x128xf32, #tpu.memory_space<vmem>>) offsets(%dma_start3A_82 : memref<16xi32, #tpu.memory_space<vmem>>) semaphore(%arg11 : memref<!tpu.dma_semaphore, #tpu.memory_space<semaphore_mem>>)
      %dma_start3A_86 = arith.constant 48 : i32
      %dma_start3A_87 = arith.constant 0 : i32
      %dma_start3A_88 = tpu.memref_slice %arg8[%dma_start3A_86, %dma_start3A_87] : memref<64x128xf32, #tpu.memory_space<vmem>> -> memref<16x128xf32, #tpu.memory_space<vmem>>
      %dma_start3A_89 = arith.constant 48 : i32
      %dma_start3A_90 = tpu.memref_slice %arg6[%dma_start3A_89] : memref<16192xi32, #tpu.memory_space<vmem>> -> memref<16xi32, #tpu.memory_space<vmem>>
      %dma_start3A_91 = arith.constant 0 : i32
      %dma_start3A_92 = arith.constant 0 : i32
      %dma_start3A_93 = tpu.memref_slice %arg2[%dma_start3A_91, %dma_start3A_92] : memref<10000x128xf32, #tpu.memory_space<hbm>> -> memref<10000x128xf32, #tpu.memory_space<hbm>>
      tpu.enqueue_indirect_dma source(%dma_start3A_93 : memref<10000x128xf32, #tpu.memory_space<hbm>>) target(%dma_start3A_88 : memref<16x128xf32, #tpu.memory_space<vmem>>) offsets(%dma_start3A_90 : memref<16xi32, #tpu.memory_space<vmem>>) semaphore(%arg11 : memref<!tpu.dma_semaphore, #tpu.memory_space<semaphore_mem>>)
      %scan3A_94 = arith.constant 0 : i32
      %scan3A_95 = arith.constant 0 : i32
      %scan3A_96 = arith.constant 32 : i32
      %scan3A_97 = arith.addi %scan3A_95, %scan3A_96 : i32
      %scan3A_98 = arith.constant 1 : i32
      scf.for %scan3A_105 = %scan3A_95 to %scan3A_97 step %scan3A_98  : i32 {
        %mul3A_106 = arith.constant 2 : i32
        %mul3A_107 = arith.muli %scan3A_105, %mul3A_106 : i32
        %add3A_108 = arith.constant 1 : i32
        %add3A_109 = arith.addi %mul3A_107, %add3A_108 : i32
        %mul3A_110 = arith.constant 64 : i32
        %mul3A_111 = arith.muli %add3A_109, %mul3A_110 : i32
        %add3A_112 = arith.constant 0 : i32
        %add3A_113 = arith.addi %mul3A_111, %add3A_112 : i32
        %dma_start3A_114 = arith.constant 0 : i32
        %dma_start3A_115 = arith.constant 0 : i32
        %dma_start3A_116 = tpu.memref_slice %arg9[%dma_start3A_114, %dma_start3A_115] : memref<64x128xf32, #tpu.memory_space<vmem>> -> memref<16x128xf32, #tpu.memory_space<vmem>>
        %dma_start3A_117 = tpu.memref_slice %arg6[%add3A_113] : memref<16192xi32, #tpu.memory_space<vmem>> -> memref<16xi32, #tpu.memory_space<vmem>>
        %dma_start3A_118 = arith.constant 0 : i32
        %dma_start3A_119 = arith.constant 0 : i32
        %dma_start3A_120 = tpu.memref_slice %arg2[%dma_start3A_118, %dma_start3A_119] : memref<10000x128xf32, #tpu.memory_space<hbm>> -> memref<10000x128xf32, #tpu.memory_space<hbm>>
        tpu.enqueue_indirect_dma source(%dma_start3A_120 : memref<10000x128xf32, #tpu.memory_space<hbm>>) target(%dma_start3A_116 : memref<16x128xf32, #tpu.memory_space<vmem>>) offsets(%dma_start3A_117 : memref<16xi32, #tpu.memory_space<vmem>>) semaphore(%arg12 : memref<!tpu.dma_semaphore, #tpu.memory_space<semaphore_mem>>)
        %mul3A_121 = arith.constant 64 : i32
        %mul3A_122 = arith.muli %add3A_109, %mul3A_121 : i32
        %add3A_123 = arith.constant 16 : i32
        %add3A_124 = arith.addi %mul3A_122, %add3A_123 : i32
        %dma_start3A_125 = arith.constant 16 : i32
        %dma_start3A_126 = arith.constant 0 : i32
        %dma_start3A_127 = tpu.memref_slice %arg9[%dma_start3A_125, %dma_start3A_126] : memref<64x128xf32, #tpu.memory_space<vmem>> -> memref<16x128xf32, #tpu.memory_space<vmem>>
        %dma_start3A_128 = tpu.memref_slice %arg6[%add3A_124] : memref<16192xi32, #tpu.memory_space<vmem>> -> memref<16xi32, #tpu.memory_space<vmem>>
        %dma_start3A_129 = arith.constant 0 : i32
        %dma_start3A_130 = arith.constant 0 : i32
        %dma_start3A_131 = tpu.memref_slice %arg2[%dma_start3A_129, %dma_start3A_130] : memref<10000x128xf32, #tpu.memory_space<hbm>> -> memref<10000x128xf32, #tpu.memory_space<hbm>>
        tpu.enqueue_indirect_dma source(%dma_start3A_131 : memref<10000x128xf32, #tpu.memory_space<hbm>>) target(%dma_start3A_127 : memref<16x128xf32, #tpu.memory_space<vmem>>) offsets(%dma_start3A_128 : memref<16xi32, #tpu.memory_space<vmem>>) semaphore(%arg12 : memref<!tpu.dma_semaphore, #tpu.memory_space<semaphore_mem>>)
        %mul3A_132 = arith.constant 64 : i32
        %mul3A_133 = arith.muli %add3A_109, %mul3A_132 : i32
        %add3A_134 = arith.constant 32 : i32
        %add3A_135 = arith.addi %mul3A_133, %add3A_134 : i32
        %dma_start3A_136 = arith.constant 32 : i32
        %dma_start3A_137 = arith.constant 0 : i32
        %dma_start3A_138 = tpu.memref_slice %arg9[%dma_start3A_136, %dma_start3A_137] : memref<64x128xf32, #tpu.memory_space<vmem>> -> memref<16x128xf32, #tpu.memory_space<vmem>>
        %dma_start3A_139 = tpu.memref_slice %arg6[%add3A_135] : memref<16192xi32, #tpu.memory_space<vmem>> -> memref<16xi32, #tpu.memory_space<vmem>>
        %dma_start3A_140 = arith.constant 0 : i32
        %dma_start3A_141 = arith.constant 0 : i32
        %dma_start3A_142 = tpu.memref_slice %arg2[%dma_start3A_140, %dma_start3A_141] : memref<10000x128xf32, #tpu.memory_space<hbm>> -> memref<10000x128xf32, #tpu.memory_space<hbm>>
        tpu.enqueue_indirect_dma source(%dma_start3A_142 : memref<10000x128xf32, #tpu.memory_space<hbm>>) target(%dma_start3A_138 : memref<16x128xf32, #tpu.memory_space<vmem>>) offsets(%dma_start3A_139 : memref<16xi32, #tpu.memory_space<vmem>>) semaphore(%arg12 : memref<!tpu.dma_semaphore, #tpu.memory_space<semaphore_mem>>)
        %mul3A_143 = arith.constant 64 : i32
        %mul3A_144 = arith.muli %add3A_109, %mul3A_143 : i32
        %add3A_145 = arith.constant 48 : i32
        %add3A_146 = arith.addi %mul3A_144, %add3A_145 : i32
        %dma_start3A_147 = arith.constant 48 : i32
        %dma_start3A_148 = arith.constant 0 : i32
        %dma_start3A_149 = tpu.memref_slice %arg9[%dma_start3A_147, %dma_start3A_148] : memref<64x128xf32, #tpu.memory_space<vmem>> -> memref<16x128xf32, #tpu.memory_space<vmem>>
        %dma_start3A_150 = tpu.memref_slice %arg6[%add3A_146] : memref<16192xi32, #tpu.memory_space<vmem>> -> memref<16xi32, #tpu.memory_space<vmem>>
        %dma_start3A_151 = arith.constant 0 : i32
        %dma_start3A_152 = arith.constant 0 : i32
        %dma_start3A_153 = tpu.memref_slice %arg2[%dma_start3A_151, %dma_start3A_152] : memref<10000x128xf32, #tpu.memory_space<hbm>> -> memref<10000x128xf32, #tpu.memory_space<hbm>>
        tpu.enqueue_indirect_dma source(%dma_start3A_153 : memref<10000x128xf32, #tpu.memory_space<hbm>>) target(%dma_start3A_149 : memref<16x128xf32, #tpu.memory_space<vmem>>) offsets(%dma_start3A_150 : memref<16xi32, #tpu.memory_space<vmem>>) semaphore(%arg12 : memref<!tpu.dma_semaphore, #tpu.memory_space<semaphore_mem>>)
        %dma_wait3A_154 = arith.constant 0 : i32
        %dma_wait3A_155 = arith.constant 0 : i32
        %dma_wait3A_156 = tpu.memref_slice %arg2[%dma_wait3A_154, %dma_wait3A_155] : memref<10000x128xf32, #tpu.memory_space<hbm>> -> memref<64x128xf32, #tpu.memory_space<hbm>>
        %dma_wait3A_157 = arith.constant 0 : i32
        %dma_wait3A_158 = arith.constant 0 : i32
        %dma_wait3A_159 = tpu.memref_slice %arg2[%dma_wait3A_157, %dma_wait3A_158] : memref<10000x128xf32, #tpu.memory_space<hbm>> -> memref<64x128xf32, #tpu.memory_space<hbm>>
        tpu.wait_dma2 semaphore(%arg11 : memref<!tpu.dma_semaphore, #tpu.memory_space<semaphore_mem>>) src(%dma_wait3A_159 : memref<64x128xf32, #tpu.memory_space<hbm>>) dst(%arg8 : memref<64x128xf32, #tpu.memory_space<vmem>>)
        %mul3A_160 = arith.constant 64 : i32
        %mul3A_161 = arith.muli %mul3A_107, %mul3A_160 : i32
        "tpu.region"() ({
          %run_scoped3A = tpu.sem_alloc : memref<!tpu.dma_semaphore, #tpu.memory_space<semaphore_mem>>
          %dma_start3A_218 = tpu.memref_slice %arg7[%mul3A_161] : memref<16128xi32, #tpu.memory_space<vmem>> -> memref<64xi32, #tpu.memory_space<vmem>>
          %dma_start3A_219 = arith.constant 0 : i32
          %dma_start3A_220 = arith.constant 0 : i32
          %dma_start3A_221 = tpu.memref_slice %arg10[%dma_start3A_219, %dma_start3A_220] : memref<10112x128xf32, #tpu.memory_space<vmem_shared>> -> memref<10112x128xf32, #tpu.memory_space<vmem_shared>>
          tpu.enqueue_indirect_dma source(%arg8 : memref<64x128xf32, #tpu.memory_space<vmem>>) target(%dma_start3A_221 : memref<10112x128xf32, #tpu.memory_space<vmem_shared>>) offsets(%dma_start3A_218 : memref<64xi32, #tpu.memory_space<vmem>>) semaphore(%run_scoped3A : memref<!tpu.dma_semaphore, #tpu.memory_space<semaphore_mem>>) {add = true}
          %dma_wait3A_222 = tpu.memref_slice %arg7[%mul3A_161] : memref<16128xi32, #tpu.memory_space<vmem>> -> memref<64xi32, #tpu.memory_space<vmem>>
          %dma_wait3A_223 = arith.constant 0 : i32
          %dma_wait3A_224 = arith.constant 0 : i32
          %dma_wait3A_225 = tpu.memref_slice %arg10[%dma_wait3A_223, %dma_wait3A_224] : memref<10112x128xf32, #tpu.memory_space<vmem_shared>> -> memref<10112x128xf32, #tpu.memory_space<vmem_shared>>
          tpu.wait_indirect_dma semaphore(%run_scoped3A : memref<!tpu.dma_semaphore, #tpu.memory_space<semaphore_mem>>) src(%arg8 : memref<64x128xf32, #tpu.memory_space<vmem>>) dst(%dma_wait3A_225 : memref<10112x128xf32, #tpu.memory_space<vmem_shared>>)
          tpu.yield
        }) : () -> ()
        %add3A_162 = arith.constant 2 : i32
        %add3A_163 = arith.addi %mul3A_107, %add3A_162 : i32
        %mul3A_164 = arith.constant 64 : i32
        %mul3A_165 = arith.muli %add3A_163, %mul3A_164 : i32
        %add3A_166 = arith.constant 0 : i32
        %add3A_167 = arith.addi %mul3A_165, %add3A_166 : i32
        %dma_start3A_168 = arith.constant 0 : i32
        %dma_start3A_169 = arith.constant 0 : i32
        %dma_start3A_170 = tpu.memref_slice %arg8[%dma_start3A_168, %dma_start3A_169] : memref<64x128xf32, #tpu.memory_space<vmem>> -> memref<16x128xf32, #tpu.memory_space<vmem>>
        %dma_start3A_171 = tpu.memref_slice %arg6[%add3A_167] : memref<16192xi32, #tpu.memory_space<vmem>> -> memref<16xi32, #tpu.memory_space<vmem>>
        %dma_start3A_172 = arith.constant 0 : i32
        %dma_start3A_173 = arith.constant 0 : i32
        %dma_start3A_174 = tpu.memref_slice %arg2[%dma_start3A_172, %dma_start3A_173] : memref<10000x128xf32, #tpu.memory_space<hbm>> -> memref<10000x128xf32, #tpu.memory_space<hbm>>
        tpu.enqueue_indirect_dma source(%dma_start3A_174 : memref<10000x128xf32, #tpu.memory_space<hbm>>) target(%dma_start3A_170 : memref<16x128xf32, #tpu.memory_space<vmem>>) offsets(%dma_start3A_171 : memref<16xi32, #tpu.memory_space<vmem>>) semaphore(%arg11 : memref<!tpu.dma_semaphore, #tpu.memory_space<semaphore_mem>>)
        %mul3A_175 = arith.constant 64 : i32
        %mul3A_176 = arith.muli %add3A_163, %mul3A_175 : i32
        %add3A_177 = arith.constant 16 : i32
        %add3A_178 = arith.addi %mul3A_176, %add3A_177 : i32
        %dma_start3A_179 = arith.constant 16 : i32
        %dma_start3A_180 = arith.constant 0 : i32
        %dma_start3A_181 = tpu.memref_slice %arg8[%dma_start3A_179, %dma_start3A_180] : memref<64x128xf32, #tpu.memory_space<vmem>> -> memref<16x128xf32, #tpu.memory_space<vmem>>
        %dma_start3A_182 = tpu.memref_slice %arg6[%add3A_178] : memref<16192xi32, #tpu.memory_space<vmem>> -> memref<16xi32, #tpu.memory_space<vmem>>
        %dma_start3A_183 = arith.constant 0 : i32
        %dma_start3A_184 = arith.constant 0 : i32
        %dma_start3A_185 = tpu.memref_slice %arg2[%dma_start3A_183, %dma_start3A_184] : memref<10000x128xf32, #tpu.memory_space<hbm>> -> memref<10000x128xf32, #tpu.memory_space<hbm>>
        tpu.enqueue_indirect_dma source(%dma_start3A_185 : memref<10000x128xf32, #tpu.memory_space<hbm>>) target(%dma_start3A_181 : memref<16x128xf32, #tpu.memory_space<vmem>>) offsets(%dma_start3A_182 : memref<16xi32, #tpu.memory_space<vmem>>) semaphore(%arg11 : memref<!tpu.dma_semaphore, #tpu.memory_space<semaphore_mem>>)
        %mul3A_186 = arith.constant 64 : i32
        %mul3A_187 = arith.muli %add3A_163, %mul3A_186 : i32
        %add3A_188 = arith.constant 32 : i32
        %add3A_189 = arith.addi %mul3A_187, %add3A_188 : i32
        %dma_start3A_190 = arith.constant 32 : i32
        %dma_start3A_191 = arith.constant 0 : i32
        %dma_start3A_192 = tpu.memref_slice %arg8[%dma_start3A_190, %dma_start3A_191] : memref<64x128xf32, #tpu.memory_space<vmem>> -> memref<16x128xf32, #tpu.memory_space<vmem>>
        %dma_start3A_193 = tpu.memref_slice %arg6[%add3A_189] : memref<16192xi32, #tpu.memory_space<vmem>> -> memref<16xi32, #tpu.memory_space<vmem>>
        %dma_start3A_194 = arith.constant 0 : i32
        %dma_start3A_195 = arith.constant 0 : i32
        %dma_start3A_196 = tpu.memref_slice %arg2[%dma_start3A_194, %dma_start3A_195] : memref<10000x128xf32, #tpu.memory_space<hbm>> -> memref<10000x128xf32, #tpu.memory_space<hbm>>
        tpu.enqueue_indirect_dma source(%dma_start3A_196 : memref<10000x128xf32, #tpu.memory_space<hbm>>) target(%dma_start3A_192 : memref<16x128xf32, #tpu.memory_space<vmem>>) offsets(%dma_start3A_193 : memref<16xi32, #tpu.memory_space<vmem>>) semaphore(%arg11 : memref<!tpu.dma_semaphore, #tpu.memory_space<semaphore_mem>>)
        %mul3A_197 = arith.constant 64 : i32
        %mul3A_198 = arith.muli %add3A_163, %mul3A_197 : i32
        %add3A_199 = arith.constant 48 : i32
        %add3A_200 = arith.addi %mul3A_198, %add3A_199 : i32
        %dma_start3A_201 = arith.constant 48 : i32
        %dma_start3A_202 = arith.constant 0 : i32
        %dma_start3A_203 = tpu.memref_slice %arg8[%dma_start3A_201, %dma_start3A_202] : memref<64x128xf32, #tpu.memory_space<vmem>> -> memref<16x128xf32, #tpu.memory_space<vmem>>
        %dma_start3A_204 = tpu.memref_slice %arg6[%add3A_200] : memref<16192xi32, #tpu.memory_space<vmem>> -> memref<16xi32, #tpu.memory_space<vmem>>
        %dma_start3A_205 = arith.constant 0 : i32
        %dma_start3A_206 = arith.constant 0 : i32
        %dma_start3A_207 = tpu.memref_slice %arg2[%dma_start3A_205, %dma_start3A_206] : memref<10000x128xf32, #tpu.memory_space<hbm>> -> memref<10000x128xf32, #tpu.memory_space<hbm>>
        tpu.enqueue_indirect_dma source(%dma_start3A_207 : memref<10000x128xf32, #tpu.memory_space<hbm>>) target(%dma_start3A_203 : memref<16x128xf32, #tpu.memory_space<vmem>>) offsets(%dma_start3A_204 : memref<16xi32, #tpu.memory_space<vmem>>) semaphore(%arg11 : memref<!tpu.dma_semaphore, #tpu.memory_space<semaphore_mem>>)
        %dma_wait3A_208 = arith.constant 0 : i32
        %dma_wait3A_209 = arith.constant 0 : i32
        %dma_wait3A_210 = tpu.memref_slice %arg2[%dma_wait3A_208, %dma_wait3A_209] : memref<10000x128xf32, #tpu.memory_space<hbm>> -> memref<64x128xf32, #tpu.memory_space<hbm>>
        %dma_wait3A_211 = arith.constant 0 : i32
        %dma_wait3A_212 = arith.constant 0 : i32
        %dma_wait3A_213 = tpu.memref_slice %arg2[%dma_wait3A_211, %dma_wait3A_212] : memref<10000x128xf32, #tpu.memory_space<hbm>> -> memref<64x128xf32, #tpu.memory_space<hbm>>
        tpu.wait_dma2 semaphore(%arg12 : memref<!tpu.dma_semaphore, #tpu.memory_space<semaphore_mem>>) src(%dma_wait3A_213 : memref<64x128xf32, #tpu.memory_space<hbm>>) dst(%arg9 : memref<64x128xf32, #tpu.memory_space<vmem>>)
        %add3A_214 = arith.constant 1 : i32
        %add3A_215 = arith.addi %mul3A_107, %add3A_214 : i32
        %mul3A_216 = arith.constant 64 : i32
        %mul3A_217 = arith.muli %add3A_215, %mul3A_216 : i32
        "tpu.region"() ({
          %run_scoped3A = tpu.sem_alloc : memref<!tpu.dma_semaphore, #tpu.memory_space<semaphore_mem>>
          %dma_start3A_218 = tpu.memref_slice %arg7[%mul3A_217] : memref<16128xi32, #tpu.memory_space<vmem>> -> memref<64xi32, #tpu.memory_space<vmem>>
          %dma_start3A_219 = arith.constant 0 : i32
          %dma_start3A_220 = arith.constant 0 : i32
          %dma_start3A_221 = tpu.memref_slice %arg10[%dma_start3A_219, %dma_start3A_220] : memref<10112x128xf32, #tpu.memory_space<vmem_shared>> -> memref<10112x128xf32, #tpu.memory_space<vmem_shared>>
          tpu.enqueue_indirect_dma source(%arg9 : memref<64x128xf32, #tpu.memory_space<vmem>>) target(%dma_start3A_221 : memref<10112x128xf32, #tpu.memory_space<vmem_shared>>) offsets(%dma_start3A_218 : memref<64xi32, #tpu.memory_space<vmem>>) semaphore(%run_scoped3A : memref<!tpu.dma_semaphore, #tpu.memory_space<semaphore_mem>>) {add = true}
          %dma_wait3A_222 = tpu.memref_slice %arg7[%mul3A_217] : memref<16128xi32, #tpu.memory_space<vmem>> -> memref<64xi32, #tpu.memory_space<vmem>>
          %dma_wait3A_223 = arith.constant 0 : i32
          %dma_wait3A_224 = arith.constant 0 : i32
          %dma_wait3A_225 = tpu.memref_slice %arg10[%dma_wait3A_223, %dma_wait3A_224] : memref<10112x128xf32, #tpu.memory_space<vmem_shared>> -> memref<10112x128xf32, #tpu.memory_space<vmem_shared>>
          tpu.wait_indirect_dma semaphore(%run_scoped3A : memref<!tpu.dma_semaphore, #tpu.memory_space<semaphore_mem>>) src(%arg9 : memref<64x128xf32, #tpu.memory_space<vmem>>) dst(%dma_wait3A_225 : memref<10112x128xf32, #tpu.memory_space<vmem_shared>>)
          tpu.yield
        }) : () -> ()
      }
      %scan3A_99 = arith.constant 32 : i32
      %dma_wait3A = arith.constant 0 : i32
      %dma_wait3A_100 = arith.constant 0 : i32
      %dma_wait3A_101 = tpu.memref_slice %arg2[%dma_wait3A, %dma_wait3A_100] : memref<10000x128xf32, #tpu.memory_space<hbm>> -> memref<64x128xf32, #tpu.memory_space<hbm>>
      %dma_wait3A_102 = arith.constant 0 : i32
      %dma_wait3A_103 = arith.constant 0 : i32
      %dma_wait3A_104 = tpu.memref_slice %arg2[%dma_wait3A_102, %dma_wait3A_103] : memref<10000x128xf32, #tpu.memory_space<hbm>> -> memref<64x128xf32, #tpu.memory_space<hbm>>
      tpu.wait_dma2 semaphore(%arg11 : memref<!tpu.dma_semaphore, #tpu.memory_space<semaphore_mem>>) src(%dma_wait3A_104 : memref<64x128xf32, #tpu.memory_space<hbm>>) dst(%arg8 : memref<64x128xf32, #tpu.memory_space<vmem>>)
    } else {
    }
    %eq3A_53 = arith.constant 1 : i32
    %eq3A_54 = arith.cmpi eq, %arg0, %eq3A_53 : i32
    %convert_element_type3A_55 = arith.extui %eq3A_54 : i1 to i32
    %cond3A_56 = arith.constant 0 : i32
    %cond3A_57 = arith.cmpi ne, %convert_element_type3A_55, %cond3A_56 : i32
    scf.if %cond3A_57 {
      %dma_start3A = arith.constant 0 : i32
      %dma_start3A_63 = arith.constant 0 : i32
      %dma_start3A_64 = tpu.memref_slice %arg8[%dma_start3A, %dma_start3A_63] : memref<64x128xf32, #tpu.memory_space<vmem>> -> memref<16x128xf32, #tpu.memory_space<vmem>>
      %dma_start3A_65 = arith.constant 0 : i32
      %dma_start3A_66 = tpu.memref_slice %arg6[%dma_start3A_65] : memref<16192xi32, #tpu.memory_space<vmem>> -> memref<16xi32, #tpu.memory_space<vmem>>
      %dma_start3A_67 = arith.constant 0 : i32
      %dma_start3A_68 = arith.constant 0 : i32
      %dma_start3A_69 = tpu.memref_slice %arg2[%dma_start3A_67, %dma_start3A_68] : memref<10000x128xf32, #tpu.memory_space<hbm>> -> memref<10000x128xf32, #tpu.memory_space<hbm>>
      tpu.enqueue_indirect_dma source(%dma_start3A_69 : memref<10000x128xf32, #tpu.memory_space<hbm>>) target(%dma_start3A_64 : memref<16x128xf32, #tpu.memory_space<vmem>>) offsets(%dma_start3A_66 : memref<16xi32, #tpu.memory_space<vmem>>) semaphore(%arg11 : memref<!tpu.dma_semaphore, #tpu.memory_space<semaphore_mem>>)
      %dma_start3A_70 = arith.constant 16 : i32
      %dma_start3A_71 = arith.constant 0 : i32
      %dma_start3A_72 = tpu.memref_slice %arg8[%dma_start3A_70, %dma_start3A_71] : memref<64x128xf32, #tpu.memory_space<vmem>> -> memref<16x128xf32, #tpu.memory_space<vmem>>
      %dma_start3A_73 = arith.constant 16 : i32
      %dma_start3A_74 = tpu.memref_slice %arg6[%dma_start3A_73] : memref<16192xi32, #tpu.memory_space<vmem>> -> memref<16xi32, #tpu.memory_space<vmem>>
      %dma_start3A_75 = arith.constant 0 : i32
      %dma_start3A_76 = arith.constant 0 : i32
      %dma_start3A_77 = tpu.memref_slice %arg2[%dma_start3A_75, %dma_start3A_76] : memref<10000x128xf32, #tpu.memory_space<hbm>> -> memref<10000x128xf32, #tpu.memory_space<hbm>>
      tpu.enqueue_indirect_dma source(%dma_start3A_77 : memref<10000x128xf32, #tpu.memory_space<hbm>>) target(%dma_start3A_72 : memref<16x128xf32, #tpu.memory_space<vmem>>) offsets(%dma_start3A_74 : memref<16xi32, #tpu.memory_space<vmem>>) semaphore(%arg11 : memref<!tpu.dma_semaphore, #tpu.memory_space<semaphore_mem>>)
      %dma_start3A_78 = arith.constant 32 : i32
      %dma_start3A_79 = arith.constant 0 : i32
      %dma_start3A_80 = tpu.memref_slice %arg8[%dma_start3A_78, %dma_start3A_79] : memref<64x128xf32, #tpu.memory_space<vmem>> -> memref<16x128xf32, #tpu.memory_space<vmem>>
      %dma_start3A_81 = arith.constant 32 : i32
      %dma_start3A_82 = tpu.memref_slice %arg6[%dma_start3A_81] : memref<16192xi32, #tpu.memory_space<vmem>> -> memref<16xi32, #tpu.memory_space<vmem>>
      %dma_start3A_83 = arith.constant 0 : i32
      %dma_start3A_84 = arith.constant 0 : i32
      %dma_start3A_85 = tpu.memref_slice %arg2[%dma_start3A_83, %dma_start3A_84] : memref<10000x128xf32, #tpu.memory_space<hbm>> -> memref<10000x128xf32, #tpu.memory_space<hbm>>
      tpu.enqueue_indirect_dma source(%dma_start3A_85 : memref<10000x128xf32, #tpu.memory_space<hbm>>) target(%dma_start3A_80 : memref<16x128xf32, #tpu.memory_space<vmem>>) offsets(%dma_start3A_82 : memref<16xi32, #tpu.memory_space<vmem>>) semaphore(%arg11 : memref<!tpu.dma_semaphore, #tpu.memory_space<semaphore_mem>>)
      %dma_start3A_86 = arith.constant 48 : i32
      %dma_start3A_87 = arith.constant 0 : i32
      %dma_start3A_88 = tpu.memref_slice %arg8[%dma_start3A_86, %dma_start3A_87] : memref<64x128xf32, #tpu.memory_space<vmem>> -> memref<16x128xf32, #tpu.memory_space<vmem>>
      %dma_start3A_89 = arith.constant 48 : i32
      %dma_start3A_90 = tpu.memref_slice %arg6[%dma_start3A_89] : memref<16192xi32, #tpu.memory_space<vmem>> -> memref<16xi32, #tpu.memory_space<vmem>>
      %dma_start3A_91 = arith.constant 0 : i32
      %dma_start3A_92 = arith.constant 0 : i32
      %dma_start3A_93 = tpu.memref_slice %arg2[%dma_start3A_91, %dma_start3A_92] : memref<10000x128xf32, #tpu.memory_space<hbm>> -> memref<10000x128xf32, #tpu.memory_space<hbm>>
      tpu.enqueue_indirect_dma source(%dma_start3A_93 : memref<10000x128xf32, #tpu.memory_space<hbm>>) target(%dma_start3A_88 : memref<16x128xf32, #tpu.memory_space<vmem>>) offsets(%dma_start3A_90 : memref<16xi32, #tpu.memory_space<vmem>>) semaphore(%arg11 : memref<!tpu.dma_semaphore, #tpu.memory_space<semaphore_mem>>)
      %scan3A_94 = arith.constant 0 : i32
      %scan3A_95 = arith.constant 0 : i32
      %scan3A_96 = arith.constant 126 : i32
      %scan3A_97 = arith.addi %scan3A_95, %scan3A_96 : i32
      %scan3A_98 = arith.constant 1 : i32
      scf.for %scan3A_105 = %scan3A_95 to %scan3A_97 step %scan3A_98  : i32 {
        %mul3A_106 = arith.constant 2 : i32
        %mul3A_107 = arith.muli %scan3A_105, %mul3A_106 : i32
        %add3A_108 = arith.constant 1 : i32
        %add3A_109 = arith.addi %mul3A_107, %add3A_108 : i32
        %mul3A_110 = arith.constant 64 : i32
        %mul3A_111 = arith.muli %add3A_109, %mul3A_110 : i32
        %add3A_112 = arith.constant 0 : i32
        %add3A_113 = arith.addi %mul3A_111, %add3A_112 : i32
        %dma_start3A_114 = arith.constant 0 : i32
        %dma_start3A_115 = arith.constant 0 : i32
        %dma_start3A_116 = tpu.memref_slice %arg9[%dma_start3A_114, %dma_start3A_115] : memref<64x128xf32, #tpu.memory_space<vmem>> -> memref<16x128xf32, #tpu.memory_space<vmem>>
        %dma_start3A_117 = tpu.memref_slice %arg6[%add3A_113] : memref<16192xi32, #tpu.memory_space<vmem>> -> memref<16xi32, #tpu.memory_space<vmem>>
        %dma_start3A_118 = arith.constant 0 : i32
        %dma_start3A_119 = arith.constant 0 : i32
        %dma_start3A_120 = tpu.memref_slice %arg2[%dma_start3A_118, %dma_start3A_119] : memref<10000x128xf32, #tpu.memory_space<hbm>> -> memref<10000x128xf32, #tpu.memory_space<hbm>>
        tpu.enqueue_indirect_dma source(%dma_start3A_120 : memref<10000x128xf32, #tpu.memory_space<hbm>>) target(%dma_start3A_116 : memref<16x128xf32, #tpu.memory_space<vmem>>) offsets(%dma_start3A_117 : memref<16xi32, #tpu.memory_space<vmem>>) semaphore(%arg12 : memref<!tpu.dma_semaphore, #tpu.memory_space<semaphore_mem>>)
        %mul3A_121 = arith.constant 64 : i32
        %mul3A_122 = arith.muli %add3A_109, %mul3A_121 : i32
        %add3A_123 = arith.constant 16 : i32
        %add3A_124 = arith.addi %mul3A_122, %add3A_123 : i32
        %dma_start3A_125 = arith.constant 16 : i32
        %dma_start3A_126 = arith.constant 0 : i32
        %dma_start3A_127 = tpu.memref_slice %arg9[%dma_start3A_125, %dma_start3A_126] : memref<64x128xf32, #tpu.memory_space<vmem>> -> memref<16x128xf32, #tpu.memory_space<vmem>>
        %dma_start3A_128 = tpu.memref_slice %arg6[%add3A_124] : memref<16192xi32, #tpu.memory_space<vmem>> -> memref<16xi32, #tpu.memory_space<vmem>>
        %dma_start3A_129 = arith.constant 0 : i32
        %dma_start3A_130 = arith.constant 0 : i32
        %dma_start3A_131 = tpu.memref_slice %arg2[%dma_start3A_129, %dma_start3A_130] : memref<10000x128xf32, #tpu.memory_space<hbm>> -> memref<10000x128xf32, #tpu.memory_space<hbm>>
        tpu.enqueue_indirect_dma source(%dma_start3A_131 : memref<10000x128xf32, #tpu.memory_space<hbm>>) target(%dma_start3A_127 : memref<16x128xf32, #tpu.memory_space<vmem>>) offsets(%dma_start3A_128 : memref<16xi32, #tpu.memory_space<vmem>>) semaphore(%arg12 : memref<!tpu.dma_semaphore, #tpu.memory_space<semaphore_mem>>)
        %mul3A_132 = arith.constant 64 : i32
        %mul3A_133 = arith.muli %add3A_109, %mul3A_132 : i32
        %add3A_134 = arith.constant 32 : i32
        %add3A_135 = arith.addi %mul3A_133, %add3A_134 : i32
        %dma_start3A_136 = arith.constant 32 : i32
        %dma_start3A_137 = arith.constant 0 : i32
        %dma_start3A_138 = tpu.memref_slice %arg9[%dma_start3A_136, %dma_start3A_137] : memref<64x128xf32, #tpu.memory_space<vmem>> -> memref<16x128xf32, #tpu.memory_space<vmem>>
        %dma_start3A_139 = tpu.memref_slice %arg6[%add3A_135] : memref<16192xi32, #tpu.memory_space<vmem>> -> memref<16xi32, #tpu.memory_space<vmem>>
        %dma_start3A_140 = arith.constant 0 : i32
        %dma_start3A_141 = arith.constant 0 : i32
        %dma_start3A_142 = tpu.memref_slice %arg2[%dma_start3A_140, %dma_start3A_141] : memref<10000x128xf32, #tpu.memory_space<hbm>> -> memref<10000x128xf32, #tpu.memory_space<hbm>>
        tpu.enqueue_indirect_dma source(%dma_start3A_142 : memref<10000x128xf32, #tpu.memory_space<hbm>>) target(%dma_start3A_138 : memref<16x128xf32, #tpu.memory_space<vmem>>) offsets(%dma_start3A_139 : memref<16xi32, #tpu.memory_space<vmem>>) semaphore(%arg12 : memref<!tpu.dma_semaphore, #tpu.memory_space<semaphore_mem>>)
        %mul3A_143 = arith.constant 64 : i32
        %mul3A_144 = arith.muli %add3A_109, %mul3A_143 : i32
        %add3A_145 = arith.constant 48 : i32
        %add3A_146 = arith.addi %mul3A_144, %add3A_145 : i32
        %dma_start3A_147 = arith.constant 48 : i32
        %dma_start3A_148 = arith.constant 0 : i32
        %dma_start3A_149 = tpu.memref_slice %arg9[%dma_start3A_147, %dma_start3A_148] : memref<64x128xf32, #tpu.memory_space<vmem>> -> memref<16x128xf32, #tpu.memory_space<vmem>>
        %dma_start3A_150 = tpu.memref_slice %arg6[%add3A_146] : memref<16192xi32, #tpu.memory_space<vmem>> -> memref<16xi32, #tpu.memory_space<vmem>>
        %dma_start3A_151 = arith.constant 0 : i32
        %dma_start3A_152 = arith.constant 0 : i32
        %dma_start3A_153 = tpu.memref_slice %arg2[%dma_start3A_151, %dma_start3A_152] : memref<10000x128xf32, #tpu.memory_space<hbm>> -> memref<10000x128xf32, #tpu.memory_space<hbm>>
        tpu.enqueue_indirect_dma source(%dma_start3A_153 : memref<10000x128xf32, #tpu.memory_space<hbm>>) target(%dma_start3A_149 : memref<16x128xf32, #tpu.memory_space<vmem>>) offsets(%dma_start3A_150 : memref<16xi32, #tpu.memory_space<vmem>>) semaphore(%arg12 : memref<!tpu.dma_semaphore, #tpu.memory_space<semaphore_mem>>)
        %dma_wait3A_154 = arith.constant 0 : i32
        %dma_wait3A_155 = arith.constant 0 : i32
        %dma_wait3A_156 = tpu.memref_slice %arg2[%dma_wait3A_154, %dma_wait3A_155] : memref<10000x128xf32, #tpu.memory_space<hbm>> -> memref<64x128xf32, #tpu.memory_space<hbm>>
        %dma_wait3A_157 = arith.constant 0 : i32
        %dma_wait3A_158 = arith.constant 0 : i32
        %dma_wait3A_159 = tpu.memref_slice %arg2[%dma_wait3A_157, %dma_wait3A_158] : memref<10000x128xf32, #tpu.memory_space<hbm>> -> memref<64x128xf32, #tpu.memory_space<hbm>>
        tpu.wait_dma2 semaphore(%arg11 : memref<!tpu.dma_semaphore, #tpu.memory_space<semaphore_mem>>) src(%dma_wait3A_159 : memref<64x128xf32, #tpu.memory_space<hbm>>) dst(%arg8 : memref<64x128xf32, #tpu.memory_space<vmem>>)
        %mul3A_160 = arith.constant 64 : i32
        %mul3A_161 = arith.muli %mul3A_107, %mul3A_160 : i32
        "tpu.region"() ({
          %run_scoped3A = tpu.sem_alloc : memref<!tpu.dma_semaphore, #tpu.memory_space<semaphore_mem>>
          %dma_start3A_218 = tpu.memref_slice %arg7[%mul3A_161] : memref<16128xi32, #tpu.memory_space<vmem>> -> memref<64xi32, #tpu.memory_space<vmem>>
          %dma_start3A_219 = arith.constant 0 : i32
          %dma_start3A_220 = arith.constant 0 : i32
          %dma_start3A_221 = tpu.memref_slice %arg10[%dma_start3A_219, %dma_start3A_220] : memref<10112x128xf32, #tpu.memory_space<vmem_shared>> -> memref<10112x128xf32, #tpu.memory_space<vmem_shared>>
          tpu.enqueue_indirect_dma source(%arg8 : memref<64x128xf32, #tpu.memory_space<vmem>>) target(%dma_start3A_221 : memref<10112x128xf32, #tpu.memory_space<vmem_shared>>) offsets(%dma_start3A_218 : memref<64xi32, #tpu.memory_space<vmem>>) semaphore(%run_scoped3A : memref<!tpu.dma_semaphore, #tpu.memory_space<semaphore_mem>>) {add = true}
          %dma_wait3A_222 = tpu.memref_slice %arg7[%mul3A_161] : memref<16128xi32, #tpu.memory_space<vmem>> -> memref<64xi32, #tpu.memory_space<vmem>>
          %dma_wait3A_223 = arith.constant 0 : i32
          %dma_wait3A_224 = arith.constant 0 : i32
          %dma_wait3A_225 = tpu.memref_slice %arg10[%dma_wait3A_223, %dma_wait3A_224] : memref<10112x128xf32, #tpu.memory_space<vmem_shared>> -> memref<10112x128xf32, #tpu.memory_space<vmem_shared>>
          tpu.wait_indirect_dma semaphore(%run_scoped3A : memref<!tpu.dma_semaphore, #tpu.memory_space<semaphore_mem>>) src(%arg8 : memref<64x128xf32, #tpu.memory_space<vmem>>) dst(%dma_wait3A_225 : memref<10112x128xf32, #tpu.memory_space<vmem_shared>>)
          tpu.yield
        }) : () -> ()
        %add3A_162 = arith.constant 2 : i32
        %add3A_163 = arith.addi %mul3A_107, %add3A_162 : i32
        %mul3A_164 = arith.constant 64 : i32
        %mul3A_165 = arith.muli %add3A_163, %mul3A_164 : i32
        %add3A_166 = arith.constant 0 : i32
        %add3A_167 = arith.addi %mul3A_165, %add3A_166 : i32
        %dma_start3A_168 = arith.constant 0 : i32
        %dma_start3A_169 = arith.constant 0 : i32
        %dma_start3A_170 = tpu.memref_slice %arg8[%dma_start3A_168, %dma_start3A_169] : memref<64x128xf32, #tpu.memory_space<vmem>> -> memref<16x128xf32, #tpu.memory_space<vmem>>
        %dma_start3A_171 = tpu.memref_slice %arg6[%add3A_167] : memref<16192xi32, #tpu.memory_space<vmem>> -> memref<16xi32, #tpu.memory_space<vmem>>
        %dma_start3A_172 = arith.constant 0 : i32
        %dma_start3A_173 = arith.constant 0 : i32
        %dma_start3A_174 = tpu.memref_slice %arg2[%dma_start3A_172, %dma_start3A_173] : memref<10000x128xf32, #tpu.memory_space<hbm>> -> memref<10000x128xf32, #tpu.memory_space<hbm>>
        tpu.enqueue_indirect_dma source(%dma_start3A_174 : memref<10000x128xf32, #tpu.memory_space<hbm>>) target(%dma_start3A_170 : memref<16x128xf32, #tpu.memory_space<vmem>>) offsets(%dma_start3A_171 : memref<16xi32, #tpu.memory_space<vmem>>) semaphore(%arg11 : memref<!tpu.dma_semaphore, #tpu.memory_space<semaphore_mem>>)
        %mul3A_175 = arith.constant 64 : i32
        %mul3A_176 = arith.muli %add3A_163, %mul3A_175 : i32
        %add3A_177 = arith.constant 16 : i32
        %add3A_178 = arith.addi %mul3A_176, %add3A_177 : i32
        %dma_start3A_179 = arith.constant 16 : i32
        %dma_start3A_180 = arith.constant 0 : i32
        %dma_start3A_181 = tpu.memref_slice %arg8[%dma_start3A_179, %dma_start3A_180] : memref<64x128xf32, #tpu.memory_space<vmem>> -> memref<16x128xf32, #tpu.memory_space<vmem>>
        %dma_start3A_182 = tpu.memref_slice %arg6[%add3A_178] : memref<16192xi32, #tpu.memory_space<vmem>> -> memref<16xi32, #tpu.memory_space<vmem>>
        %dma_start3A_183 = arith.constant 0 : i32
        %dma_start3A_184 = arith.constant 0 : i32
        %dma_start3A_185 = tpu.memref_slice %arg2[%dma_start3A_183, %dma_start3A_184] : memref<10000x128xf32, #tpu.memory_space<hbm>> -> memref<10000x128xf32, #tpu.memory_space<hbm>>
        tpu.enqueue_indirect_dma source(%dma_start3A_185 : memref<10000x128xf32, #tpu.memory_space<hbm>>) target(%dma_start3A_181 : memref<16x128xf32, #tpu.memory_space<vmem>>) offsets(%dma_start3A_182 : memref<16xi32, #tpu.memory_space<vmem>>) semaphore(%arg11 : memref<!tpu.dma_semaphore, #tpu.memory_space<semaphore_mem>>)
        %mul3A_186 = arith.constant 64 : i32
        %mul3A_187 = arith.muli %add3A_163, %mul3A_186 : i32
        %add3A_188 = arith.constant 32 : i32
        %add3A_189 = arith.addi %mul3A_187, %add3A_188 : i32
        %dma_start3A_190 = arith.constant 32 : i32
        %dma_start3A_191 = arith.constant 0 : i32
        %dma_start3A_192 = tpu.memref_slice %arg8[%dma_start3A_190, %dma_start3A_191] : memref<64x128xf32, #tpu.memory_space<vmem>> -> memref<16x128xf32, #tpu.memory_space<vmem>>
        %dma_start3A_193 = tpu.memref_slice %arg6[%add3A_189] : memref<16192xi32, #tpu.memory_space<vmem>> -> memref<16xi32, #tpu.memory_space<vmem>>
        %dma_start3A_194 = arith.constant 0 : i32
        %dma_start3A_195 = arith.constant 0 : i32
        %dma_start3A_196 = tpu.memref_slice %arg2[%dma_start3A_194, %dma_start3A_195] : memref<10000x128xf32, #tpu.memory_space<hbm>> -> memref<10000x128xf32, #tpu.memory_space<hbm>>
        tpu.enqueue_indirect_dma source(%dma_start3A_196 : memref<10000x128xf32, #tpu.memory_space<hbm>>) target(%dma_start3A_192 : memref<16x128xf32, #tpu.memory_space<vmem>>) offsets(%dma_start3A_193 : memref<16xi32, #tpu.memory_space<vmem>>) semaphore(%arg11 : memref<!tpu.dma_semaphore, #tpu.memory_space<semaphore_mem>>)
        %mul3A_197 = arith.constant 64 : i32
        %mul3A_198 = arith.muli %add3A_163, %mul3A_197 : i32
        %add3A_199 = arith.constant 48 : i32
        %add3A_200 = arith.addi %mul3A_198, %add3A_199 : i32
        %dma_start3A_201 = arith.constant 48 : i32
        %dma_start3A_202 = arith.constant 0 : i32
        %dma_start3A_203 = tpu.memref_slice %arg8[%dma_start3A_201, %dma_start3A_202] : memref<64x128xf32, #tpu.memory_space<vmem>> -> memref<16x128xf32, #tpu.memory_space<vmem>>
        %dma_start3A_204 = tpu.memref_slice %arg6[%add3A_200] : memref<16192xi32, #tpu.memory_space<vmem>> -> memref<16xi32, #tpu.memory_space<vmem>>
        %dma_start3A_205 = arith.constant 0 : i32
        %dma_start3A_206 = arith.constant 0 : i32
        %dma_start3A_207 = tpu.memref_slice %arg2[%dma_start3A_205, %dma_start3A_206] : memref<10000x128xf32, #tpu.memory_space<hbm>> -> memref<10000x128xf32, #tpu.memory_space<hbm>>
        tpu.enqueue_indirect_dma source(%dma_start3A_207 : memref<10000x128xf32, #tpu.memory_space<hbm>>) target(%dma_start3A_203 : memref<16x128xf32, #tpu.memory_space<vmem>>) offsets(%dma_start3A_204 : memref<16xi32, #tpu.memory_space<vmem>>) semaphore(%arg11 : memref<!tpu.dma_semaphore, #tpu.memory_space<semaphore_mem>>)
        %dma_wait3A_208 = arith.constant 0 : i32
        %dma_wait3A_209 = arith.constant 0 : i32
        %dma_wait3A_210 = tpu.memref_slice %arg2[%dma_wait3A_208, %dma_wait3A_209] : memref<10000x128xf32, #tpu.memory_space<hbm>> -> memref<64x128xf32, #tpu.memory_space<hbm>>
        %dma_wait3A_211 = arith.constant 0 : i32
        %dma_wait3A_212 = arith.constant 0 : i32
        %dma_wait3A_213 = tpu.memref_slice %arg2[%dma_wait3A_211, %dma_wait3A_212] : memref<10000x128xf32, #tpu.memory_space<hbm>> -> memref<64x128xf32, #tpu.memory_space<hbm>>
        tpu.wait_dma2 semaphore(%arg12 : memref<!tpu.dma_semaphore, #tpu.memory_space<semaphore_mem>>) src(%dma_wait3A_213 : memref<64x128xf32, #tpu.memory_space<hbm>>) dst(%arg9 : memref<64x128xf32, #tpu.memory_space<vmem>>)
        %add3A_214 = arith.constant 1 : i32
        %add3A_215 = arith.addi %mul3A_107, %add3A_214 : i32
        %mul3A_216 = arith.constant 64 : i32
        %mul3A_217 = arith.muli %add3A_215, %mul3A_216 : i32
        "tpu.region"() ({
          %run_scoped3A = tpu.sem_alloc : memref<!tpu.dma_semaphore, #tpu.memory_space<semaphore_mem>>
          %dma_start3A_218 = tpu.memref_slice %arg7[%mul3A_217] : memref<16128xi32, #tpu.memory_space<vmem>> -> memref<64xi32, #tpu.memory_space<vmem>>
          %dma_start3A_219 = arith.constant 0 : i32
          %dma_start3A_220 = arith.constant 0 : i32
          %dma_start3A_221 = tpu.memref_slice %arg10[%dma_start3A_219, %dma_start3A_220] : memref<10112x128xf32, #tpu.memory_space<vmem_shared>> -> memref<10112x128xf32, #tpu.memory_space<vmem_shared>>
          tpu.enqueue_indirect_dma source(%arg9 : memref<64x128xf32, #tpu.memory_space<vmem>>) target(%dma_start3A_221 : memref<10112x128xf32, #tpu.memory_space<vmem_shared>>) offsets(%dma_start3A_218 : memref<64xi32, #tpu.memory_space<vmem>>) semaphore(%run_scoped3A : memref<!tpu.dma_semaphore, #tpu.memory_space<semaphore_mem>>) {add = true}
          %dma_wait3A_222 = tpu.memref_slice %arg7[%mul3A_217] : memref<16128xi32, #tpu.memory_space<vmem>> -> memref<64xi32, #tpu.memory_space<vmem>>
          %dma_wait3A_223 = arith.constant 0 : i32
          %dma_wait3A_224 = arith.constant 0 : i32
          %dma_wait3A_225 = tpu.memref_slice %arg10[%dma_wait3A_223, %dma_wait3A_224] : memref<10112x128xf32, #tpu.memory_space<vmem_shared>> -> memref<10112x128xf32, #tpu.memory_space<vmem_shared>>
          tpu.wait_indirect_dma semaphore(%run_scoped3A : memref<!tpu.dma_semaphore, #tpu.memory_space<semaphore_mem>>) src(%arg9 : memref<64x128xf32, #tpu.memory_space<vmem>>) dst(%dma_wait3A_225 : memref<10112x128xf32, #tpu.memory_space<vmem_shared>>)
          tpu.yield
        }) : () -> ()
      }
      %scan3A_99 = arith.constant 126 : i32
      %dma_wait3A = arith.constant 0 : i32
      %dma_wait3A_100 = arith.constant 0 : i32
      %dma_wait3A_101 = tpu.memref_slice %arg2[%dma_wait3A, %dma_wait3A_100] : memref<10000x128xf32, #tpu.memory_space<hbm>> -> memref<64x128xf32, #tpu.memory_space<hbm>>
      %dma_wait3A_102 = arith.constant 0 : i32
      %dma_wait3A_103 = arith.constant 0 : i32
      %dma_wait3A_104 = tpu.memref_slice %arg2[%dma_wait3A_102, %dma_wait3A_103] : memref<10000x128xf32, #tpu.memory_space<hbm>> -> memref<64x128xf32, #tpu.memory_space<hbm>>
      tpu.wait_dma2 semaphore(%arg11 : memref<!tpu.dma_semaphore, #tpu.memory_space<semaphore_mem>>) src(%dma_wait3A_104 : memref<64x128xf32, #tpu.memory_space<hbm>>) dst(%arg8 : memref<64x128xf32, #tpu.memory_space<vmem>>)
    } else {
    }
    %barrier3A_58 = arith.constant 0 : index
    tpu.barrier barrier_id(%barrier3A_58)
    %mul3A_59 = arith.constant 624 : i32
    %mul3A_60 = arith.muli %arg1, %mul3A_59 : i32
    %mul3A_61 = arith.constant 624 : i32
    %mul3A_62 = arith.muli %arg1, %mul3A_61 : i32
    "tpu.region"() ({
      %run_scoped3A = tpu.sem_alloc : memref<!tpu.dma_semaphore, #tpu.memory_space<semaphore_mem>>
      %dma_start3A = arith.constant 0 : i32
      %dma_start3A_63 = tpu.memref_slice %arg5[%arg0, %mul3A_62, %dma_start3A] : memref<2x10000x128xf32, #tpu.memory_space<hbm>> -> memref<1x640x128xf32, #tpu.memory_space<hbm>>
      %dma_start3A_64 = tpu.memref_squeeze %dma_start3A_63 : memref<1x640x128xf32, #tpu.memory_space<hbm>> -> memref<640x128xf32, #tpu.memory_space<hbm>>
      %dma_start3A_65 = arith.constant 0 : i32
      %dma_start3A_66 = tpu.memref_slice %arg10[%mul3A_60, %dma_start3A_65] : memref<10112x128xf32, #tpu.memory_space<vmem_shared>> -> memref<640x128xf32, #tpu.memory_space<vmem_shared>>
      tpu.enqueue_dma source(%dma_start3A_66 : memref<640x128xf32, #tpu.memory_space<vmem_shared>>) target(%dma_start3A_64 : memref<640x128xf32, #tpu.memory_space<hbm>>) target_semaphore(%run_scoped3A : memref<!tpu.dma_semaphore, #tpu.memory_space<semaphore_mem>>)
      %dma_wait3A = arith.constant 0 : i32
      %dma_wait3A_67 = tpu.memref_slice %arg5[%arg0, %mul3A_62, %dma_wait3A] : memref<2x10000x128xf32, #tpu.memory_space<hbm>> -> memref<1x640x128xf32, #tpu.memory_space<hbm>>
      %dma_wait3A_68 = tpu.memref_squeeze %dma_wait3A_67 : memref<1x640x128xf32, #tpu.memory_space<hbm>> -> memref<640x128xf32, #tpu.memory_space<hbm>>
      %dma_wait3A_69 = arith.constant 0 : i32
      %dma_wait3A_70 = tpu.memref_slice %arg10[%mul3A_60, %dma_wait3A_69] : memref<10112x128xf32, #tpu.memory_space<vmem_shared>> -> memref<640x128xf32, #tpu.memory_space<vmem_shared>>
      tpu.wait_dma2 semaphore(%run_scoped3A : memref<!tpu.dma_semaphore, #tpu.memory_space<semaphore_mem>>) src(%dma_wait3A_70 : memref<640x128xf32, #tpu.memory_space<vmem_shared>>) dst(%dma_wait3A_68 : memref<640x128xf32, #tpu.memory_space<hbm>>)
      tpu.yield
    }) : () -> ()
    return
  }
}

#map = affine_map<(d0, d1) -> (0, 0, 0, 0)>
#map1 = affine_map<(d0, d1) -> (0, 0, 0)>
module attributes {stable_mosaic.version = 14 : i64} {
  func.func @deg_kernel(%arg0: i32, %arg1: i32, %arg2: memref<32x79x1x128xi32, #tpu.memory_space<hbm>>, %arg3: memref<2x10000x32xf32, #tpu.memory_space<hbm>>, %arg4: memref<79x1x128xi32, #tpu.memory_space<vmem>>, %arg5: memref<128x32xf32, #tpu.memory_space<vmem>>, %arg6: memref<10240x32xf32, #tpu.memory_space<vmem_shared>>) attributes {dimension_semantics = [#tpu.dimension_semantics<core_parallel>, #tpu.dimension_semantics<subcore_parallel>], iteration_bounds = array<i64: 2, 16>, scalar_prefetch = 0 : i64, scratch_operands = 3 : i64, tpu.core_type = #tpu.core_type<sc_vector_subcore>, window_params = [{transform_indices = #map}, {transform_indices = #map1}]} {
    %mul3A = arith.constant 16 : i32
    %mul3A_0 = arith.muli %arg0, %mul3A : i32
    %add3A = arith.addi %mul3A_0, %arg1 : i32
    "tpu.region"() ({
      %run_scoped3A = tpu.sem_alloc : memref<!tpu.dma_semaphore, #tpu.memory_space<semaphore_mem>>
      %dma_start3A = arith.constant 0 : i32
      %dma_start3A_43 = arith.constant 0 : i32
      %dma_start3A_44 = arith.constant 0 : i32
      %dma_start3A_45 = tpu.memref_slice %arg2[%add3A, %dma_start3A, %dma_start3A_43, %dma_start3A_44] : memref<32x79x1x128xi32, #tpu.memory_space<hbm>> -> memref<1x79x1x128xi32, #tpu.memory_space<hbm>>
      %dma_start3A_46 = tpu.memref_squeeze %dma_start3A_45 : memref<1x79x1x128xi32, #tpu.memory_space<hbm>> -> memref<79x1x128xi32, #tpu.memory_space<hbm>>
      %dma_start3A_47 = arith.constant 0 : i32
      %dma_start3A_48 = arith.constant 0 : i32
      %dma_start3A_49 = arith.constant 0 : i32
      %dma_start3A_50 = tpu.memref_slice %arg2[%add3A, %dma_start3A_47, %dma_start3A_48, %dma_start3A_49] : memref<32x79x1x128xi32, #tpu.memory_space<hbm>> -> memref<1x79x1x128xi32, #tpu.memory_space<hbm>>
      %dma_start3A_51 = tpu.memref_squeeze %dma_start3A_50 : memref<1x79x1x128xi32, #tpu.memory_space<hbm>> -> memref<79x1x128xi32, #tpu.memory_space<hbm>>
      tpu.enqueue_dma source(%dma_start3A_51 : memref<79x1x128xi32, #tpu.memory_space<hbm>>) target(%arg4 : memref<79x1x128xi32, #tpu.memory_space<vmem>>) target_semaphore(%run_scoped3A : memref<!tpu.dma_semaphore, #tpu.memory_space<semaphore_mem>>)
      %dma_wait3A = arith.constant 0 : i32
      %dma_wait3A_52 = arith.constant 0 : i32
      %dma_wait3A_53 = arith.constant 0 : i32
      %dma_wait3A_54 = tpu.memref_slice %arg2[%add3A, %dma_wait3A, %dma_wait3A_52, %dma_wait3A_53] : memref<32x79x1x128xi32, #tpu.memory_space<hbm>> -> memref<1x79x1x128xi32, #tpu.memory_space<hbm>>
      %dma_wait3A_55 = tpu.memref_squeeze %dma_wait3A_54 : memref<1x79x1x128xi32, #tpu.memory_space<hbm>> -> memref<79x1x128xi32, #tpu.memory_space<hbm>>
      %dma_wait3A_56 = arith.constant 0 : i32
      %dma_wait3A_57 = arith.constant 0 : i32
      %dma_wait3A_58 = arith.constant 0 : i32
      %dma_wait3A_59 = tpu.memref_slice %arg2[%add3A, %dma_wait3A_56, %dma_wait3A_57, %dma_wait3A_58] : memref<32x79x1x128xi32, #tpu.memory_space<hbm>> -> memref<1x79x1x128xi32, #tpu.memory_space<hbm>>
      %dma_wait3A_60 = tpu.memref_squeeze %dma_wait3A_59 : memref<1x79x1x128xi32, #tpu.memory_space<hbm>> -> memref<79x1x128xi32, #tpu.memory_space<hbm>>
      tpu.wait_dma2 semaphore(%run_scoped3A : memref<!tpu.dma_semaphore, #tpu.memory_space<semaphore_mem>>) src(%dma_wait3A_60 : memref<79x1x128xi32, #tpu.memory_space<hbm>>) dst(%arg4 : memref<79x1x128xi32, #tpu.memory_space<vmem>>)
      tpu.yield
    }) : () -> ()
    %scan3A = arith.constant 0 : i32
    %scan3A_1 = arith.constant 0 : i32
    %scan3A_2 = arith.constant 128 : i32
    %scan3A_3 = arith.addi %scan3A_1, %scan3A_2 : i32
    %scan3A_4 = arith.constant 1 : i32
    scf.for %scan3A_43 = %scan3A_1 to %scan3A_3 step %scan3A_4  : i32 {
      %broadcast_in_dim3A = arith.constant 0.000000e+00 : f32
      %broadcast_in_dim3A_44 = vector.broadcast %broadcast_in_dim3A : f32 to vector<16xf32>
      %swap3A = arith.index_cast %scan3A_43 : i32 to index
      %swap3A_45 = arith.constant 0 : index
      %swap3A_46 = tpu.vector_load %arg5[%swap3A, %swap3A_45] {strides = array<i32>} : memref<128x32xf32, #tpu.memory_space<vmem>>, vector<1x16xf32>,
      %swap3A_47 = vector.shape_cast %swap3A_46 : vector<1x16xf32> to vector<16xf32>
      %swap3A_48 = vector.shape_cast %broadcast_in_dim3A_44 : vector<16xf32> to vector<1x16xf32>
      tpu.vector_store %arg5[%swap3A, %swap3A_45], %swap3A_48 {strides = array<i32>} : memref<128x32xf32, #tpu.memory_space<vmem>>, vector<1x16xf32>,
      %broadcast_in_dim3A_49 = arith.constant 0.000000e+00 : f32
      %broadcast_in_dim3A_50 = vector.broadcast %broadcast_in_dim3A_49 : f32 to vector<16xf32>
      %swap3A_51 = arith.index_cast %scan3A_43 : i32 to index
      %swap3A_52 = arith.constant 16 : index
      %swap3A_53 = tpu.vector_load %arg5[%swap3A_51, %swap3A_52] {strides = array<i32>} : memref<128x32xf32, #tpu.memory_space<vmem>>, vector<1x16xf32>,
      %swap3A_54 = vector.shape_cast %swap3A_53 : vector<1x16xf32> to vector<16xf32>
      %swap3A_55 = vector.shape_cast %broadcast_in_dim3A_50 : vector<16xf32> to vector<1x16xf32>
      tpu.vector_store %arg5[%swap3A_51, %swap3A_52], %swap3A_55 {strides = array<i32>} : memref<128x32xf32, #tpu.memory_space<vmem>>, vector<1x16xf32>,
    }
    %scan3A_5 = arith.constant 128 : i32
    %mul3A_6 = arith.constant 640 : i32
    %mul3A_7 = arith.muli %arg1, %mul3A_6 : i32
    %add3A_8 = arith.constant 0 : i32
    %add3A_9 = arith.addi %mul3A_7, %add3A_8 : i32
    "tpu.region"() ({
      %run_scoped3A = tpu.sem_alloc : memref<!tpu.dma_semaphore, #tpu.memory_space<semaphore_mem>>
      %dma_start3A = arith.constant 0 : i32
      %dma_start3A_43 = tpu.memref_slice %arg6[%add3A_9, %dma_start3A] : memref<10240x32xf32, #tpu.memory_space<vmem_shared>> -> memref<128x32xf32, #tpu.memory_space<vmem_shared>>
      %dma_start3A_44 = arith.constant 0 : i32
      %dma_start3A_45 = tpu.memref_slice %arg6[%add3A_9, %dma_start3A_44] : memref<10240x32xf32, #tpu.memory_space<vmem_shared>> -> memref<128x32xf32, #tpu.memory_space<vmem_shared>>
      tpu.enqueue_dma source(%arg5 : memref<128x32xf32, #tpu.memory_space<vmem>>) target(%dma_start3A_45 : memref<128x32xf32, #tpu.memory_space<vmem_shared>>) target_semaphore(%run_scoped3A : memref<!tpu.dma_semaphore, #tpu.memory_space<semaphore_mem>>)
      %dma_wait3A = arith.constant 0 : i32
      %dma_wait3A_46 = tpu.memref_slice %arg6[%add3A_9, %dma_wait3A] : memref<10240x32xf32, #tpu.memory_space<vmem_shared>> -> memref<128x32xf32, #tpu.memory_space<vmem_shared>>
      %dma_wait3A_47 = arith.constant 0 : i32
      %dma_wait3A_48 = tpu.memref_slice %arg6[%add3A_9, %dma_wait3A_47] : memref<10240x32xf32, #tpu.memory_space<vmem_shared>> -> memref<128x32xf32, #tpu.memory_space<vmem_shared>>
      tpu.wait_dma2 semaphore(%run_scoped3A : memref<!tpu.dma_semaphore, #tpu.memory_space<semaphore_mem>>) src(%arg5 : memref<128x32xf32, #tpu.memory_space<vmem>>) dst(%dma_wait3A_48 : memref<128x32xf32, #tpu.memory_space<vmem_shared>>)
      tpu.yield
    }) : () -> ()
    %mul3A_10 = arith.constant 640 : i32
    %mul3A_11 = arith.muli %arg1, %mul3A_10 : i32
    %add3A_12 = arith.constant 128 : i32
    %add3A_13 = arith.addi %mul3A_11, %add3A_12 : i32
    "tpu.region"() ({
      %run_scoped3A = tpu.sem_alloc : memref<!tpu.dma_semaphore, #tpu.memory_space<semaphore_mem>>
      %dma_start3A = arith.constant 0 : i32
      %dma_start3A_43 = tpu.memref_slice %arg6[%add3A_13, %dma_start3A] : memref<10240x32xf32, #tpu.memory_space<vmem_shared>> -> memref<128x32xf32, #tpu.memory_space<vmem_shared>>
      %dma_start3A_44 = arith.constant 0 : i32
      %dma_start3A_45 = tpu.memref_slice %arg6[%add3A_13, %dma_start3A_44] : memref<10240x32xf32, #tpu.memory_space<vmem_shared>> -> memref<128x32xf32, #tpu.memory_space<vmem_shared>>
      tpu.enqueue_dma source(%arg5 : memref<128x32xf32, #tpu.memory_space<vmem>>) target(%dma_start3A_45 : memref<128x32xf32, #tpu.memory_space<vmem_shared>>) target_semaphore(%run_scoped3A : memref<!tpu.dma_semaphore, #tpu.memory_space<semaphore_mem>>)
      %dma_wait3A = arith.constant 0 : i32
      %dma_wait3A_46 = tpu.memref_slice %arg6[%add3A_13, %dma_wait3A] : memref<10240x32xf32, #tpu.memory_space<vmem_shared>> -> memref<128x32xf32, #tpu.memory_space<vmem_shared>>
      %dma_wait3A_47 = arith.constant 0 : i32
      %dma_wait3A_48 = tpu.memref_slice %arg6[%add3A_13, %dma_wait3A_47] : memref<10240x32xf32, #tpu.memory_space<vmem_shared>> -> memref<128x32xf32, #tpu.memory_space<vmem_shared>>
      tpu.wait_dma2 semaphore(%run_scoped3A : memref<!tpu.dma_semaphore, #tpu.memory_space<semaphore_mem>>) src(%arg5 : memref<128x32xf32, #tpu.memory_space<vmem>>) dst(%dma_wait3A_48 : memref<128x32xf32, #tpu.memory_space<vmem_shared>>)
      tpu.yield
    }) : () -> ()
    %mul3A_14 = arith.constant 640 : i32
    %mul3A_15 = arith.muli %arg1, %mul3A_14 : i32
    %add3A_16 = arith.constant 256 : i32
    %add3A_17 = arith.addi %mul3A_15, %add3A_16 : i32
    "tpu.region"() ({
      %run_scoped3A = tpu.sem_alloc : memref<!tpu.dma_semaphore, #tpu.memory_space<semaphore_mem>>
      %dma_start3A = arith.constant 0 : i32
      %dma_start3A_43 = tpu.memref_slice %arg6[%add3A_17, %dma_start3A] : memref<10240x32xf32, #tpu.memory_space<vmem_shared>> -> memref<128x32xf32, #tpu.memory_space<vmem_shared>>
      %dma_start3A_44 = arith.constant 0 : i32
      %dma_start3A_45 = tpu.memref_slice %arg6[%add3A_17, %dma_start3A_44] : memref<10240x32xf32, #tpu.memory_space<vmem_shared>> -> memref<128x32xf32, #tpu.memory_space<vmem_shared>>
      tpu.enqueue_dma source(%arg5 : memref<128x32xf32, #tpu.memory_space<vmem>>) target(%dma_start3A_45 : memref<128x32xf32, #tpu.memory_space<vmem_shared>>) target_semaphore(%run_scoped3A : memref<!tpu.dma_semaphore, #tpu.memory_space<semaphore_mem>>)
      %dma_wait3A = arith.constant 0 : i32
      %dma_wait3A_46 = tpu.memref_slice %arg6[%add3A_17, %dma_wait3A] : memref<10240x32xf32, #tpu.memory_space<vmem_shared>> -> memref<128x32xf32, #tpu.memory_space<vmem_shared>>
      %dma_wait3A_47 = arith.constant 0 : i32
      %dma_wait3A_48 = tpu.memref_slice %arg6[%add3A_17, %dma_wait3A_47] : memref<10240x32xf32, #tpu.memory_space<vmem_shared>> -> memref<128x32xf32, #tpu.memory_space<vmem_shared>>
      tpu.wait_dma2 semaphore(%run_scoped3A : memref<!tpu.dma_semaphore, #tpu.memory_space<semaphore_mem>>) src(%arg5 : memref<128x32xf32, #tpu.memory_space<vmem>>) dst(%dma_wait3A_48 : memref<128x32xf32, #tpu.memory_space<vmem_shared>>)
      tpu.yield
    }) : () -> ()
    %mul3A_18 = arith.constant 640 : i32
    %mul3A_19 = arith.muli %arg1, %mul3A_18 : i32
    %add3A_20 = arith.constant 384 : i32
    %add3A_21 = arith.addi %mul3A_19, %add3A_20 : i32
    "tpu.region"() ({
      %run_scoped3A = tpu.sem_alloc : memref<!tpu.dma_semaphore, #tpu.memory_space<semaphore_mem>>
      %dma_start3A = arith.constant 0 : i32
      %dma_start3A_43 = tpu.memref_slice %arg6[%add3A_21, %dma_start3A] : memref<10240x32xf32, #tpu.memory_space<vmem_shared>> -> memref<128x32xf32, #tpu.memory_space<vmem_shared>>
      %dma_start3A_44 = arith.constant 0 : i32
      %dma_start3A_45 = tpu.memref_slice %arg6[%add3A_21, %dma_start3A_44] : memref<10240x32xf32, #tpu.memory_space<vmem_shared>> -> memref<128x32xf32, #tpu.memory_space<vmem_shared>>
      tpu.enqueue_dma source(%arg5 : memref<128x32xf32, #tpu.memory_space<vmem>>) target(%dma_start3A_45 : memref<128x32xf32, #tpu.memory_space<vmem_shared>>) target_semaphore(%run_scoped3A : memref<!tpu.dma_semaphore, #tpu.memory_space<semaphore_mem>>)
      %dma_wait3A = arith.constant 0 : i32
      %dma_wait3A_46 = tpu.memref_slice %arg6[%add3A_21, %dma_wait3A] : memref<10240x32xf32, #tpu.memory_space<vmem_shared>> -> memref<128x32xf32, #tpu.memory_space<vmem_shared>>
      %dma_wait3A_47 = arith.constant 0 : i32
      %dma_wait3A_48 = tpu.memref_slice %arg6[%add3A_21, %dma_wait3A_47] : memref<10240x32xf32, #tpu.memory_space<vmem_shared>> -> memref<128x32xf32, #tpu.memory_space<vmem_shared>>
      tpu.wait_dma2 semaphore(%run_scoped3A : memref<!tpu.dma_semaphore, #tpu.memory_space<semaphore_mem>>) src(%arg5 : memref<128x32xf32, #tpu.memory_space<vmem>>) dst(%dma_wait3A_48 : memref<128x32xf32, #tpu.memory_space<vmem_shared>>)
      tpu.yield
    }) : () -> ()
    %mul3A_22 = arith.constant 640 : i32
    %mul3A_23 = arith.muli %arg1, %mul3A_22 : i32
    %add3A_24 = arith.constant 512 : i32
    %add3A_25 = arith.addi %mul3A_23, %add3A_24 : i32
    "tpu.region"() ({
      %run_scoped3A = tpu.sem_alloc : memref<!tpu.dma_semaphore, #tpu.memory_space<semaphore_mem>>
      %dma_start3A = arith.constant 0 : i32
      %dma_start3A_43 = tpu.memref_slice %arg6[%add3A_25, %dma_start3A] : memref<10240x32xf32, #tpu.memory_space<vmem_shared>> -> memref<128x32xf32, #tpu.memory_space<vmem_shared>>
      %dma_start3A_44 = arith.constant 0 : i32
      %dma_start3A_45 = tpu.memref_slice %arg6[%add3A_25, %dma_start3A_44] : memref<10240x32xf32, #tpu.memory_space<vmem_shared>> -> memref<128x32xf32, #tpu.memory_space<vmem_shared>>
      tpu.enqueue_dma source(%arg5 : memref<128x32xf32, #tpu.memory_space<vmem>>) target(%dma_start3A_45 : memref<128x32xf32, #tpu.memory_space<vmem_shared>>) target_semaphore(%run_scoped3A : memref<!tpu.dma_semaphore, #tpu.memory_space<semaphore_mem>>)
      %dma_wait3A = arith.constant 0 : i32
      %dma_wait3A_46 = tpu.memref_slice %arg6[%add3A_25, %dma_wait3A] : memref<10240x32xf32, #tpu.memory_space<vmem_shared>> -> memref<128x32xf32, #tpu.memory_space<vmem_shared>>
      %dma_wait3A_47 = arith.constant 0 : i32
      %dma_wait3A_48 = tpu.memref_slice %arg6[%add3A_25, %dma_wait3A_47] : memref<10240x32xf32, #tpu.memory_space<vmem_shared>> -> memref<128x32xf32, #tpu.memory_space<vmem_shared>>
      tpu.wait_dma2 semaphore(%run_scoped3A : memref<!tpu.dma_semaphore, #tpu.memory_space<semaphore_mem>>) src(%arg5 : memref<128x32xf32, #tpu.memory_space<vmem>>) dst(%dma_wait3A_48 : memref<128x32xf32, #tpu.memory_space<vmem_shared>>)
      tpu.yield
    }) : () -> ()
    %scan3A_26 = arith.constant 0 : i32
    %scan3A_27 = arith.constant 0 : i32
    %scan3A_28 = arith.constant 128 : i32
    %scan3A_29 = arith.addi %scan3A_27, %scan3A_28 : i32
    %scan3A_30 = arith.constant 1 : i32
    scf.for %scan3A_43 = %scan3A_27 to %scan3A_29 step %scan3A_30  : i32 {
      %broadcast_in_dim3A = arith.constant 1.000000e+00 : f32
      %broadcast_in_dim3A_44 = vector.broadcast %broadcast_in_dim3A : f32 to vector<16xf32>
      %swap3A = arith.index_cast %scan3A_43 : i32 to index
      %swap3A_45 = arith.constant 0 : index
      %swap3A_46 = tpu.vector_load %arg5[%swap3A, %swap3A_45] {strides = array<i32>} : memref<128x32xf32, #tpu.memory_space<vmem>>, vector<1x16xf32>,
      %swap3A_47 = vector.shape_cast %swap3A_46 : vector<1x16xf32> to vector<16xf32>
      %swap3A_48 = vector.shape_cast %broadcast_in_dim3A_44 : vector<16xf32> to vector<1x16xf32>
      tpu.vector_store %arg5[%swap3A, %swap3A_45], %swap3A_48 {strides = array<i32>} : memref<128x32xf32, #tpu.memory_space<vmem>>, vector<1x16xf32>,
      %broadcast_in_dim3A_49 = arith.constant 1.000000e+00 : f32
      %broadcast_in_dim3A_50 = vector.broadcast %broadcast_in_dim3A_49 : f32 to vector<16xf32>
      %swap3A_51 = arith.index_cast %scan3A_43 : i32 to index
      %swap3A_52 = arith.constant 16 : index
      %swap3A_53 = tpu.vector_load %arg5[%swap3A_51, %swap3A_52] {strides = array<i32>} : memref<128x32xf32, #tpu.memory_space<vmem>>, vector<1x16xf32>,
      %swap3A_54 = vector.shape_cast %swap3A_53 : vector<1x16xf32> to vector<16xf32>
      %swap3A_55 = vector.shape_cast %broadcast_in_dim3A_50 : vector<16xf32> to vector<1x16xf32>
      tpu.vector_store %arg5[%swap3A_51, %swap3A_52], %swap3A_55 {strides = array<i32>} : memref<128x32xf32, #tpu.memory_space<vmem>>, vector<1x16xf32>,
    }
    %scan3A_31 = arith.constant 128 : i32
    %barrier3A = arith.constant 0 : index
    tpu.barrier barrier_id(%barrier3A)
    %scan3A_32 = arith.constant 0 : i32
    %scan3A_33 = arith.constant 0 : i32
    %scan3A_34 = arith.constant 79 : i32
    %scan3A_35 = arith.addi %scan3A_33, %scan3A_34 : i32
    %scan3A_36 = arith.constant 1 : i32
    scf.for %scan3A_43 = %scan3A_33 to %scan3A_35 step %scan3A_36  : i32 {
      %run_scoped3A = arith.constant 0 : i32
      "tpu.region"() ({
        %run_scoped3A_44 = tpu.sem_alloc : memref<!tpu.dma_semaphore, #tpu.memory_space<semaphore_mem>>
        %dma_start3A = arith.constant 0 : i32
        %dma_start3A_45 = tpu.memref_slice %arg4[%scan3A_43, %run_scoped3A, %dma_start3A] : memref<79x1x128xi32, #tpu.memory_space<vmem>> -> memref<1x1x128xi32, #tpu.memory_space<vmem>>
        %dma_start3A_46 = tpu.memref_squeeze %dma_start3A_45 : memref<1x1x128xi32, #tpu.memory_space<vmem>> -> memref<128xi32, #tpu.memory_space<vmem>>
        %dma_start3A_47 = arith.constant 0 : i32
        %dma_start3A_48 = arith.constant 0 : i32
        %dma_start3A_49 = tpu.memref_slice %arg6[%dma_start3A_47, %dma_start3A_48] : memref<10240x32xf32, #tpu.memory_space<vmem_shared>> -> memref<10240x32xf32, #tpu.memory_space<vmem_shared>>
        tpu.enqueue_indirect_dma source(%arg5 : memref<128x32xf32, #tpu.memory_space<vmem>>) target(%dma_start3A_49 : memref<10240x32xf32, #tpu.memory_space<vmem_shared>>) offsets(%dma_start3A_46 : memref<128xi32, #tpu.memory_space<vmem>>) semaphore(%run_scoped3A_44 : memref<!tpu.dma_semaphore, #tpu.memory_space<semaphore_mem>>) {add = true}
        %dma_wait3A = arith.constant 0 : i32
        %dma_wait3A_50 = tpu.memref_slice %arg4[%scan3A_43, %run_scoped3A, %dma_wait3A] : memref<79x1x128xi32, #tpu.memory_space<vmem>> -> memref<1x1x128xi32, #tpu.memory_space<vmem>>
        %dma_wait3A_51 = tpu.memref_squeeze %dma_wait3A_50 : memref<1x1x128xi32, #tpu.memory_space<vmem>> -> memref<128xi32, #tpu.memory_space<vmem>>
        %dma_wait3A_52 = arith.constant 0 : i32
        %dma_wait3A_53 = arith.constant 0 : i32
        %dma_wait3A_54 = tpu.memref_slice %arg6[%dma_wait3A_52, %dma_wait3A_53] : memref<10240x32xf32, #tpu.memory_space<vmem_shared>> -> memref<10240x32xf32, #tpu.memory_space<vmem_shared>>
        tpu.wait_indirect_dma semaphore(%run_scoped3A_44 : memref<!tpu.dma_semaphore, #tpu.memory_space<semaphore_mem>>) src(%arg5 : memref<128x32xf32, #tpu.memory_space<vmem>>) dst(%dma_wait3A_54 : memref<10240x32xf32, #tpu.memory_space<vmem_shared>>)
        tpu.yield
      }) : () -> ()
    }
    %scan3A_37 = arith.constant 79 : i32
    %barrier3A_38 = arith.constant 0 : index
    tpu.barrier barrier_id(%barrier3A_38)
    %mul3A_39 = arith.constant 624 : i32
    %mul3A_40 = arith.muli %arg1, %mul3A_39 : i32
    %mul3A_41 = arith.constant 624 : i32
    %mul3A_42 = arith.muli %arg1, %mul3A_41 : i32
    "tpu.region"() ({
      %run_scoped3A = tpu.sem_alloc : memref<!tpu.dma_semaphore, #tpu.memory_space<semaphore_mem>>
      %dma_start3A = arith.constant 0 : i32
      %dma_start3A_43 = tpu.memref_slice %arg3[%arg0, %mul3A_42, %dma_start3A] : memref<2x10000x32xf32, #tpu.memory_space<hbm>> -> memref<1x640x32xf32, #tpu.memory_space<hbm>>
      %dma_start3A_44 = tpu.memref_squeeze %dma_start3A_43 : memref<1x640x32xf32, #tpu.memory_space<hbm>> -> memref<640x32xf32, #tpu.memory_space<hbm>>
      %dma_start3A_45 = arith.constant 0 : i32
      %dma_start3A_46 = tpu.memref_slice %arg6[%mul3A_40, %dma_start3A_45] : memref<10240x32xf32, #tpu.memory_space<vmem_shared>> -> memref<640x32xf32, #tpu.memory_space<vmem_shared>>
      tpu.enqueue_dma source(%dma_start3A_46 : memref<640x32xf32, #tpu.memory_space<vmem_shared>>) target(%dma_start3A_44 : memref<640x32xf32, #tpu.memory_space<hbm>>) target_semaphore(%run_scoped3A : memref<!tpu.dma_semaphore, #tpu.memory_space<semaphore_mem>>)
      %dma_wait3A = arith.constant 0 : i32
      %dma_wait3A_47 = tpu.memref_slice %arg3[%arg0, %mul3A_42, %dma_wait3A] : memref<2x10000x32xf32, #tpu.memory_space<hbm>> -> memref<1x640x32xf32, #tpu.memory_space<hbm>>
      %dma_wait3A_48 = tpu.memref_squeeze %dma_wait3A_47 : memref<1x640x32xf32, #tpu.memory_space<hbm>> -> memref<640x32xf32, #tpu.memory_space<hbm>>
      %dma_wait3A_49 = arith.constant 0 : i32
      %dma_wait3A_50 = tpu.memref_slice %arg6[%mul3A_40, %dma_wait3A_49] : memref<10240x32xf32, #tpu.memory_space<vmem_shared>> -> memref<640x32xf32, #tpu.memory_space<vmem_shared>>
      tpu.wait_dma2 semaphore(%run_scoped3A : memref<!tpu.dma_semaphore, #tpu.memory_space<semaphore_mem>>) src(%dma_wait3A_50 : memref<640x32xf32, #tpu.memory_space<vmem_shared>>) dst(%dma_wait3A_48 : memref<640x32xf32, #tpu.memory_space<hbm>>)
      tpu.yield
    }) : () -> ()
    return
  }
}

#map = affine_map<(d0, d1) -> (0, 0)>
#map1 = affine_map<(d0, d1) -> (0)>
#map2 = affine_map<(d0, d1) -> (0, 0, 0)>
module attributes {stable_mosaic.version = 14 : i64} {
  func.func @agg_kernel(%arg0: i32, %arg1: i32, %arg2: memref<10000x128xf32, #tpu.memory_space<hbm>>, %arg3: memref<323712xi32, #tpu.memory_space<hbm>>, %arg4: memref<323584xi32, #tpu.memory_space<hbm>>, %arg5: memref<2x10000x128xf32, #tpu.memory_space<hbm>>, %arg6: memref<16192xi32, #tpu.memory_space<vmem>>, %arg7: memref<16128xi32, #tpu.memory_space<vmem>>, %arg8: memref<64x128xf32, #tpu.memory_space<vmem>>, %arg9: memref<64x128xf32, #tpu.memory_space<vmem>>, %arg10: memref<10112x128xf32, #tpu.memory_space<vmem_shared>>, %arg11: memref<!tpu.dma_semaphore, #tpu.memory_space<semaphore_mem>>, %arg12: memref<!tpu.dma_semaphore, #tpu.memory_space<semaphore_mem>>) attributes {dimension_semantics = [#tpu.dimension_semantics<core_parallel>, #tpu.dimension_semantics<subcore_parallel>], iteration_bounds = array<i64: 2, 16>, scalar_prefetch = 0 : i64, scratch_operands = 7 : i64, tpu.core_type = #tpu.core_type<sc_vector_subcore>, window_params = [{transform_indices = #map}, {transform_indices = #map1}, {transform_indices = #map1}, {transform_indices = #map2}]} {
    %eq3A = arith.constant 0 : i32
    %eq3A_0 = arith.cmpi eq, %arg0, %eq3A : i32
    %mul3A = arith.constant 4096 : i32
    %mul3A_1 = arith.muli %arg1, %mul3A : i32
    %mul3A_2 = arith.constant 16128 : i32
    %mul3A_3 = arith.muli %arg1, %mul3A_2 : i32
    %add3A = arith.constant 65536 : i32
    %add3A_4 = arith.addi %add3A, %mul3A_3 : i32
    %select_n3A = arith.select %eq3A_0, %mul3A_1, %add3A_4 : i32
    "tpu.region"() ({
      %run_scoped3A = tpu.sem_alloc : memref<!tpu.dma_semaphore, #tpu.memory_space<semaphore_mem>>
      %dma_start3A = tpu.memref_slice %arg3[%select_n3A] : memref<323712xi32, #tpu.memory_space<hbm>> -> memref<16192xi32, #tpu.memory_space<hbm>>
      %dma_start3A_63 = tpu.memref_slice %arg3[%select_n3A] : memref<323712xi32, #tpu.memory_space<hbm>> -> memref<16192xi32, #tpu.memory_space<hbm>>
      tpu.enqueue_dma source(%dma_start3A_63 : memref<16192xi32, #tpu.memory_space<hbm>>) target(%arg6 : memref<16192xi32, #tpu.memory_space<vmem>>) target_semaphore(%run_scoped3A : memref<!tpu.dma_semaphore, #tpu.memory_space<semaphore_mem>>)
      %dma_wait3A = tpu.memref_slice %arg3[%select_n3A] : memref<323712xi32, #tpu.memory_space<hbm>> -> memref<16192xi32, #tpu.memory_space<hbm>>
      %dma_wait3A_64 = tpu.memref_slice %arg3[%select_n3A] : memref<323712xi32, #tpu.memory_space<hbm>> -> memref<16192xi32, #tpu.memory_space<hbm>>
      tpu.wait_dma2 semaphore(%run_scoped3A : memref<!tpu.dma_semaphore, #tpu.memory_space<semaphore_mem>>) src(%dma_wait3A_64 : memref<16192xi32, #tpu.memory_space<hbm>>) dst(%arg6 : memref<16192xi32, #tpu.memory_space<vmem>>)
      tpu.yield
    }) : () -> ()
    "tpu.region"() ({
      %run_scoped3A = tpu.sem_alloc : memref<!tpu.dma_semaphore, #tpu.memory_space<semaphore_mem>>
      %dma_start3A = tpu.memref_slice %arg4[%select_n3A] : memref<323584xi32, #tpu.memory_space<hbm>> -> memref<16128xi32, #tpu.memory_space<hbm>>
      %dma_start3A_63 = tpu.memref_slice %arg4[%select_n3A] : memref<323584xi32, #tpu.memory_space<hbm>> -> memref<16128xi32, #tpu.memory_space<hbm>>
      tpu.enqueue_dma source(%dma_start3A_63 : memref<16128xi32, #tpu.memory_space<hbm>>) target(%arg7 : memref<16128xi32, #tpu.memory_space<vmem>>) target_semaphore(%run_scoped3A : memref<!tpu.dma_semaphore, #tpu.memory_space<semaphore_mem>>)
      %dma_wait3A = tpu.memref_slice %arg4[%select_n3A] : memref<323584xi32, #tpu.memory_space<hbm>> -> memref<16128xi32, #tpu.memory_space<hbm>>
      %dma_wait3A_64 = tpu.memref_slice %arg4[%select_n3A] : memref<323584xi32, #tpu.memory_space<hbm>> -> memref<16128xi32, #tpu.memory_space<hbm>>
      tpu.wait_dma2 semaphore(%run_scoped3A : memref<!tpu.dma_semaphore, #tpu.memory_space<semaphore_mem>>) src(%dma_wait3A_64 : memref<16128xi32, #tpu.memory_space<hbm>>) dst(%arg7 : memref<16128xi32, #tpu.memory_space<vmem>>)
      tpu.yield
    }) : () -> ()
    %scan3A = arith.constant 0 : i32
    %scan3A_5 = arith.constant 0 : i32
    %scan3A_6 = arith.constant 64 : i32
    %scan3A_7 = arith.addi %scan3A_5, %scan3A_6 : i32
    %scan3A_8 = arith.constant 1 : i32
    scf.for %scan3A_63 = %scan3A_5 to %scan3A_7 step %scan3A_8  : i32 {
      %broadcast_in_dim3A = arith.constant 0.000000e+00 : f32
      %broadcast_in_dim3A_64 = vector.broadcast %broadcast_in_dim3A : f32 to vector<16xf32>
      %swap3A = arith.index_cast %scan3A_63 : i32 to index
      %swap3A_65 = arith.constant 0 : index
      %swap3A_66 = tpu.vector_load %arg8[%swap3A, %swap3A_65] {strides = array<i32>} : memref<64x128xf32, #tpu.memory_space<vmem>>, vector<1x16xf32>,
      %swap3A_67 = vector.shape_cast %swap3A_66 : vector<1x16xf32> to vector<16xf32>
      %swap3A_68 = vector.shape_cast %broadcast_in_dim3A_64 : vector<16xf32> to vector<1x16xf32>
      tpu.vector_store %arg8[%swap3A, %swap3A_65], %swap3A_68 {strides = array<i32>} : memref<64x128xf32, #tpu.memory_space<vmem>>, vector<1x16xf32>,
      %broadcast_in_dim3A_69 = arith.constant 0.000000e+00 : f32
      %broadcast_in_dim3A_70 = vector.broadcast %broadcast_in_dim3A_69 : f32 to vector<16xf32>
      %swap3A_71 = arith.index_cast %scan3A_63 : i32 to index
      %swap3A_72 = arith.constant 16 : index
      %swap3A_73 = tpu.vector_load %arg8[%swap3A_71, %swap3A_72] {strides = array<i32>} : memref<64x128xf32, #tpu.memory_space<vmem>>, vector<1x16xf32>,
      %swap3A_74 = vector.shape_cast %swap3A_73 : vector<1x16xf32> to vector<16xf32>
      %swap3A_75 = vector.shape_cast %broadcast_in_dim3A_70 : vector<16xf32> to vector<1x16xf32>
      tpu.vector_store %arg8[%swap3A_71, %swap3A_72], %swap3A_75 {strides = array<i32>} : memref<64x128xf32, #tpu.memory_space<vmem>>, vector<1x16xf32>,
      %broadcast_in_dim3A_76 = arith.constant 0.000000e+00 : f32
      %broadcast_in_dim3A_77 = vector.broadcast %broadcast_in_dim3A_76 : f32 to vector<16xf32>
      %swap3A_78 = arith.index_cast %scan3A_63 : i32 to index
      %swap3A_79 = arith.constant 32 : index
      %swap3A_80 = tpu.vector_load %arg8[%swap3A_78, %swap3A_79] {strides = array<i32>} : memref<64x128xf32, #tpu.memory_space<vmem>>, vector<1x16xf32>,
      %swap3A_81 = vector.shape_cast %swap3A_80 : vector<1x16xf32> to vector<16xf32>
      %swap3A_82 = vector.shape_cast %broadcast_in_dim3A_77 : vector<16xf32> to vector<1x16xf32>
      tpu.vector_store %arg8[%swap3A_78, %swap3A_79], %swap3A_82 {strides = array<i32>} : memref<64x128xf32, #tpu.memory_space<vmem>>, vector<1x16xf32>,
      %broadcast_in_dim3A_83 = arith.constant 0.000000e+00 : f32
      %broadcast_in_dim3A_84 = vector.broadcast %broadcast_in_dim3A_83 : f32 to vector<16xf32>
      %swap3A_85 = arith.index_cast %scan3A_63 : i32 to index
      %swap3A_86 = arith.constant 48 : index
      %swap3A_87 = tpu.vector_load %arg8[%swap3A_85, %swap3A_86] {strides = array<i32>} : memref<64x128xf32, #tpu.memory_space<vmem>>, vector<1x16xf32>,
      %swap3A_88 = vector.shape_cast %swap3A_87 : vector<1x16xf32> to vector<16xf32>
      %swap3A_89 = vector.shape_cast %broadcast_in_dim3A_84 : vector<16xf32> to vector<1x16xf32>
      tpu.vector_store %arg8[%swap3A_85, %swap3A_86], %swap3A_89 {strides = array<i32>} : memref<64x128xf32, #tpu.memory_space<vmem>>, vector<1x16xf32>,
      %broadcast_in_dim3A_90 = arith.constant 0.000000e+00 : f32
      %broadcast_in_dim3A_91 = vector.broadcast %broadcast_in_dim3A_90 : f32 to vector<16xf32>
      %swap3A_92 = arith.index_cast %scan3A_63 : i32 to index
      %swap3A_93 = arith.constant 64 : index
      %swap3A_94 = tpu.vector_load %arg8[%swap3A_92, %swap3A_93] {strides = array<i32>} : memref<64x128xf32, #tpu.memory_space<vmem>>, vector<1x16xf32>,
      %swap3A_95 = vector.shape_cast %swap3A_94 : vector<1x16xf32> to vector<16xf32>
      %swap3A_96 = vector.shape_cast %broadcast_in_dim3A_91 : vector<16xf32> to vector<1x16xf32>
      tpu.vector_store %arg8[%swap3A_92, %swap3A_93], %swap3A_96 {strides = array<i32>} : memref<64x128xf32, #tpu.memory_space<vmem>>, vector<1x16xf32>,
      %broadcast_in_dim3A_97 = arith.constant 0.000000e+00 : f32
      %broadcast_in_dim3A_98 = vector.broadcast %broadcast_in_dim3A_97 : f32 to vector<16xf32>
      %swap3A_99 = arith.index_cast %scan3A_63 : i32 to index
      %swap3A_100 = arith.constant 80 : index
      %swap3A_101 = tpu.vector_load %arg8[%swap3A_99, %swap3A_100] {strides = array<i32>} : memref<64x128xf32, #tpu.memory_space<vmem>>, vector<1x16xf32>,
      %swap3A_102 = vector.shape_cast %swap3A_101 : vector<1x16xf32> to vector<16xf32>
      %swap3A_103 = vector.shape_cast %broadcast_in_dim3A_98 : vector<16xf32> to vector<1x16xf32>
      tpu.vector_store %arg8[%swap3A_99, %swap3A_100], %swap3A_103 {strides = array<i32>} : memref<64x128xf32, #tpu.memory_space<vmem>>, vector<1x16xf32>,
      %broadcast_in_dim3A_104 = arith.constant 0.000000e+00 : f32
      %broadcast_in_dim3A_105 = vector.broadcast %broadcast_in_dim3A_104 : f32 to vector<16xf32>
      %swap3A_106 = arith.index_cast %scan3A_63 : i32 to index
      %swap3A_107 = arith.constant 96 : index
      %swap3A_108 = tpu.vector_load %arg8[%swap3A_106, %swap3A_107] {strides = array<i32>} : memref<64x128xf32, #tpu.memory_space<vmem>>, vector<1x16xf32>,
      %swap3A_109 = vector.shape_cast %swap3A_108 : vector<1x16xf32> to vector<16xf32>
      %swap3A_110 = vector.shape_cast %broadcast_in_dim3A_105 : vector<16xf32> to vector<1x16xf32>
      tpu.vector_store %arg8[%swap3A_106, %swap3A_107], %swap3A_110 {strides = array<i32>} : memref<64x128xf32, #tpu.memory_space<vmem>>, vector<1x16xf32>,
      %broadcast_in_dim3A_111 = arith.constant 0.000000e+00 : f32
      %broadcast_in_dim3A_112 = vector.broadcast %broadcast_in_dim3A_111 : f32 to vector<16xf32>
      %swap3A_113 = arith.index_cast %scan3A_63 : i32 to index
      %swap3A_114 = arith.constant 112 : index
      %swap3A_115 = tpu.vector_load %arg8[%swap3A_113, %swap3A_114] {strides = array<i32>} : memref<64x128xf32, #tpu.memory_space<vmem>>, vector<1x16xf32>,
      %swap3A_116 = vector.shape_cast %swap3A_115 : vector<1x16xf32> to vector<16xf32>
      %swap3A_117 = vector.shape_cast %broadcast_in_dim3A_112 : vector<16xf32> to vector<1x16xf32>
      tpu.vector_store %arg8[%swap3A_113, %swap3A_114], %swap3A_117 {strides = array<i32>} : memref<64x128xf32, #tpu.memory_space<vmem>>, vector<1x16xf32>,
    }
    %scan3A_9 = arith.constant 64 : i32
    %mul3A_10 = arith.constant 632 : i32
    %mul3A_11 = arith.muli %arg1, %mul3A_10 : i32
    %add3A_12 = arith.constant 0 : i32
    %add3A_13 = arith.addi %mul3A_11, %add3A_12 : i32
    "tpu.region"() ({
      %run_scoped3A = tpu.sem_alloc : memref<!tpu.dma_semaphore, #tpu.memory_space<semaphore_mem>>
      %dma_start3A = arith.constant 0 : i32
      %dma_start3A_63 = arith.constant 0 : i32
      %dma_start3A_64 = tpu.memref_slice %arg8[%dma_start3A, %dma_start3A_63] : memref<64x128xf32, #tpu.memory_space<vmem>> -> memref<64x128xf32, #tpu.memory_space<vmem>>
      %dma_start3A_65 = arith.constant 0 : i32
      %dma_start3A_66 = tpu.memref_slice %arg10[%add3A_13, %dma_start3A_65] : memref<10112x128xf32, #tpu.memory_space<vmem_shared>> -> memref<64x128xf32, #tpu.memory_space<vmem_shared>>
      %dma_start3A_67 = arith.constant 0 : i32
      %dma_start3A_68 = tpu.memref_slice %arg10[%add3A_13, %dma_start3A_67] : memref<10112x128xf32, #tpu.memory_space<vmem_shared>> -> memref<64x128xf32, #tpu.memory_space<vmem_shared>>
      %dma_start3A_69 = arith.constant 0 : i32
      %dma_start3A_70 = arith.constant 0 : i32
      %dma_start3A_71 = tpu.memref_slice %arg8[%dma_start3A_69, %dma_start3A_70] : memref<64x128xf32, #tpu.memory_space<vmem>> -> memref<64x128xf32, #tpu.memory_space<vmem>>
      tpu.enqueue_dma source(%dma_start3A_71 : memref<64x128xf32, #tpu.memory_space<vmem>>) target(%dma_start3A_68 : memref<64x128xf32, #tpu.memory_space<vmem_shared>>) target_semaphore(%run_scoped3A : memref<!tpu.dma_semaphore, #tpu.memory_space<semaphore_mem>>)
      %dma_wait3A = arith.constant 0 : i32
      %dma_wait3A_72 = arith.constant 0 : i32
      %dma_wait3A_73 = tpu.memref_slice %arg8[%dma_wait3A, %dma_wait3A_72] : memref<64x128xf32, #tpu.memory_space<vmem>> -> memref<64x128xf32, #tpu.memory_space<vmem>>
      %dma_wait3A_74 = arith.constant 0 : i32
      %dma_wait3A_75 = tpu.memref_slice %arg10[%add3A_13, %dma_wait3A_74] : memref<10112x128xf32, #tpu.memory_space<vmem_shared>> -> memref<64x128xf32, #tpu.memory_space<vmem_shared>>
      %dma_wait3A_76 = arith.constant 0 : i32
      %dma_wait3A_77 = tpu.memref_slice %arg10[%add3A_13, %dma_wait3A_76] : memref<10112x128xf32, #tpu.memory_space<vmem_shared>> -> memref<64x128xf32, #tpu.memory_space<vmem_shared>>
      %dma_wait3A_78 = arith.constant 0 : i32
      %dma_wait3A_79 = arith.constant 0 : i32
      %dma_wait3A_80 = tpu.memref_slice %arg8[%dma_wait3A_78, %dma_wait3A_79] : memref<64x128xf32, #tpu.memory_space<vmem>> -> memref<64x128xf32, #tpu.memory_space<vmem>>
      tpu.wait_dma2 semaphore(%run_scoped3A : memref<!tpu.dma_semaphore, #tpu.memory_space<semaphore_mem>>) src(%dma_wait3A_80 : memref<64x128xf32, #tpu.memory_space<vmem>>) dst(%dma_wait3A_77 : memref<64x128xf32, #tpu.memory_space<vmem_shared>>)
      tpu.yield
    }) : () -> ()
    %mul3A_14 = arith.constant 632 : i32
    %mul3A_15 = arith.muli %arg1, %mul3A_14 : i32
    %add3A_16 = arith.constant 64 : i32
    %add3A_17 = arith.addi %mul3A_15, %add3A_16 : i32
    "tpu.region"() ({
      %run_scoped3A = tpu.sem_alloc : memref<!tpu.dma_semaphore, #tpu.memory_space<semaphore_mem>>
      %dma_start3A = arith.constant 0 : i32
      %dma_start3A_63 = arith.constant 0 : i32
      %dma_start3A_64 = tpu.memref_slice %arg8[%dma_start3A, %dma_start3A_63] : memref<64x128xf32, #tpu.memory_space<vmem>> -> memref<64x128xf32, #tpu.memory_space<vmem>>
      %dma_start3A_65 = arith.constant 0 : i32
      %dma_start3A_66 = tpu.memref_slice %arg10[%add3A_17, %dma_start3A_65] : memref<10112x128xf32, #tpu.memory_space<vmem_shared>> -> memref<64x128xf32, #tpu.memory_space<vmem_shared>>
      %dma_start3A_67 = arith.constant 0 : i32
      %dma_start3A_68 = tpu.memref_slice %arg10[%add3A_17, %dma_start3A_67] : memref<10112x128xf32, #tpu.memory_space<vmem_shared>> -> memref<64x128xf32, #tpu.memory_space<vmem_shared>>
      %dma_start3A_69 = arith.constant 0 : i32
      %dma_start3A_70 = arith.constant 0 : i32
      %dma_start3A_71 = tpu.memref_slice %arg8[%dma_start3A_69, %dma_start3A_70] : memref<64x128xf32, #tpu.memory_space<vmem>> -> memref<64x128xf32, #tpu.memory_space<vmem>>
      tpu.enqueue_dma source(%dma_start3A_71 : memref<64x128xf32, #tpu.memory_space<vmem>>) target(%dma_start3A_68 : memref<64x128xf32, #tpu.memory_space<vmem_shared>>) target_semaphore(%run_scoped3A : memref<!tpu.dma_semaphore, #tpu.memory_space<semaphore_mem>>)
      %dma_wait3A = arith.constant 0 : i32
      %dma_wait3A_72 = arith.constant 0 : i32
      %dma_wait3A_73 = tpu.memref_slice %arg8[%dma_wait3A, %dma_wait3A_72] : memref<64x128xf32, #tpu.memory_space<vmem>> -> memref<64x128xf32, #tpu.memory_space<vmem>>
      %dma_wait3A_74 = arith.constant 0 : i32
      %dma_wait3A_75 = tpu.memref_slice %arg10[%add3A_17, %dma_wait3A_74] : memref<10112x128xf32, #tpu.memory_space<vmem_shared>> -> memref<64x128xf32, #tpu.memory_space<vmem_shared>>
      %dma_wait3A_76 = arith.constant 0 : i32
      %dma_wait3A_77 = tpu.memref_slice %arg10[%add3A_17, %dma_wait3A_76] : memref<10112x128xf32, #tpu.memory_space<vmem_shared>> -> memref<64x128xf32, #tpu.memory_space<vmem_shared>>
      %dma_wait3A_78 = arith.constant 0 : i32
      %dma_wait3A_79 = arith.constant 0 : i32
      %dma_wait3A_80 = tpu.memref_slice %arg8[%dma_wait3A_78, %dma_wait3A_79] : memref<64x128xf32, #tpu.memory_space<vmem>> -> memref<64x128xf32, #tpu.memory_space<vmem>>
      tpu.wait_dma2 semaphore(%run_scoped3A : memref<!tpu.dma_semaphore, #tpu.memory_space<semaphore_mem>>) src(%dma_wait3A_80 : memref<64x128xf32, #tpu.memory_space<vmem>>) dst(%dma_wait3A_77 : memref<64x128xf32, #tpu.memory_space<vmem_shared>>)
      tpu.yield
    }) : () -> ()
    %mul3A_18 = arith.constant 632 : i32
    %mul3A_19 = arith.muli %arg1, %mul3A_18 : i32
    %add3A_20 = arith.constant 128 : i32
    %add3A_21 = arith.addi %mul3A_19, %add3A_20 : i32
    "tpu.region"() ({
      %run_scoped3A = tpu.sem_alloc : memref<!tpu.dma_semaphore, #tpu.memory_space<semaphore_mem>>
      %dma_start3A = arith.constant 0 : i32
      %dma_start3A_63 = arith.constant 0 : i32
      %dma_start3A_64 = tpu.memref_slice %arg8[%dma_start3A, %dma_start3A_63] : memref<64x128xf32, #tpu.memory_space<vmem>> -> memref<64x128xf32, #tpu.memory_space<vmem>>
      %dma_start3A_65 = arith.constant 0 : i32
      %dma_start3A_66 = tpu.memref_slice %arg10[%add3A_21, %dma_start3A_65] : memref<10112x128xf32, #tpu.memory_space<vmem_shared>> -> memref<64x128xf32, #tpu.memory_space<vmem_shared>>
      %dma_start3A_67 = arith.constant 0 : i32
      %dma_start3A_68 = tpu.memref_slice %arg10[%add3A_21, %dma_start3A_67] : memref<10112x128xf32, #tpu.memory_space<vmem_shared>> -> memref<64x128xf32, #tpu.memory_space<vmem_shared>>
      %dma_start3A_69 = arith.constant 0 : i32
      %dma_start3A_70 = arith.constant 0 : i32
      %dma_start3A_71 = tpu.memref_slice %arg8[%dma_start3A_69, %dma_start3A_70] : memref<64x128xf32, #tpu.memory_space<vmem>> -> memref<64x128xf32, #tpu.memory_space<vmem>>
      tpu.enqueue_dma source(%dma_start3A_71 : memref<64x128xf32, #tpu.memory_space<vmem>>) target(%dma_start3A_68 : memref<64x128xf32, #tpu.memory_space<vmem_shared>>) target_semaphore(%run_scoped3A : memref<!tpu.dma_semaphore, #tpu.memory_space<semaphore_mem>>)
      %dma_wait3A = arith.constant 0 : i32
      %dma_wait3A_72 = arith.constant 0 : i32
      %dma_wait3A_73 = tpu.memref_slice %arg8[%dma_wait3A, %dma_wait3A_72] : memref<64x128xf32, #tpu.memory_space<vmem>> -> memref<64x128xf32, #tpu.memory_space<vmem>>
      %dma_wait3A_74 = arith.constant 0 : i32
      %dma_wait3A_75 = tpu.memref_slice %arg10[%add3A_21, %dma_wait3A_74] : memref<10112x128xf32, #tpu.memory_space<vmem_shared>> -> memref<64x128xf32, #tpu.memory_space<vmem_shared>>
      %dma_wait3A_76 = arith.constant 0 : i32
      %dma_wait3A_77 = tpu.memref_slice %arg10[%add3A_21, %dma_wait3A_76] : memref<10112x128xf32, #tpu.memory_space<vmem_shared>> -> memref<64x128xf32, #tpu.memory_space<vmem_shared>>
      %dma_wait3A_78 = arith.constant 0 : i32
      %dma_wait3A_79 = arith.constant 0 : i32
      %dma_wait3A_80 = tpu.memref_slice %arg8[%dma_wait3A_78, %dma_wait3A_79] : memref<64x128xf32, #tpu.memory_space<vmem>> -> memref<64x128xf32, #tpu.memory_space<vmem>>
      tpu.wait_dma2 semaphore(%run_scoped3A : memref<!tpu.dma_semaphore, #tpu.memory_space<semaphore_mem>>) src(%dma_wait3A_80 : memref<64x128xf32, #tpu.memory_space<vmem>>) dst(%dma_wait3A_77 : memref<64x128xf32, #tpu.memory_space<vmem_shared>>)
      tpu.yield
    }) : () -> ()
    %mul3A_22 = arith.constant 632 : i32
    %mul3A_23 = arith.muli %arg1, %mul3A_22 : i32
    %add3A_24 = arith.constant 192 : i32
    %add3A_25 = arith.addi %mul3A_23, %add3A_24 : i32
    "tpu.region"() ({
      %run_scoped3A = tpu.sem_alloc : memref<!tpu.dma_semaphore, #tpu.memory_space<semaphore_mem>>
      %dma_start3A = arith.constant 0 : i32
      %dma_start3A_63 = arith.constant 0 : i32
      %dma_start3A_64 = tpu.memref_slice %arg8[%dma_start3A, %dma_start3A_63] : memref<64x128xf32, #tpu.memory_space<vmem>> -> memref<64x128xf32, #tpu.memory_space<vmem>>
      %dma_start3A_65 = arith.constant 0 : i32
      %dma_start3A_66 = tpu.memref_slice %arg10[%add3A_25, %dma_start3A_65] : memref<10112x128xf32, #tpu.memory_space<vmem_shared>> -> memref<64x128xf32, #tpu.memory_space<vmem_shared>>
      %dma_start3A_67 = arith.constant 0 : i32
      %dma_start3A_68 = tpu.memref_slice %arg10[%add3A_25, %dma_start3A_67] : memref<10112x128xf32, #tpu.memory_space<vmem_shared>> -> memref<64x128xf32, #tpu.memory_space<vmem_shared>>
      %dma_start3A_69 = arith.constant 0 : i32
      %dma_start3A_70 = arith.constant 0 : i32
      %dma_start3A_71 = tpu.memref_slice %arg8[%dma_start3A_69, %dma_start3A_70] : memref<64x128xf32, #tpu.memory_space<vmem>> -> memref<64x128xf32, #tpu.memory_space<vmem>>
      tpu.enqueue_dma source(%dma_start3A_71 : memref<64x128xf32, #tpu.memory_space<vmem>>) target(%dma_start3A_68 : memref<64x128xf32, #tpu.memory_space<vmem_shared>>) target_semaphore(%run_scoped3A : memref<!tpu.dma_semaphore, #tpu.memory_space<semaphore_mem>>)
      %dma_wait3A = arith.constant 0 : i32
      %dma_wait3A_72 = arith.constant 0 : i32
      %dma_wait3A_73 = tpu.memref_slice %arg8[%dma_wait3A, %dma_wait3A_72] : memref<64x128xf32, #tpu.memory_space<vmem>> -> memref<64x128xf32, #tpu.memory_space<vmem>>
      %dma_wait3A_74 = arith.constant 0 : i32
      %dma_wait3A_75 = tpu.memref_slice %arg10[%add3A_25, %dma_wait3A_74] : memref<10112x128xf32, #tpu.memory_space<vmem_shared>> -> memref<64x128xf32, #tpu.memory_space<vmem_shared>>
      %dma_wait3A_76 = arith.constant 0 : i32
      %dma_wait3A_77 = tpu.memref_slice %arg10[%add3A_25, %dma_wait3A_76] : memref<10112x128xf32, #tpu.memory_space<vmem_shared>> -> memref<64x128xf32, #tpu.memory_space<vmem_shared>>
      %dma_wait3A_78 = arith.constant 0 : i32
      %dma_wait3A_79 = arith.constant 0 : i32
      %dma_wait3A_80 = tpu.memref_slice %arg8[%dma_wait3A_78, %dma_wait3A_79] : memref<64x128xf32, #tpu.memory_space<vmem>> -> memref<64x128xf32, #tpu.memory_space<vmem>>
      tpu.wait_dma2 semaphore(%run_scoped3A : memref<!tpu.dma_semaphore, #tpu.memory_space<semaphore_mem>>) src(%dma_wait3A_80 : memref<64x128xf32, #tpu.memory_space<vmem>>) dst(%dma_wait3A_77 : memref<64x128xf32, #tpu.memory_space<vmem_shared>>)
      tpu.yield
    }) : () -> ()
    %mul3A_26 = arith.constant 632 : i32
    %mul3A_27 = arith.muli %arg1, %mul3A_26 : i32
    %add3A_28 = arith.constant 256 : i32
    %add3A_29 = arith.addi %mul3A_27, %add3A_28 : i32
    "tpu.region"() ({
      %run_scoped3A = tpu.sem_alloc : memref<!tpu.dma_semaphore, #tpu.memory_space<semaphore_mem>>
      %dma_start3A = arith.constant 0 : i32
      %dma_start3A_63 = arith.constant 0 : i32
      %dma_start3A_64 = tpu.memref_slice %arg8[%dma_start3A, %dma_start3A_63] : memref<64x128xf32, #tpu.memory_space<vmem>> -> memref<64x128xf32, #tpu.memory_space<vmem>>
      %dma_start3A_65 = arith.constant 0 : i32
      %dma_start3A_66 = tpu.memref_slice %arg10[%add3A_29, %dma_start3A_65] : memref<10112x128xf32, #tpu.memory_space<vmem_shared>> -> memref<64x128xf32, #tpu.memory_space<vmem_shared>>
      %dma_start3A_67 = arith.constant 0 : i32
      %dma_start3A_68 = tpu.memref_slice %arg10[%add3A_29, %dma_start3A_67] : memref<10112x128xf32, #tpu.memory_space<vmem_shared>> -> memref<64x128xf32, #tpu.memory_space<vmem_shared>>
      %dma_start3A_69 = arith.constant 0 : i32
      %dma_start3A_70 = arith.constant 0 : i32
      %dma_start3A_71 = tpu.memref_slice %arg8[%dma_start3A_69, %dma_start3A_70] : memref<64x128xf32, #tpu.memory_space<vmem>> -> memref<64x128xf32, #tpu.memory_space<vmem>>
      tpu.enqueue_dma source(%dma_start3A_71 : memref<64x128xf32, #tpu.memory_space<vmem>>) target(%dma_start3A_68 : memref<64x128xf32, #tpu.memory_space<vmem_shared>>) target_semaphore(%run_scoped3A : memref<!tpu.dma_semaphore, #tpu.memory_space<semaphore_mem>>)
      %dma_wait3A = arith.constant 0 : i32
      %dma_wait3A_72 = arith.constant 0 : i32
      %dma_wait3A_73 = tpu.memref_slice %arg8[%dma_wait3A, %dma_wait3A_72] : memref<64x128xf32, #tpu.memory_space<vmem>> -> memref<64x128xf32, #tpu.memory_space<vmem>>
      %dma_wait3A_74 = arith.constant 0 : i32
      %dma_wait3A_75 = tpu.memref_slice %arg10[%add3A_29, %dma_wait3A_74] : memref<10112x128xf32, #tpu.memory_space<vmem_shared>> -> memref<64x128xf32, #tpu.memory_space<vmem_shared>>
      %dma_wait3A_76 = arith.constant 0 : i32
      %dma_wait3A_77 = tpu.memref_slice %arg10[%add3A_29, %dma_wait3A_76] : memref<10112x128xf32, #tpu.memory_space<vmem_shared>> -> memref<64x128xf32, #tpu.memory_space<vmem_shared>>
      %dma_wait3A_78 = arith.constant 0 : i32
      %dma_wait3A_79 = arith.constant 0 : i32
      %dma_wait3A_80 = tpu.memref_slice %arg8[%dma_wait3A_78, %dma_wait3A_79] : memref<64x128xf32, #tpu.memory_space<vmem>> -> memref<64x128xf32, #tpu.memory_space<vmem>>
      tpu.wait_dma2 semaphore(%run_scoped3A : memref<!tpu.dma_semaphore, #tpu.memory_space<semaphore_mem>>) src(%dma_wait3A_80 : memref<64x128xf32, #tpu.memory_space<vmem>>) dst(%dma_wait3A_77 : memref<64x128xf32, #tpu.memory_space<vmem_shared>>)
      tpu.yield
    }) : () -> ()
    %mul3A_30 = arith.constant 632 : i32
    %mul3A_31 = arith.muli %arg1, %mul3A_30 : i32
    %add3A_32 = arith.constant 320 : i32
    %add3A_33 = arith.addi %mul3A_31, %add3A_32 : i32
    "tpu.region"() ({
      %run_scoped3A = tpu.sem_alloc : memref<!tpu.dma_semaphore, #tpu.memory_space<semaphore_mem>>
      %dma_start3A = arith.constant 0 : i32
      %dma_start3A_63 = arith.constant 0 : i32
      %dma_start3A_64 = tpu.memref_slice %arg8[%dma_start3A, %dma_start3A_63] : memref<64x128xf32, #tpu.memory_space<vmem>> -> memref<64x128xf32, #tpu.memory_space<vmem>>
      %dma_start3A_65 = arith.constant 0 : i32
      %dma_start3A_66 = tpu.memref_slice %arg10[%add3A_33, %dma_start3A_65] : memref<10112x128xf32, #tpu.memory_space<vmem_shared>> -> memref<64x128xf32, #tpu.memory_space<vmem_shared>>
      %dma_start3A_67 = arith.constant 0 : i32
      %dma_start3A_68 = tpu.memref_slice %arg10[%add3A_33, %dma_start3A_67] : memref<10112x128xf32, #tpu.memory_space<vmem_shared>> -> memref<64x128xf32, #tpu.memory_space<vmem_shared>>
      %dma_start3A_69 = arith.constant 0 : i32
      %dma_start3A_70 = arith.constant 0 : i32
      %dma_start3A_71 = tpu.memref_slice %arg8[%dma_start3A_69, %dma_start3A_70] : memref<64x128xf32, #tpu.memory_space<vmem>> -> memref<64x128xf32, #tpu.memory_space<vmem>>
      tpu.enqueue_dma source(%dma_start3A_71 : memref<64x128xf32, #tpu.memory_space<vmem>>) target(%dma_start3A_68 : memref<64x128xf32, #tpu.memory_space<vmem_shared>>) target_semaphore(%run_scoped3A : memref<!tpu.dma_semaphore, #tpu.memory_space<semaphore_mem>>)
      %dma_wait3A = arith.constant 0 : i32
      %dma_wait3A_72 = arith.constant 0 : i32
      %dma_wait3A_73 = tpu.memref_slice %arg8[%dma_wait3A, %dma_wait3A_72] : memref<64x128xf32, #tpu.memory_space<vmem>> -> memref<64x128xf32, #tpu.memory_space<vmem>>
      %dma_wait3A_74 = arith.constant 0 : i32
      %dma_wait3A_75 = tpu.memref_slice %arg10[%add3A_33, %dma_wait3A_74] : memref<10112x128xf32, #tpu.memory_space<vmem_shared>> -> memref<64x128xf32, #tpu.memory_space<vmem_shared>>
      %dma_wait3A_76 = arith.constant 0 : i32
      %dma_wait3A_77 = tpu.memref_slice %arg10[%add3A_33, %dma_wait3A_76] : memref<10112x128xf32, #tpu.memory_space<vmem_shared>> -> memref<64x128xf32, #tpu.memory_space<vmem_shared>>
      %dma_wait3A_78 = arith.constant 0 : i32
      %dma_wait3A_79 = arith.constant 0 : i32
      %dma_wait3A_80 = tpu.memref_slice %arg8[%dma_wait3A_78, %dma_wait3A_79] : memref<64x128xf32, #tpu.memory_space<vmem>> -> memref<64x128xf32, #tpu.memory_space<vmem>>
      tpu.wait_dma2 semaphore(%run_scoped3A : memref<!tpu.dma_semaphore, #tpu.memory_space<semaphore_mem>>) src(%dma_wait3A_80 : memref<64x128xf32, #tpu.memory_space<vmem>>) dst(%dma_wait3A_77 : memref<64x128xf32, #tpu.memory_space<vmem_shared>>)
      tpu.yield
    }) : () -> ()
    %mul3A_34 = arith.constant 632 : i32
    %mul3A_35 = arith.muli %arg1, %mul3A_34 : i32
    %add3A_36 = arith.constant 384 : i32
    %add3A_37 = arith.addi %mul3A_35, %add3A_36 : i32
    "tpu.region"() ({
      %run_scoped3A = tpu.sem_alloc : memref<!tpu.dma_semaphore, #tpu.memory_space<semaphore_mem>>
      %dma_start3A = arith.constant 0 : i32
      %dma_start3A_63 = arith.constant 0 : i32
      %dma_start3A_64 = tpu.memref_slice %arg8[%dma_start3A, %dma_start3A_63] : memref<64x128xf32, #tpu.memory_space<vmem>> -> memref<64x128xf32, #tpu.memory_space<vmem>>
      %dma_start3A_65 = arith.constant 0 : i32
      %dma_start3A_66 = tpu.memref_slice %arg10[%add3A_37, %dma_start3A_65] : memref<10112x128xf32, #tpu.memory_space<vmem_shared>> -> memref<64x128xf32, #tpu.memory_space<vmem_shared>>
      %dma_start3A_67 = arith.constant 0 : i32
      %dma_start3A_68 = tpu.memref_slice %arg10[%add3A_37, %dma_start3A_67] : memref<10112x128xf32, #tpu.memory_space<vmem_shared>> -> memref<64x128xf32, #tpu.memory_space<vmem_shared>>
      %dma_start3A_69 = arith.constant 0 : i32
      %dma_start3A_70 = arith.constant 0 : i32
      %dma_start3A_71 = tpu.memref_slice %arg8[%dma_start3A_69, %dma_start3A_70] : memref<64x128xf32, #tpu.memory_space<vmem>> -> memref<64x128xf32, #tpu.memory_space<vmem>>
      tpu.enqueue_dma source(%dma_start3A_71 : memref<64x128xf32, #tpu.memory_space<vmem>>) target(%dma_start3A_68 : memref<64x128xf32, #tpu.memory_space<vmem_shared>>) target_semaphore(%run_scoped3A : memref<!tpu.dma_semaphore, #tpu.memory_space<semaphore_mem>>)
      %dma_wait3A = arith.constant 0 : i32
      %dma_wait3A_72 = arith.constant 0 : i32
      %dma_wait3A_73 = tpu.memref_slice %arg8[%dma_wait3A, %dma_wait3A_72] : memref<64x128xf32, #tpu.memory_space<vmem>> -> memref<64x128xf32, #tpu.memory_space<vmem>>
      %dma_wait3A_74 = arith.constant 0 : i32
      %dma_wait3A_75 = tpu.memref_slice %arg10[%add3A_37, %dma_wait3A_74] : memref<10112x128xf32, #tpu.memory_space<vmem_shared>> -> memref<64x128xf32, #tpu.memory_space<vmem_shared>>
      %dma_wait3A_76 = arith.constant 0 : i32
      %dma_wait3A_77 = tpu.memref_slice %arg10[%add3A_37, %dma_wait3A_76] : memref<10112x128xf32, #tpu.memory_space<vmem_shared>> -> memref<64x128xf32, #tpu.memory_space<vmem_shared>>
      %dma_wait3A_78 = arith.constant 0 : i32
      %dma_wait3A_79 = arith.constant 0 : i32
      %dma_wait3A_80 = tpu.memref_slice %arg8[%dma_wait3A_78, %dma_wait3A_79] : memref<64x128xf32, #tpu.memory_space<vmem>> -> memref<64x128xf32, #tpu.memory_space<vmem>>
      tpu.wait_dma2 semaphore(%run_scoped3A : memref<!tpu.dma_semaphore, #tpu.memory_space<semaphore_mem>>) src(%dma_wait3A_80 : memref<64x128xf32, #tpu.memory_space<vmem>>) dst(%dma_wait3A_77 : memref<64x128xf32, #tpu.memory_space<vmem_shared>>)
      tpu.yield
    }) : () -> ()
    %mul3A_38 = arith.constant 632 : i32
    %mul3A_39 = arith.muli %arg1, %mul3A_38 : i32
    %add3A_40 = arith.constant 448 : i32
    %add3A_41 = arith.addi %mul3A_39, %add3A_40 : i32
    "tpu.region"() ({
      %run_scoped3A = tpu.sem_alloc : memref<!tpu.dma_semaphore, #tpu.memory_space<semaphore_mem>>
      %dma_start3A = arith.constant 0 : i32
      %dma_start3A_63 = arith.constant 0 : i32
      %dma_start3A_64 = tpu.memref_slice %arg8[%dma_start3A, %dma_start3A_63] : memref<64x128xf32, #tpu.memory_space<vmem>> -> memref<64x128xf32, #tpu.memory_space<vmem>>
      %dma_start3A_65 = arith.constant 0 : i32
      %dma_start3A_66 = tpu.memref_slice %arg10[%add3A_41, %dma_start3A_65] : memref<10112x128xf32, #tpu.memory_space<vmem_shared>> -> memref<64x128xf32, #tpu.memory_space<vmem_shared>>
      %dma_start3A_67 = arith.constant 0 : i32
      %dma_start3A_68 = tpu.memref_slice %arg10[%add3A_41, %dma_start3A_67] : memref<10112x128xf32, #tpu.memory_space<vmem_shared>> -> memref<64x128xf32, #tpu.memory_space<vmem_shared>>
      %dma_start3A_69 = arith.constant 0 : i32
      %dma_start3A_70 = arith.constant 0 : i32
      %dma_start3A_71 = tpu.memref_slice %arg8[%dma_start3A_69, %dma_start3A_70] : memref<64x128xf32, #tpu.memory_space<vmem>> -> memref<64x128xf32, #tpu.memory_space<vmem>>
      tpu.enqueue_dma source(%dma_start3A_71 : memref<64x128xf32, #tpu.memory_space<vmem>>) target(%dma_start3A_68 : memref<64x128xf32, #tpu.memory_space<vmem_shared>>) target_semaphore(%run_scoped3A : memref<!tpu.dma_semaphore, #tpu.memory_space<semaphore_mem>>)
      %dma_wait3A = arith.constant 0 : i32
      %dma_wait3A_72 = arith.constant 0 : i32
      %dma_wait3A_73 = tpu.memref_slice %arg8[%dma_wait3A, %dma_wait3A_72] : memref<64x128xf32, #tpu.memory_space<vmem>> -> memref<64x128xf32, #tpu.memory_space<vmem>>
      %dma_wait3A_74 = arith.constant 0 : i32
      %dma_wait3A_75 = tpu.memref_slice %arg10[%add3A_41, %dma_wait3A_74] : memref<10112x128xf32, #tpu.memory_space<vmem_shared>> -> memref<64x128xf32, #tpu.memory_space<vmem_shared>>
      %dma_wait3A_76 = arith.constant 0 : i32
      %dma_wait3A_77 = tpu.memref_slice %arg10[%add3A_41, %dma_wait3A_76] : memref<10112x128xf32, #tpu.memory_space<vmem_shared>> -> memref<64x128xf32, #tpu.memory_space<vmem_shared>>
      %dma_wait3A_78 = arith.constant 0 : i32
      %dma_wait3A_79 = arith.constant 0 : i32
      %dma_wait3A_80 = tpu.memref_slice %arg8[%dma_wait3A_78, %dma_wait3A_79] : memref<64x128xf32, #tpu.memory_space<vmem>> -> memref<64x128xf32, #tpu.memory_space<vmem>>
      tpu.wait_dma2 semaphore(%run_scoped3A : memref<!tpu.dma_semaphore, #tpu.memory_space<semaphore_mem>>) src(%dma_wait3A_80 : memref<64x128xf32, #tpu.memory_space<vmem>>) dst(%dma_wait3A_77 : memref<64x128xf32, #tpu.memory_space<vmem_shared>>)
      tpu.yield
    }) : () -> ()
    %mul3A_42 = arith.constant 632 : i32
    %mul3A_43 = arith.muli %arg1, %mul3A_42 : i32
    %add3A_44 = arith.constant 512 : i32
    %add3A_45 = arith.addi %mul3A_43, %add3A_44 : i32
    "tpu.region"() ({
      %run_scoped3A = tpu.sem_alloc : memref<!tpu.dma_semaphore, #tpu.memory_space<semaphore_mem>>
      %dma_start3A = arith.constant 0 : i32
      %dma_start3A_63 = arith.constant 0 : i32
      %dma_start3A_64 = tpu.memref_slice %arg8[%dma_start3A, %dma_start3A_63] : memref<64x128xf32, #tpu.memory_space<vmem>> -> memref<64x128xf32, #tpu.memory_space<vmem>>
      %dma_start3A_65 = arith.constant 0 : i32
      %dma_start3A_66 = tpu.memref_slice %arg10[%add3A_45, %dma_start3A_65] : memref<10112x128xf32, #tpu.memory_space<vmem_shared>> -> memref<64x128xf32, #tpu.memory_space<vmem_shared>>
      %dma_start3A_67 = arith.constant 0 : i32
      %dma_start3A_68 = tpu.memref_slice %arg10[%add3A_45, %dma_start3A_67] : memref<10112x128xf32, #tpu.memory_space<vmem_shared>> -> memref<64x128xf32, #tpu.memory_space<vmem_shared>>
      %dma_start3A_69 = arith.constant 0 : i32
      %dma_start3A_70 = arith.constant 0 : i32
      %dma_start3A_71 = tpu.memref_slice %arg8[%dma_start3A_69, %dma_start3A_70] : memref<64x128xf32, #tpu.memory_space<vmem>> -> memref<64x128xf32, #tpu.memory_space<vmem>>
      tpu.enqueue_dma source(%dma_start3A_71 : memref<64x128xf32, #tpu.memory_space<vmem>>) target(%dma_start3A_68 : memref<64x128xf32, #tpu.memory_space<vmem_shared>>) target_semaphore(%run_scoped3A : memref<!tpu.dma_semaphore, #tpu.memory_space<semaphore_mem>>)
      %dma_wait3A = arith.constant 0 : i32
      %dma_wait3A_72 = arith.constant 0 : i32
      %dma_wait3A_73 = tpu.memref_slice %arg8[%dma_wait3A, %dma_wait3A_72] : memref<64x128xf32, #tpu.memory_space<vmem>> -> memref<64x128xf32, #tpu.memory_space<vmem>>
      %dma_wait3A_74 = arith.constant 0 : i32
      %dma_wait3A_75 = tpu.memref_slice %arg10[%add3A_45, %dma_wait3A_74] : memref<10112x128xf32, #tpu.memory_space<vmem_shared>> -> memref<64x128xf32, #tpu.memory_space<vmem_shared>>
      %dma_wait3A_76 = arith.constant 0 : i32
      %dma_wait3A_77 = tpu.memref_slice %arg10[%add3A_45, %dma_wait3A_76] : memref<10112x128xf32, #tpu.memory_space<vmem_shared>> -> memref<64x128xf32, #tpu.memory_space<vmem_shared>>
      %dma_wait3A_78 = arith.constant 0 : i32
      %dma_wait3A_79 = arith.constant 0 : i32
      %dma_wait3A_80 = tpu.memref_slice %arg8[%dma_wait3A_78, %dma_wait3A_79] : memref<64x128xf32, #tpu.memory_space<vmem>> -> memref<64x128xf32, #tpu.memory_space<vmem>>
      tpu.wait_dma2 semaphore(%run_scoped3A : memref<!tpu.dma_semaphore, #tpu.memory_space<semaphore_mem>>) src(%dma_wait3A_80 : memref<64x128xf32, #tpu.memory_space<vmem>>) dst(%dma_wait3A_77 : memref<64x128xf32, #tpu.memory_space<vmem_shared>>)
      tpu.yield
    }) : () -> ()
    %mul3A_46 = arith.constant 632 : i32
    %mul3A_47 = arith.muli %arg1, %mul3A_46 : i32
    %add3A_48 = arith.constant 576 : i32
    %add3A_49 = arith.addi %mul3A_47, %add3A_48 : i32
    "tpu.region"() ({
      %run_scoped3A = tpu.sem_alloc : memref<!tpu.dma_semaphore, #tpu.memory_space<semaphore_mem>>
      %dma_start3A = arith.constant 0 : i32
      %dma_start3A_63 = arith.constant 0 : i32
      %dma_start3A_64 = tpu.memref_slice %arg8[%dma_start3A, %dma_start3A_63] : memref<64x128xf32, #tpu.memory_space<vmem>> -> memref<56x128xf32, #tpu.memory_space<vmem>>
      %dma_start3A_65 = arith.constant 0 : i32
      %dma_start3A_66 = tpu.memref_slice %arg10[%add3A_49, %dma_start3A_65] : memref<10112x128xf32, #tpu.memory_space<vmem_shared>> -> memref<56x128xf32, #tpu.memory_space<vmem_shared>>
      %dma_start3A_67 = arith.constant 0 : i32
      %dma_start3A_68 = tpu.memref_slice %arg10[%add3A_49, %dma_start3A_67] : memref<10112x128xf32, #tpu.memory_space<vmem_shared>> -> memref<56x128xf32, #tpu.memory_space<vmem_shared>>
      %dma_start3A_69 = arith.constant 0 : i32
      %dma_start3A_70 = arith.constant 0 : i32
      %dma_start3A_71 = tpu.memref_slice %arg8[%dma_start3A_69, %dma_start3A_70] : memref<64x128xf32, #tpu.memory_space<vmem>> -> memref<56x128xf32, #tpu.memory_space<vmem>>
      tpu.enqueue_dma source(%dma_start3A_71 : memref<56x128xf32, #tpu.memory_space<vmem>>) target(%dma_start3A_68 : memref<56x128xf32, #tpu.memory_space<vmem_shared>>) target_semaphore(%run_scoped3A : memref<!tpu.dma_semaphore, #tpu.memory_space<semaphore_mem>>)
      %dma_wait3A = arith.constant 0 : i32
      %dma_wait3A_72 = arith.constant 0 : i32
      %dma_wait3A_73 = tpu.memref_slice %arg8[%dma_wait3A, %dma_wait3A_72] : memref<64x128xf32, #tpu.memory_space<vmem>> -> memref<56x128xf32, #tpu.memory_space<vmem>>
      %dma_wait3A_74 = arith.constant 0 : i32
      %dma_wait3A_75 = tpu.memref_slice %arg10[%add3A_49, %dma_wait3A_74] : memref<10112x128xf32, #tpu.memory_space<vmem_shared>> -> memref<56x128xf32, #tpu.memory_space<vmem_shared>>
      %dma_wait3A_76 = arith.constant 0 : i32
      %dma_wait3A_77 = tpu.memref_slice %arg10[%add3A_49, %dma_wait3A_76] : memref<10112x128xf32, #tpu.memory_space<vmem_shared>> -> memref<56x128xf32, #tpu.memory_space<vmem_shared>>
      %dma_wait3A_78 = arith.constant 0 : i32
      %dma_wait3A_79 = arith.constant 0 : i32
      %dma_wait3A_80 = tpu.memref_slice %arg8[%dma_wait3A_78, %dma_wait3A_79] : memref<64x128xf32, #tpu.memory_space<vmem>> -> memref<56x128xf32, #tpu.memory_space<vmem>>
      tpu.wait_dma2 semaphore(%run_scoped3A : memref<!tpu.dma_semaphore, #tpu.memory_space<semaphore_mem>>) src(%dma_wait3A_80 : memref<56x128xf32, #tpu.memory_space<vmem>>) dst(%dma_wait3A_77 : memref<56x128xf32, #tpu.memory_space<vmem_shared>>)
      tpu.yield
    }) : () -> ()
    %barrier3A = arith.constant 0 : index
    tpu.barrier barrier_id(%barrier3A)
    %eq3A_50 = arith.constant 0 : i32
    %eq3A_51 = arith.cmpi eq, %arg0, %eq3A_50 : i32
    %convert_element_type3A = arith.extui %eq3A_51 : i1 to i32
    %cond3A = arith.constant 0 : i32
    %cond3A_52 = arith.cmpi ne, %convert_element_type3A, %cond3A : i32
    scf.if %cond3A_52 {
      %dma_start3A = arith.constant 0 : i32
      %dma_start3A_63 = arith.constant 0 : i32
      %dma_start3A_64 = tpu.memref_slice %arg8[%dma_start3A, %dma_start3A_63] : memref<64x128xf32, #tpu.memory_space<vmem>> -> memref<16x128xf32, #tpu.memory_space<vmem>>
      %dma_start3A_65 = arith.constant 0 : i32
      %dma_start3A_66 = tpu.memref_slice %arg6[%dma_start3A_65] : memref<16192xi32, #tpu.memory_space<vmem>> -> memref<16xi32, #tpu.memory_space<vmem>>
      %dma_start3A_67 = arith.constant 0 : i32
      %dma_start3A_68 = arith.constant 0 : i32
      %dma_start3A_69 = tpu.memref_slice %arg2[%dma_start3A_67, %dma_start3A_68] : memref<10000x128xf32, #tpu.memory_space<hbm>> -> memref<10000x128xf32, #tpu.memory_space<hbm>>
      tpu.enqueue_indirect_dma source(%dma_start3A_69 : memref<10000x128xf32, #tpu.memory_space<hbm>>) target(%dma_start3A_64 : memref<16x128xf32, #tpu.memory_space<vmem>>) offsets(%dma_start3A_66 : memref<16xi32, #tpu.memory_space<vmem>>) semaphore(%arg11 : memref<!tpu.dma_semaphore, #tpu.memory_space<semaphore_mem>>)
      %dma_start3A_70 = arith.constant 16 : i32
      %dma_start3A_71 = arith.constant 0 : i32
      %dma_start3A_72 = tpu.memref_slice %arg8[%dma_start3A_70, %dma_start3A_71] : memref<64x128xf32, #tpu.memory_space<vmem>> -> memref<16x128xf32, #tpu.memory_space<vmem>>
      %dma_start3A_73 = arith.constant 16 : i32
      %dma_start3A_74 = tpu.memref_slice %arg6[%dma_start3A_73] : memref<16192xi32, #tpu.memory_space<vmem>> -> memref<16xi32, #tpu.memory_space<vmem>>
      %dma_start3A_75 = arith.constant 0 : i32
      %dma_start3A_76 = arith.constant 0 : i32
      %dma_start3A_77 = tpu.memref_slice %arg2[%dma_start3A_75, %dma_start3A_76] : memref<10000x128xf32, #tpu.memory_space<hbm>> -> memref<10000x128xf32, #tpu.memory_space<hbm>>
      tpu.enqueue_indirect_dma source(%dma_start3A_77 : memref<10000x128xf32, #tpu.memory_space<hbm>>) target(%dma_start3A_72 : memref<16x128xf32, #tpu.memory_space<vmem>>) offsets(%dma_start3A_74 : memref<16xi32, #tpu.memory_space<vmem>>) semaphore(%arg11 : memref<!tpu.dma_semaphore, #tpu.memory_space<semaphore_mem>>)
      %dma_start3A_78 = arith.constant 32 : i32
      %dma_start3A_79 = arith.constant 0 : i32
      %dma_start3A_80 = tpu.memref_slice %arg8[%dma_start3A_78, %dma_start3A_79] : memref<64x128xf32, #tpu.memory_space<vmem>> -> memref<16x128xf32, #tpu.memory_space<vmem>>
      %dma_start3A_81 = arith.constant 32 : i32
      %dma_start3A_82 = tpu.memref_slice %arg6[%dma_start3A_81] : memref<16192xi32, #tpu.memory_space<vmem>> -> memref<16xi32, #tpu.memory_space<vmem>>
      %dma_start3A_83 = arith.constant 0 : i32
      %dma_start3A_84 = arith.constant 0 : i32
      %dma_start3A_85 = tpu.memref_slice %arg2[%dma_start3A_83, %dma_start3A_84] : memref<10000x128xf32, #tpu.memory_space<hbm>> -> memref<10000x128xf32, #tpu.memory_space<hbm>>
      tpu.enqueue_indirect_dma source(%dma_start3A_85 : memref<10000x128xf32, #tpu.memory_space<hbm>>) target(%dma_start3A_80 : memref<16x128xf32, #tpu.memory_space<vmem>>) offsets(%dma_start3A_82 : memref<16xi32, #tpu.memory_space<vmem>>) semaphore(%arg11 : memref<!tpu.dma_semaphore, #tpu.memory_space<semaphore_mem>>)
      %dma_start3A_86 = arith.constant 48 : i32
      %dma_start3A_87 = arith.constant 0 : i32
      %dma_start3A_88 = tpu.memref_slice %arg8[%dma_start3A_86, %dma_start3A_87] : memref<64x128xf32, #tpu.memory_space<vmem>> -> memref<16x128xf32, #tpu.memory_space<vmem>>
      %dma_start3A_89 = arith.constant 48 : i32
      %dma_start3A_90 = tpu.memref_slice %arg6[%dma_start3A_89] : memref<16192xi32, #tpu.memory_space<vmem>> -> memref<16xi32, #tpu.memory_space<vmem>>
      %dma_start3A_91 = arith.constant 0 : i32
      %dma_start3A_92 = arith.constant 0 : i32
      %dma_start3A_93 = tpu.memref_slice %arg2[%dma_start3A_91, %dma_start3A_92] : memref<10000x128xf32, #tpu.memory_space<hbm>> -> memref<10000x128xf32, #tpu.memory_space<hbm>>
      tpu.enqueue_indirect_dma source(%dma_start3A_93 : memref<10000x128xf32, #tpu.memory_space<hbm>>) target(%dma_start3A_88 : memref<16x128xf32, #tpu.memory_space<vmem>>) offsets(%dma_start3A_90 : memref<16xi32, #tpu.memory_space<vmem>>) semaphore(%arg11 : memref<!tpu.dma_semaphore, #tpu.memory_space<semaphore_mem>>)
      %scan3A_94 = arith.constant 0 : i32
      %scan3A_95 = arith.constant 0 : i32
      %scan3A_96 = arith.constant 32 : i32
      %scan3A_97 = arith.addi %scan3A_95, %scan3A_96 : i32
      %scan3A_98 = arith.constant 1 : i32
      scf.for %scan3A_105 = %scan3A_95 to %scan3A_97 step %scan3A_98  : i32 {
        %mul3A_106 = arith.constant 2 : i32
        %mul3A_107 = arith.muli %scan3A_105, %mul3A_106 : i32
        %add3A_108 = arith.constant 1 : i32
        %add3A_109 = arith.addi %mul3A_107, %add3A_108 : i32
        %mul3A_110 = arith.constant 64 : i32
        %mul3A_111 = arith.muli %add3A_109, %mul3A_110 : i32
        %add3A_112 = arith.constant 0 : i32
        %add3A_113 = arith.addi %mul3A_111, %add3A_112 : i32
        %dma_start3A_114 = arith.constant 0 : i32
        %dma_start3A_115 = arith.constant 0 : i32
        %dma_start3A_116 = tpu.memref_slice %arg9[%dma_start3A_114, %dma_start3A_115] : memref<64x128xf32, #tpu.memory_space<vmem>> -> memref<16x128xf32, #tpu.memory_space<vmem>>
        %dma_start3A_117 = tpu.memref_slice %arg6[%add3A_113] : memref<16192xi32, #tpu.memory_space<vmem>> -> memref<16xi32, #tpu.memory_space<vmem>>
        %dma_start3A_118 = arith.constant 0 : i32
        %dma_start3A_119 = arith.constant 0 : i32
        %dma_start3A_120 = tpu.memref_slice %arg2[%dma_start3A_118, %dma_start3A_119] : memref<10000x128xf32, #tpu.memory_space<hbm>> -> memref<10000x128xf32, #tpu.memory_space<hbm>>
        tpu.enqueue_indirect_dma source(%dma_start3A_120 : memref<10000x128xf32, #tpu.memory_space<hbm>>) target(%dma_start3A_116 : memref<16x128xf32, #tpu.memory_space<vmem>>) offsets(%dma_start3A_117 : memref<16xi32, #tpu.memory_space<vmem>>) semaphore(%arg12 : memref<!tpu.dma_semaphore, #tpu.memory_space<semaphore_mem>>)
        %mul3A_121 = arith.constant 64 : i32
        %mul3A_122 = arith.muli %add3A_109, %mul3A_121 : i32
        %add3A_123 = arith.constant 16 : i32
        %add3A_124 = arith.addi %mul3A_122, %add3A_123 : i32
        %dma_start3A_125 = arith.constant 16 : i32
        %dma_start3A_126 = arith.constant 0 : i32
        %dma_start3A_127 = tpu.memref_slice %arg9[%dma_start3A_125, %dma_start3A_126] : memref<64x128xf32, #tpu.memory_space<vmem>> -> memref<16x128xf32, #tpu.memory_space<vmem>>
        %dma_start3A_128 = tpu.memref_slice %arg6[%add3A_124] : memref<16192xi32, #tpu.memory_space<vmem>> -> memref<16xi32, #tpu.memory_space<vmem>>
        %dma_start3A_129 = arith.constant 0 : i32
        %dma_start3A_130 = arith.constant 0 : i32
        %dma_start3A_131 = tpu.memref_slice %arg2[%dma_start3A_129, %dma_start3A_130] : memref<10000x128xf32, #tpu.memory_space<hbm>> -> memref<10000x128xf32, #tpu.memory_space<hbm>>
        tpu.enqueue_indirect_dma source(%dma_start3A_131 : memref<10000x128xf32, #tpu.memory_space<hbm>>) target(%dma_start3A_127 : memref<16x128xf32, #tpu.memory_space<vmem>>) offsets(%dma_start3A_128 : memref<16xi32, #tpu.memory_space<vmem>>) semaphore(%arg12 : memref<!tpu.dma_semaphore, #tpu.memory_space<semaphore_mem>>)
        %mul3A_132 = arith.constant 64 : i32
        %mul3A_133 = arith.muli %add3A_109, %mul3A_132 : i32
        %add3A_134 = arith.constant 32 : i32
        %add3A_135 = arith.addi %mul3A_133, %add3A_134 : i32
        %dma_start3A_136 = arith.constant 32 : i32
        %dma_start3A_137 = arith.constant 0 : i32
        %dma_start3A_138 = tpu.memref_slice %arg9[%dma_start3A_136, %dma_start3A_137] : memref<64x128xf32, #tpu.memory_space<vmem>> -> memref<16x128xf32, #tpu.memory_space<vmem>>
        %dma_start3A_139 = tpu.memref_slice %arg6[%add3A_135] : memref<16192xi32, #tpu.memory_space<vmem>> -> memref<16xi32, #tpu.memory_space<vmem>>
        %dma_start3A_140 = arith.constant 0 : i32
        %dma_start3A_141 = arith.constant 0 : i32
        %dma_start3A_142 = tpu.memref_slice %arg2[%dma_start3A_140, %dma_start3A_141] : memref<10000x128xf32, #tpu.memory_space<hbm>> -> memref<10000x128xf32, #tpu.memory_space<hbm>>
        tpu.enqueue_indirect_dma source(%dma_start3A_142 : memref<10000x128xf32, #tpu.memory_space<hbm>>) target(%dma_start3A_138 : memref<16x128xf32, #tpu.memory_space<vmem>>) offsets(%dma_start3A_139 : memref<16xi32, #tpu.memory_space<vmem>>) semaphore(%arg12 : memref<!tpu.dma_semaphore, #tpu.memory_space<semaphore_mem>>)
        %mul3A_143 = arith.constant 64 : i32
        %mul3A_144 = arith.muli %add3A_109, %mul3A_143 : i32
        %add3A_145 = arith.constant 48 : i32
        %add3A_146 = arith.addi %mul3A_144, %add3A_145 : i32
        %dma_start3A_147 = arith.constant 48 : i32
        %dma_start3A_148 = arith.constant 0 : i32
        %dma_start3A_149 = tpu.memref_slice %arg9[%dma_start3A_147, %dma_start3A_148] : memref<64x128xf32, #tpu.memory_space<vmem>> -> memref<16x128xf32, #tpu.memory_space<vmem>>
        %dma_start3A_150 = tpu.memref_slice %arg6[%add3A_146] : memref<16192xi32, #tpu.memory_space<vmem>> -> memref<16xi32, #tpu.memory_space<vmem>>
        %dma_start3A_151 = arith.constant 0 : i32
        %dma_start3A_152 = arith.constant 0 : i32
        %dma_start3A_153 = tpu.memref_slice %arg2[%dma_start3A_151, %dma_start3A_152] : memref<10000x128xf32, #tpu.memory_space<hbm>> -> memref<10000x128xf32, #tpu.memory_space<hbm>>
        tpu.enqueue_indirect_dma source(%dma_start3A_153 : memref<10000x128xf32, #tpu.memory_space<hbm>>) target(%dma_start3A_149 : memref<16x128xf32, #tpu.memory_space<vmem>>) offsets(%dma_start3A_150 : memref<16xi32, #tpu.memory_space<vmem>>) semaphore(%arg12 : memref<!tpu.dma_semaphore, #tpu.memory_space<semaphore_mem>>)
        %dma_wait3A_154 = arith.constant 0 : i32
        %dma_wait3A_155 = arith.constant 0 : i32
        %dma_wait3A_156 = tpu.memref_slice %arg2[%dma_wait3A_154, %dma_wait3A_155] : memref<10000x128xf32, #tpu.memory_space<hbm>> -> memref<64x128xf32, #tpu.memory_space<hbm>>
        %dma_wait3A_157 = arith.constant 0 : i32
        %dma_wait3A_158 = arith.constant 0 : i32
        %dma_wait3A_159 = tpu.memref_slice %arg2[%dma_wait3A_157, %dma_wait3A_158] : memref<10000x128xf32, #tpu.memory_space<hbm>> -> memref<64x128xf32, #tpu.memory_space<hbm>>
        tpu.wait_dma2 semaphore(%arg11 : memref<!tpu.dma_semaphore, #tpu.memory_space<semaphore_mem>>) src(%dma_wait3A_159 : memref<64x128xf32, #tpu.memory_space<hbm>>) dst(%arg8 : memref<64x128xf32, #tpu.memory_space<vmem>>)
        %mul3A_160 = arith.constant 64 : i32
        %mul3A_161 = arith.muli %mul3A_107, %mul3A_160 : i32
        "tpu.region"() ({
          %run_scoped3A = tpu.sem_alloc : memref<!tpu.dma_semaphore, #tpu.memory_space<semaphore_mem>>
          %dma_start3A_218 = tpu.memref_slice %arg7[%mul3A_161] : memref<16128xi32, #tpu.memory_space<vmem>> -> memref<64xi32, #tpu.memory_space<vmem>>
          %dma_start3A_219 = arith.constant 0 : i32
          %dma_start3A_220 = arith.constant 0 : i32
          %dma_start3A_221 = tpu.memref_slice %arg10[%dma_start3A_219, %dma_start3A_220] : memref<10112x128xf32, #tpu.memory_space<vmem_shared>> -> memref<10112x128xf32, #tpu.memory_space<vmem_shared>>
          tpu.enqueue_indirect_dma source(%arg8 : memref<64x128xf32, #tpu.memory_space<vmem>>) target(%dma_start3A_221 : memref<10112x128xf32, #tpu.memory_space<vmem_shared>>) offsets(%dma_start3A_218 : memref<64xi32, #tpu.memory_space<vmem>>) semaphore(%run_scoped3A : memref<!tpu.dma_semaphore, #tpu.memory_space<semaphore_mem>>) {add = true}
          %dma_wait3A_222 = tpu.memref_slice %arg7[%mul3A_161] : memref<16128xi32, #tpu.memory_space<vmem>> -> memref<64xi32, #tpu.memory_space<vmem>>
          %dma_wait3A_223 = arith.constant 0 : i32
          %dma_wait3A_224 = arith.constant 0 : i32
          %dma_wait3A_225 = tpu.memref_slice %arg10[%dma_wait3A_223, %dma_wait3A_224] : memref<10112x128xf32, #tpu.memory_space<vmem_shared>> -> memref<10112x128xf32, #tpu.memory_space<vmem_shared>>
          tpu.wait_indirect_dma semaphore(%run_scoped3A : memref<!tpu.dma_semaphore, #tpu.memory_space<semaphore_mem>>) src(%arg8 : memref<64x128xf32, #tpu.memory_space<vmem>>) dst(%dma_wait3A_225 : memref<10112x128xf32, #tpu.memory_space<vmem_shared>>)
          tpu.yield
        }) : () -> ()
        %add3A_162 = arith.constant 2 : i32
        %add3A_163 = arith.addi %mul3A_107, %add3A_162 : i32
        %mul3A_164 = arith.constant 64 : i32
        %mul3A_165 = arith.muli %add3A_163, %mul3A_164 : i32
        %add3A_166 = arith.constant 0 : i32
        %add3A_167 = arith.addi %mul3A_165, %add3A_166 : i32
        %dma_start3A_168 = arith.constant 0 : i32
        %dma_start3A_169 = arith.constant 0 : i32
        %dma_start3A_170 = tpu.memref_slice %arg8[%dma_start3A_168, %dma_start3A_169] : memref<64x128xf32, #tpu.memory_space<vmem>> -> memref<16x128xf32, #tpu.memory_space<vmem>>
        %dma_start3A_171 = tpu.memref_slice %arg6[%add3A_167] : memref<16192xi32, #tpu.memory_space<vmem>> -> memref<16xi32, #tpu.memory_space<vmem>>
        %dma_start3A_172 = arith.constant 0 : i32
        %dma_start3A_173 = arith.constant 0 : i32
        %dma_start3A_174 = tpu.memref_slice %arg2[%dma_start3A_172, %dma_start3A_173] : memref<10000x128xf32, #tpu.memory_space<hbm>> -> memref<10000x128xf32, #tpu.memory_space<hbm>>
        tpu.enqueue_indirect_dma source(%dma_start3A_174 : memref<10000x128xf32, #tpu.memory_space<hbm>>) target(%dma_start3A_170 : memref<16x128xf32, #tpu.memory_space<vmem>>) offsets(%dma_start3A_171 : memref<16xi32, #tpu.memory_space<vmem>>) semaphore(%arg11 : memref<!tpu.dma_semaphore, #tpu.memory_space<semaphore_mem>>)
        %mul3A_175 = arith.constant 64 : i32
        %mul3A_176 = arith.muli %add3A_163, %mul3A_175 : i32
        %add3A_177 = arith.constant 16 : i32
        %add3A_178 = arith.addi %mul3A_176, %add3A_177 : i32
        %dma_start3A_179 = arith.constant 16 : i32
        %dma_start3A_180 = arith.constant 0 : i32
        %dma_start3A_181 = tpu.memref_slice %arg8[%dma_start3A_179, %dma_start3A_180] : memref<64x128xf32, #tpu.memory_space<vmem>> -> memref<16x128xf32, #tpu.memory_space<vmem>>
        %dma_start3A_182 = tpu.memref_slice %arg6[%add3A_178] : memref<16192xi32, #tpu.memory_space<vmem>> -> memref<16xi32, #tpu.memory_space<vmem>>
        %dma_start3A_183 = arith.constant 0 : i32
        %dma_start3A_184 = arith.constant 0 : i32
        %dma_start3A_185 = tpu.memref_slice %arg2[%dma_start3A_183, %dma_start3A_184] : memref<10000x128xf32, #tpu.memory_space<hbm>> -> memref<10000x128xf32, #tpu.memory_space<hbm>>
        tpu.enqueue_indirect_dma source(%dma_start3A_185 : memref<10000x128xf32, #tpu.memory_space<hbm>>) target(%dma_start3A_181 : memref<16x128xf32, #tpu.memory_space<vmem>>) offsets(%dma_start3A_182 : memref<16xi32, #tpu.memory_space<vmem>>) semaphore(%arg11 : memref<!tpu.dma_semaphore, #tpu.memory_space<semaphore_mem>>)
        %mul3A_186 = arith.constant 64 : i32
        %mul3A_187 = arith.muli %add3A_163, %mul3A_186 : i32
        %add3A_188 = arith.constant 32 : i32
        %add3A_189 = arith.addi %mul3A_187, %add3A_188 : i32
        %dma_start3A_190 = arith.constant 32 : i32
        %dma_start3A_191 = arith.constant 0 : i32
        %dma_start3A_192 = tpu.memref_slice %arg8[%dma_start3A_190, %dma_start3A_191] : memref<64x128xf32, #tpu.memory_space<vmem>> -> memref<16x128xf32, #tpu.memory_space<vmem>>
        %dma_start3A_193 = tpu.memref_slice %arg6[%add3A_189] : memref<16192xi32, #tpu.memory_space<vmem>> -> memref<16xi32, #tpu.memory_space<vmem>>
        %dma_start3A_194 = arith.constant 0 : i32
        %dma_start3A_195 = arith.constant 0 : i32
        %dma_start3A_196 = tpu.memref_slice %arg2[%dma_start3A_194, %dma_start3A_195] : memref<10000x128xf32, #tpu.memory_space<hbm>> -> memref<10000x128xf32, #tpu.memory_space<hbm>>
        tpu.enqueue_indirect_dma source(%dma_start3A_196 : memref<10000x128xf32, #tpu.memory_space<hbm>>) target(%dma_start3A_192 : memref<16x128xf32, #tpu.memory_space<vmem>>) offsets(%dma_start3A_193 : memref<16xi32, #tpu.memory_space<vmem>>) semaphore(%arg11 : memref<!tpu.dma_semaphore, #tpu.memory_space<semaphore_mem>>)
        %mul3A_197 = arith.constant 64 : i32
        %mul3A_198 = arith.muli %add3A_163, %mul3A_197 : i32
        %add3A_199 = arith.constant 48 : i32
        %add3A_200 = arith.addi %mul3A_198, %add3A_199 : i32
        %dma_start3A_201 = arith.constant 48 : i32
        %dma_start3A_202 = arith.constant 0 : i32
        %dma_start3A_203 = tpu.memref_slice %arg8[%dma_start3A_201, %dma_start3A_202] : memref<64x128xf32, #tpu.memory_space<vmem>> -> memref<16x128xf32, #tpu.memory_space<vmem>>
        %dma_start3A_204 = tpu.memref_slice %arg6[%add3A_200] : memref<16192xi32, #tpu.memory_space<vmem>> -> memref<16xi32, #tpu.memory_space<vmem>>
        %dma_start3A_205 = arith.constant 0 : i32
        %dma_start3A_206 = arith.constant 0 : i32
        %dma_start3A_207 = tpu.memref_slice %arg2[%dma_start3A_205, %dma_start3A_206] : memref<10000x128xf32, #tpu.memory_space<hbm>> -> memref<10000x128xf32, #tpu.memory_space<hbm>>
        tpu.enqueue_indirect_dma source(%dma_start3A_207 : memref<10000x128xf32, #tpu.memory_space<hbm>>) target(%dma_start3A_203 : memref<16x128xf32, #tpu.memory_space<vmem>>) offsets(%dma_start3A_204 : memref<16xi32, #tpu.memory_space<vmem>>) semaphore(%arg11 : memref<!tpu.dma_semaphore, #tpu.memory_space<semaphore_mem>>)
        %dma_wait3A_208 = arith.constant 0 : i32
        %dma_wait3A_209 = arith.constant 0 : i32
        %dma_wait3A_210 = tpu.memref_slice %arg2[%dma_wait3A_208, %dma_wait3A_209] : memref<10000x128xf32, #tpu.memory_space<hbm>> -> memref<64x128xf32, #tpu.memory_space<hbm>>
        %dma_wait3A_211 = arith.constant 0 : i32
        %dma_wait3A_212 = arith.constant 0 : i32
        %dma_wait3A_213 = tpu.memref_slice %arg2[%dma_wait3A_211, %dma_wait3A_212] : memref<10000x128xf32, #tpu.memory_space<hbm>> -> memref<64x128xf32, #tpu.memory_space<hbm>>
        tpu.wait_dma2 semaphore(%arg12 : memref<!tpu.dma_semaphore, #tpu.memory_space<semaphore_mem>>) src(%dma_wait3A_213 : memref<64x128xf32, #tpu.memory_space<hbm>>) dst(%arg9 : memref<64x128xf32, #tpu.memory_space<vmem>>)
        %add3A_214 = arith.constant 1 : i32
        %add3A_215 = arith.addi %mul3A_107, %add3A_214 : i32
        %mul3A_216 = arith.constant 64 : i32
        %mul3A_217 = arith.muli %add3A_215, %mul3A_216 : i32
        "tpu.region"() ({
          %run_scoped3A = tpu.sem_alloc : memref<!tpu.dma_semaphore, #tpu.memory_space<semaphore_mem>>
          %dma_start3A_218 = tpu.memref_slice %arg7[%mul3A_217] : memref<16128xi32, #tpu.memory_space<vmem>> -> memref<64xi32, #tpu.memory_space<vmem>>
          %dma_start3A_219 = arith.constant 0 : i32
          %dma_start3A_220 = arith.constant 0 : i32
          %dma_start3A_221 = tpu.memref_slice %arg10[%dma_start3A_219, %dma_start3A_220] : memref<10112x128xf32, #tpu.memory_space<vmem_shared>> -> memref<10112x128xf32, #tpu.memory_space<vmem_shared>>
          tpu.enqueue_indirect_dma source(%arg9 : memref<64x128xf32, #tpu.memory_space<vmem>>) target(%dma_start3A_221 : memref<10112x128xf32, #tpu.memory_space<vmem_shared>>) offsets(%dma_start3A_218 : memref<64xi32, #tpu.memory_space<vmem>>) semaphore(%run_scoped3A : memref<!tpu.dma_semaphore, #tpu.memory_space<semaphore_mem>>) {add = true}
          %dma_wait3A_222 = tpu.memref_slice %arg7[%mul3A_217] : memref<16128xi32, #tpu.memory_space<vmem>> -> memref<64xi32, #tpu.memory_space<vmem>>
          %dma_wait3A_223 = arith.constant 0 : i32
          %dma_wait3A_224 = arith.constant 0 : i32
          %dma_wait3A_225 = tpu.memref_slice %arg10[%dma_wait3A_223, %dma_wait3A_224] : memref<10112x128xf32, #tpu.memory_space<vmem_shared>> -> memref<10112x128xf32, #tpu.memory_space<vmem_shared>>
          tpu.wait_indirect_dma semaphore(%run_scoped3A : memref<!tpu.dma_semaphore, #tpu.memory_space<semaphore_mem>>) src(%arg9 : memref<64x128xf32, #tpu.memory_space<vmem>>) dst(%dma_wait3A_225 : memref<10112x128xf32, #tpu.memory_space<vmem_shared>>)
          tpu.yield
        }) : () -> ()
      }
      %scan3A_99 = arith.constant 32 : i32
      %dma_wait3A = arith.constant 0 : i32
      %dma_wait3A_100 = arith.constant 0 : i32
      %dma_wait3A_101 = tpu.memref_slice %arg2[%dma_wait3A, %dma_wait3A_100] : memref<10000x128xf32, #tpu.memory_space<hbm>> -> memref<64x128xf32, #tpu.memory_space<hbm>>
      %dma_wait3A_102 = arith.constant 0 : i32
      %dma_wait3A_103 = arith.constant 0 : i32
      %dma_wait3A_104 = tpu.memref_slice %arg2[%dma_wait3A_102, %dma_wait3A_103] : memref<10000x128xf32, #tpu.memory_space<hbm>> -> memref<64x128xf32, #tpu.memory_space<hbm>>
      tpu.wait_dma2 semaphore(%arg11 : memref<!tpu.dma_semaphore, #tpu.memory_space<semaphore_mem>>) src(%dma_wait3A_104 : memref<64x128xf32, #tpu.memory_space<hbm>>) dst(%arg8 : memref<64x128xf32, #tpu.memory_space<vmem>>)
    } else {
    }
    %eq3A_53 = arith.constant 1 : i32
    %eq3A_54 = arith.cmpi eq, %arg0, %eq3A_53 : i32
    %convert_element_type3A_55 = arith.extui %eq3A_54 : i1 to i32
    %cond3A_56 = arith.constant 0 : i32
    %cond3A_57 = arith.cmpi ne, %convert_element_type3A_55, %cond3A_56 : i32
    scf.if %cond3A_57 {
      %dma_start3A = arith.constant 0 : i32
      %dma_start3A_63 = arith.constant 0 : i32
      %dma_start3A_64 = tpu.memref_slice %arg8[%dma_start3A, %dma_start3A_63] : memref<64x128xf32, #tpu.memory_space<vmem>> -> memref<16x128xf32, #tpu.memory_space<vmem>>
      %dma_start3A_65 = arith.constant 0 : i32
      %dma_start3A_66 = tpu.memref_slice %arg6[%dma_start3A_65] : memref<16192xi32, #tpu.memory_space<vmem>> -> memref<16xi32, #tpu.memory_space<vmem>>
      %dma_start3A_67 = arith.constant 0 : i32
      %dma_start3A_68 = arith.constant 0 : i32
      %dma_start3A_69 = tpu.memref_slice %arg2[%dma_start3A_67, %dma_start3A_68] : memref<10000x128xf32, #tpu.memory_space<hbm>> -> memref<10000x128xf32, #tpu.memory_space<hbm>>
      tpu.enqueue_indirect_dma source(%dma_start3A_69 : memref<10000x128xf32, #tpu.memory_space<hbm>>) target(%dma_start3A_64 : memref<16x128xf32, #tpu.memory_space<vmem>>) offsets(%dma_start3A_66 : memref<16xi32, #tpu.memory_space<vmem>>) semaphore(%arg11 : memref<!tpu.dma_semaphore, #tpu.memory_space<semaphore_mem>>)
      %dma_start3A_70 = arith.constant 16 : i32
      %dma_start3A_71 = arith.constant 0 : i32
      %dma_start3A_72 = tpu.memref_slice %arg8[%dma_start3A_70, %dma_start3A_71] : memref<64x128xf32, #tpu.memory_space<vmem>> -> memref<16x128xf32, #tpu.memory_space<vmem>>
      %dma_start3A_73 = arith.constant 16 : i32
      %dma_start3A_74 = tpu.memref_slice %arg6[%dma_start3A_73] : memref<16192xi32, #tpu.memory_space<vmem>> -> memref<16xi32, #tpu.memory_space<vmem>>
      %dma_start3A_75 = arith.constant 0 : i32
      %dma_start3A_76 = arith.constant 0 : i32
      %dma_start3A_77 = tpu.memref_slice %arg2[%dma_start3A_75, %dma_start3A_76] : memref<10000x128xf32, #tpu.memory_space<hbm>> -> memref<10000x128xf32, #tpu.memory_space<hbm>>
      tpu.enqueue_indirect_dma source(%dma_start3A_77 : memref<10000x128xf32, #tpu.memory_space<hbm>>) target(%dma_start3A_72 : memref<16x128xf32, #tpu.memory_space<vmem>>) offsets(%dma_start3A_74 : memref<16xi32, #tpu.memory_space<vmem>>) semaphore(%arg11 : memref<!tpu.dma_semaphore, #tpu.memory_space<semaphore_mem>>)
      %dma_start3A_78 = arith.constant 32 : i32
      %dma_start3A_79 = arith.constant 0 : i32
      %dma_start3A_80 = tpu.memref_slice %arg8[%dma_start3A_78, %dma_start3A_79] : memref<64x128xf32, #tpu.memory_space<vmem>> -> memref<16x128xf32, #tpu.memory_space<vmem>>
      %dma_start3A_81 = arith.constant 32 : i32
      %dma_start3A_82 = tpu.memref_slice %arg6[%dma_start3A_81] : memref<16192xi32, #tpu.memory_space<vmem>> -> memref<16xi32, #tpu.memory_space<vmem>>
      %dma_start3A_83 = arith.constant 0 : i32
      %dma_start3A_84 = arith.constant 0 : i32
      %dma_start3A_85 = tpu.memref_slice %arg2[%dma_start3A_83, %dma_start3A_84] : memref<10000x128xf32, #tpu.memory_space<hbm>> -> memref<10000x128xf32, #tpu.memory_space<hbm>>
      tpu.enqueue_indirect_dma source(%dma_start3A_85 : memref<10000x128xf32, #tpu.memory_space<hbm>>) target(%dma_start3A_80 : memref<16x128xf32, #tpu.memory_space<vmem>>) offsets(%dma_start3A_82 : memref<16xi32, #tpu.memory_space<vmem>>) semaphore(%arg11 : memref<!tpu.dma_semaphore, #tpu.memory_space<semaphore_mem>>)
      %dma_start3A_86 = arith.constant 48 : i32
      %dma_start3A_87 = arith.constant 0 : i32
      %dma_start3A_88 = tpu.memref_slice %arg8[%dma_start3A_86, %dma_start3A_87] : memref<64x128xf32, #tpu.memory_space<vmem>> -> memref<16x128xf32, #tpu.memory_space<vmem>>
      %dma_start3A_89 = arith.constant 48 : i32
      %dma_start3A_90 = tpu.memref_slice %arg6[%dma_start3A_89] : memref<16192xi32, #tpu.memory_space<vmem>> -> memref<16xi32, #tpu.memory_space<vmem>>
      %dma_start3A_91 = arith.constant 0 : i32
      %dma_start3A_92 = arith.constant 0 : i32
      %dma_start3A_93 = tpu.memref_slice %arg2[%dma_start3A_91, %dma_start3A_92] : memref<10000x128xf32, #tpu.memory_space<hbm>> -> memref<10000x128xf32, #tpu.memory_space<hbm>>
      tpu.enqueue_indirect_dma source(%dma_start3A_93 : memref<10000x128xf32, #tpu.memory_space<hbm>>) target(%dma_start3A_88 : memref<16x128xf32, #tpu.memory_space<vmem>>) offsets(%dma_start3A_90 : memref<16xi32, #tpu.memory_space<vmem>>) semaphore(%arg11 : memref<!tpu.dma_semaphore, #tpu.memory_space<semaphore_mem>>)
      %scan3A_94 = arith.constant 0 : i32
      %scan3A_95 = arith.constant 0 : i32
      %scan3A_96 = arith.constant 126 : i32
      %scan3A_97 = arith.addi %scan3A_95, %scan3A_96 : i32
      %scan3A_98 = arith.constant 1 : i32
      scf.for %scan3A_105 = %scan3A_95 to %scan3A_97 step %scan3A_98  : i32 {
        %mul3A_106 = arith.constant 2 : i32
        %mul3A_107 = arith.muli %scan3A_105, %mul3A_106 : i32
        %add3A_108 = arith.constant 1 : i32
        %add3A_109 = arith.addi %mul3A_107, %add3A_108 : i32
        %mul3A_110 = arith.constant 64 : i32
        %mul3A_111 = arith.muli %add3A_109, %mul3A_110 : i32
        %add3A_112 = arith.constant 0 : i32
        %add3A_113 = arith.addi %mul3A_111, %add3A_112 : i32
        %dma_start3A_114 = arith.constant 0 : i32
        %dma_start3A_115 = arith.constant 0 : i32
        %dma_start3A_116 = tpu.memref_slice %arg9[%dma_start3A_114, %dma_start3A_115] : memref<64x128xf32, #tpu.memory_space<vmem>> -> memref<16x128xf32, #tpu.memory_space<vmem>>
        %dma_start3A_117 = tpu.memref_slice %arg6[%add3A_113] : memref<16192xi32, #tpu.memory_space<vmem>> -> memref<16xi32, #tpu.memory_space<vmem>>
        %dma_start3A_118 = arith.constant 0 : i32
        %dma_start3A_119 = arith.constant 0 : i32
        %dma_start3A_120 = tpu.memref_slice %arg2[%dma_start3A_118, %dma_start3A_119] : memref<10000x128xf32, #tpu.memory_space<hbm>> -> memref<10000x128xf32, #tpu.memory_space<hbm>>
        tpu.enqueue_indirect_dma source(%dma_start3A_120 : memref<10000x128xf32, #tpu.memory_space<hbm>>) target(%dma_start3A_116 : memref<16x128xf32, #tpu.memory_space<vmem>>) offsets(%dma_start3A_117 : memref<16xi32, #tpu.memory_space<vmem>>) semaphore(%arg12 : memref<!tpu.dma_semaphore, #tpu.memory_space<semaphore_mem>>)
        %mul3A_121 = arith.constant 64 : i32
        %mul3A_122 = arith.muli %add3A_109, %mul3A_121 : i32
        %add3A_123 = arith.constant 16 : i32
        %add3A_124 = arith.addi %mul3A_122, %add3A_123 : i32
        %dma_start3A_125 = arith.constant 16 : i32
        %dma_start3A_126 = arith.constant 0 : i32
        %dma_start3A_127 = tpu.memref_slice %arg9[%dma_start3A_125, %dma_start3A_126] : memref<64x128xf32, #tpu.memory_space<vmem>> -> memref<16x128xf32, #tpu.memory_space<vmem>>
        %dma_start3A_128 = tpu.memref_slice %arg6[%add3A_124] : memref<16192xi32, #tpu.memory_space<vmem>> -> memref<16xi32, #tpu.memory_space<vmem>>
        %dma_start3A_129 = arith.constant 0 : i32
        %dma_start3A_130 = arith.constant 0 : i32
        %dma_start3A_131 = tpu.memref_slice %arg2[%dma_start3A_129, %dma_start3A_130] : memref<10000x128xf32, #tpu.memory_space<hbm>> -> memref<10000x128xf32, #tpu.memory_space<hbm>>
        tpu.enqueue_indirect_dma source(%dma_start3A_131 : memref<10000x128xf32, #tpu.memory_space<hbm>>) target(%dma_start3A_127 : memref<16x128xf32, #tpu.memory_space<vmem>>) offsets(%dma_start3A_128 : memref<16xi32, #tpu.memory_space<vmem>>) semaphore(%arg12 : memref<!tpu.dma_semaphore, #tpu.memory_space<semaphore_mem>>)
        %mul3A_132 = arith.constant 64 : i32
        %mul3A_133 = arith.muli %add3A_109, %mul3A_132 : i32
        %add3A_134 = arith.constant 32 : i32
        %add3A_135 = arith.addi %mul3A_133, %add3A_134 : i32
        %dma_start3A_136 = arith.constant 32 : i32
        %dma_start3A_137 = arith.constant 0 : i32
        %dma_start3A_138 = tpu.memref_slice %arg9[%dma_start3A_136, %dma_start3A_137] : memref<64x128xf32, #tpu.memory_space<vmem>> -> memref<16x128xf32, #tpu.memory_space<vmem>>
        %dma_start3A_139 = tpu.memref_slice %arg6[%add3A_135] : memref<16192xi32, #tpu.memory_space<vmem>> -> memref<16xi32, #tpu.memory_space<vmem>>
        %dma_start3A_140 = arith.constant 0 : i32
        %dma_start3A_141 = arith.constant 0 : i32
        %dma_start3A_142 = tpu.memref_slice %arg2[%dma_start3A_140, %dma_start3A_141] : memref<10000x128xf32, #tpu.memory_space<hbm>> -> memref<10000x128xf32, #tpu.memory_space<hbm>>
        tpu.enqueue_indirect_dma source(%dma_start3A_142 : memref<10000x128xf32, #tpu.memory_space<hbm>>) target(%dma_start3A_138 : memref<16x128xf32, #tpu.memory_space<vmem>>) offsets(%dma_start3A_139 : memref<16xi32, #tpu.memory_space<vmem>>) semaphore(%arg12 : memref<!tpu.dma_semaphore, #tpu.memory_space<semaphore_mem>>)
        %mul3A_143 = arith.constant 64 : i32
        %mul3A_144 = arith.muli %add3A_109, %mul3A_143 : i32
        %add3A_145 = arith.constant 48 : i32
        %add3A_146 = arith.addi %mul3A_144, %add3A_145 : i32
        %dma_start3A_147 = arith.constant 48 : i32
        %dma_start3A_148 = arith.constant 0 : i32
        %dma_start3A_149 = tpu.memref_slice %arg9[%dma_start3A_147, %dma_start3A_148] : memref<64x128xf32, #tpu.memory_space<vmem>> -> memref<16x128xf32, #tpu.memory_space<vmem>>
        %dma_start3A_150 = tpu.memref_slice %arg6[%add3A_146] : memref<16192xi32, #tpu.memory_space<vmem>> -> memref<16xi32, #tpu.memory_space<vmem>>
        %dma_start3A_151 = arith.constant 0 : i32
        %dma_start3A_152 = arith.constant 0 : i32
        %dma_start3A_153 = tpu.memref_slice %arg2[%dma_start3A_151, %dma_start3A_152] : memref<10000x128xf32, #tpu.memory_space<hbm>> -> memref<10000x128xf32, #tpu.memory_space<hbm>>
        tpu.enqueue_indirect_dma source(%dma_start3A_153 : memref<10000x128xf32, #tpu.memory_space<hbm>>) target(%dma_start3A_149 : memref<16x128xf32, #tpu.memory_space<vmem>>) offsets(%dma_start3A_150 : memref<16xi32, #tpu.memory_space<vmem>>) semaphore(%arg12 : memref<!tpu.dma_semaphore, #tpu.memory_space<semaphore_mem>>)
        %dma_wait3A_154 = arith.constant 0 : i32
        %dma_wait3A_155 = arith.constant 0 : i32
        %dma_wait3A_156 = tpu.memref_slice %arg2[%dma_wait3A_154, %dma_wait3A_155] : memref<10000x128xf32, #tpu.memory_space<hbm>> -> memref<64x128xf32, #tpu.memory_space<hbm>>
        %dma_wait3A_157 = arith.constant 0 : i32
        %dma_wait3A_158 = arith.constant 0 : i32
        %dma_wait3A_159 = tpu.memref_slice %arg2[%dma_wait3A_157, %dma_wait3A_158] : memref<10000x128xf32, #tpu.memory_space<hbm>> -> memref<64x128xf32, #tpu.memory_space<hbm>>
        tpu.wait_dma2 semaphore(%arg11 : memref<!tpu.dma_semaphore, #tpu.memory_space<semaphore_mem>>) src(%dma_wait3A_159 : memref<64x128xf32, #tpu.memory_space<hbm>>) dst(%arg8 : memref<64x128xf32, #tpu.memory_space<vmem>>)
        %mul3A_160 = arith.constant 64 : i32
        %mul3A_161 = arith.muli %mul3A_107, %mul3A_160 : i32
        "tpu.region"() ({
          %run_scoped3A = tpu.sem_alloc : memref<!tpu.dma_semaphore, #tpu.memory_space<semaphore_mem>>
          %dma_start3A_218 = tpu.memref_slice %arg7[%mul3A_161] : memref<16128xi32, #tpu.memory_space<vmem>> -> memref<64xi32, #tpu.memory_space<vmem>>
          %dma_start3A_219 = arith.constant 0 : i32
          %dma_start3A_220 = arith.constant 0 : i32
          %dma_start3A_221 = tpu.memref_slice %arg10[%dma_start3A_219, %dma_start3A_220] : memref<10112x128xf32, #tpu.memory_space<vmem_shared>> -> memref<10112x128xf32, #tpu.memory_space<vmem_shared>>
          tpu.enqueue_indirect_dma source(%arg8 : memref<64x128xf32, #tpu.memory_space<vmem>>) target(%dma_start3A_221 : memref<10112x128xf32, #tpu.memory_space<vmem_shared>>) offsets(%dma_start3A_218 : memref<64xi32, #tpu.memory_space<vmem>>) semaphore(%run_scoped3A : memref<!tpu.dma_semaphore, #tpu.memory_space<semaphore_mem>>) {add = true}
          %dma_wait3A_222 = tpu.memref_slice %arg7[%mul3A_161] : memref<16128xi32, #tpu.memory_space<vmem>> -> memref<64xi32, #tpu.memory_space<vmem>>
          %dma_wait3A_223 = arith.constant 0 : i32
          %dma_wait3A_224 = arith.constant 0 : i32
          %dma_wait3A_225 = tpu.memref_slice %arg10[%dma_wait3A_223, %dma_wait3A_224] : memref<10112x128xf32, #tpu.memory_space<vmem_shared>> -> memref<10112x128xf32, #tpu.memory_space<vmem_shared>>
          tpu.wait_indirect_dma semaphore(%run_scoped3A : memref<!tpu.dma_semaphore, #tpu.memory_space<semaphore_mem>>) src(%arg8 : memref<64x128xf32, #tpu.memory_space<vmem>>) dst(%dma_wait3A_225 : memref<10112x128xf32, #tpu.memory_space<vmem_shared>>)
          tpu.yield
        }) : () -> ()
        %add3A_162 = arith.constant 2 : i32
        %add3A_163 = arith.addi %mul3A_107, %add3A_162 : i32
        %mul3A_164 = arith.constant 64 : i32
        %mul3A_165 = arith.muli %add3A_163, %mul3A_164 : i32
        %add3A_166 = arith.constant 0 : i32
        %add3A_167 = arith.addi %mul3A_165, %add3A_166 : i32
        %dma_start3A_168 = arith.constant 0 : i32
        %dma_start3A_169 = arith.constant 0 : i32
        %dma_start3A_170 = tpu.memref_slice %arg8[%dma_start3A_168, %dma_start3A_169] : memref<64x128xf32, #tpu.memory_space<vmem>> -> memref<16x128xf32, #tpu.memory_space<vmem>>
        %dma_start3A_171 = tpu.memref_slice %arg6[%add3A_167] : memref<16192xi32, #tpu.memory_space<vmem>> -> memref<16xi32, #tpu.memory_space<vmem>>
        %dma_start3A_172 = arith.constant 0 : i32
        %dma_start3A_173 = arith.constant 0 : i32
        %dma_start3A_174 = tpu.memref_slice %arg2[%dma_start3A_172, %dma_start3A_173] : memref<10000x128xf32, #tpu.memory_space<hbm>> -> memref<10000x128xf32, #tpu.memory_space<hbm>>
        tpu.enqueue_indirect_dma source(%dma_start3A_174 : memref<10000x128xf32, #tpu.memory_space<hbm>>) target(%dma_start3A_170 : memref<16x128xf32, #tpu.memory_space<vmem>>) offsets(%dma_start3A_171 : memref<16xi32, #tpu.memory_space<vmem>>) semaphore(%arg11 : memref<!tpu.dma_semaphore, #tpu.memory_space<semaphore_mem>>)
        %mul3A_175 = arith.constant 64 : i32
        %mul3A_176 = arith.muli %add3A_163, %mul3A_175 : i32
        %add3A_177 = arith.constant 16 : i32
        %add3A_178 = arith.addi %mul3A_176, %add3A_177 : i32
        %dma_start3A_179 = arith.constant 16 : i32
        %dma_start3A_180 = arith.constant 0 : i32
        %dma_start3A_181 = tpu.memref_slice %arg8[%dma_start3A_179, %dma_start3A_180] : memref<64x128xf32, #tpu.memory_space<vmem>> -> memref<16x128xf32, #tpu.memory_space<vmem>>
        %dma_start3A_182 = tpu.memref_slice %arg6[%add3A_178] : memref<16192xi32, #tpu.memory_space<vmem>> -> memref<16xi32, #tpu.memory_space<vmem>>
        %dma_start3A_183 = arith.constant 0 : i32
        %dma_start3A_184 = arith.constant 0 : i32
        %dma_start3A_185 = tpu.memref_slice %arg2[%dma_start3A_183, %dma_start3A_184] : memref<10000x128xf32, #tpu.memory_space<hbm>> -> memref<10000x128xf32, #tpu.memory_space<hbm>>
        tpu.enqueue_indirect_dma source(%dma_start3A_185 : memref<10000x128xf32, #tpu.memory_space<hbm>>) target(%dma_start3A_181 : memref<16x128xf32, #tpu.memory_space<vmem>>) offsets(%dma_start3A_182 : memref<16xi32, #tpu.memory_space<vmem>>) semaphore(%arg11 : memref<!tpu.dma_semaphore, #tpu.memory_space<semaphore_mem>>)
        %mul3A_186 = arith.constant 64 : i32
        %mul3A_187 = arith.muli %add3A_163, %mul3A_186 : i32
        %add3A_188 = arith.constant 32 : i32
        %add3A_189 = arith.addi %mul3A_187, %add3A_188 : i32
        %dma_start3A_190 = arith.constant 32 : i32
        %dma_start3A_191 = arith.constant 0 : i32
        %dma_start3A_192 = tpu.memref_slice %arg8[%dma_start3A_190, %dma_start3A_191] : memref<64x128xf32, #tpu.memory_space<vmem>> -> memref<16x128xf32, #tpu.memory_space<vmem>>
        %dma_start3A_193 = tpu.memref_slice %arg6[%add3A_189] : memref<16192xi32, #tpu.memory_space<vmem>> -> memref<16xi32, #tpu.memory_space<vmem>>
        %dma_start3A_194 = arith.constant 0 : i32
        %dma_start3A_195 = arith.constant 0 : i32
        %dma_start3A_196 = tpu.memref_slice %arg2[%dma_start3A_194, %dma_start3A_195] : memref<10000x128xf32, #tpu.memory_space<hbm>> -> memref<10000x128xf32, #tpu.memory_space<hbm>>
        tpu.enqueue_indirect_dma source(%dma_start3A_196 : memref<10000x128xf32, #tpu.memory_space<hbm>>) target(%dma_start3A_192 : memref<16x128xf32, #tpu.memory_space<vmem>>) offsets(%dma_start3A_193 : memref<16xi32, #tpu.memory_space<vmem>>) semaphore(%arg11 : memref<!tpu.dma_semaphore, #tpu.memory_space<semaphore_mem>>)
        %mul3A_197 = arith.constant 64 : i32
        %mul3A_198 = arith.muli %add3A_163, %mul3A_197 : i32
        %add3A_199 = arith.constant 48 : i32
        %add3A_200 = arith.addi %mul3A_198, %add3A_199 : i32
        %dma_start3A_201 = arith.constant 48 : i32
        %dma_start3A_202 = arith.constant 0 : i32
        %dma_start3A_203 = tpu.memref_slice %arg8[%dma_start3A_201, %dma_start3A_202] : memref<64x128xf32, #tpu.memory_space<vmem>> -> memref<16x128xf32, #tpu.memory_space<vmem>>
        %dma_start3A_204 = tpu.memref_slice %arg6[%add3A_200] : memref<16192xi32, #tpu.memory_space<vmem>> -> memref<16xi32, #tpu.memory_space<vmem>>
        %dma_start3A_205 = arith.constant 0 : i32
        %dma_start3A_206 = arith.constant 0 : i32
        %dma_start3A_207 = tpu.memref_slice %arg2[%dma_start3A_205, %dma_start3A_206] : memref<10000x128xf32, #tpu.memory_space<hbm>> -> memref<10000x128xf32, #tpu.memory_space<hbm>>
        tpu.enqueue_indirect_dma source(%dma_start3A_207 : memref<10000x128xf32, #tpu.memory_space<hbm>>) target(%dma_start3A_203 : memref<16x128xf32, #tpu.memory_space<vmem>>) offsets(%dma_start3A_204 : memref<16xi32, #tpu.memory_space<vmem>>) semaphore(%arg11 : memref<!tpu.dma_semaphore, #tpu.memory_space<semaphore_mem>>)
        %dma_wait3A_208 = arith.constant 0 : i32
        %dma_wait3A_209 = arith.constant 0 : i32
        %dma_wait3A_210 = tpu.memref_slice %arg2[%dma_wait3A_208, %dma_wait3A_209] : memref<10000x128xf32, #tpu.memory_space<hbm>> -> memref<64x128xf32, #tpu.memory_space<hbm>>
        %dma_wait3A_211 = arith.constant 0 : i32
        %dma_wait3A_212 = arith.constant 0 : i32
        %dma_wait3A_213 = tpu.memref_slice %arg2[%dma_wait3A_211, %dma_wait3A_212] : memref<10000x128xf32, #tpu.memory_space<hbm>> -> memref<64x128xf32, #tpu.memory_space<hbm>>
        tpu.wait_dma2 semaphore(%arg12 : memref<!tpu.dma_semaphore, #tpu.memory_space<semaphore_mem>>) src(%dma_wait3A_213 : memref<64x128xf32, #tpu.memory_space<hbm>>) dst(%arg9 : memref<64x128xf32, #tpu.memory_space<vmem>>)
        %add3A_214 = arith.constant 1 : i32
        %add3A_215 = arith.addi %mul3A_107, %add3A_214 : i32
        %mul3A_216 = arith.constant 64 : i32
        %mul3A_217 = arith.muli %add3A_215, %mul3A_216 : i32
        "tpu.region"() ({
          %run_scoped3A = tpu.sem_alloc : memref<!tpu.dma_semaphore, #tpu.memory_space<semaphore_mem>>
          %dma_start3A_218 = tpu.memref_slice %arg7[%mul3A_217] : memref<16128xi32, #tpu.memory_space<vmem>> -> memref<64xi32, #tpu.memory_space<vmem>>
          %dma_start3A_219 = arith.constant 0 : i32
          %dma_start3A_220 = arith.constant 0 : i32
          %dma_start3A_221 = tpu.memref_slice %arg10[%dma_start3A_219, %dma_start3A_220] : memref<10112x128xf32, #tpu.memory_space<vmem_shared>> -> memref<10112x128xf32, #tpu.memory_space<vmem_shared>>
          tpu.enqueue_indirect_dma source(%arg9 : memref<64x128xf32, #tpu.memory_space<vmem>>) target(%dma_start3A_221 : memref<10112x128xf32, #tpu.memory_space<vmem_shared>>) offsets(%dma_start3A_218 : memref<64xi32, #tpu.memory_space<vmem>>) semaphore(%run_scoped3A : memref<!tpu.dma_semaphore, #tpu.memory_space<semaphore_mem>>) {add = true}
          %dma_wait3A_222 = tpu.memref_slice %arg7[%mul3A_217] : memref<16128xi32, #tpu.memory_space<vmem>> -> memref<64xi32, #tpu.memory_space<vmem>>
          %dma_wait3A_223 = arith.constant 0 : i32
          %dma_wait3A_224 = arith.constant 0 : i32
          %dma_wait3A_225 = tpu.memref_slice %arg10[%dma_wait3A_223, %dma_wait3A_224] : memref<10112x128xf32, #tpu.memory_space<vmem_shared>> -> memref<10112x128xf32, #tpu.memory_space<vmem_shared>>
          tpu.wait_indirect_dma semaphore(%run_scoped3A : memref<!tpu.dma_semaphore, #tpu.memory_space<semaphore_mem>>) src(%arg9 : memref<64x128xf32, #tpu.memory_space<vmem>>) dst(%dma_wait3A_225 : memref<10112x128xf32, #tpu.memory_space<vmem_shared>>)
          tpu.yield
        }) : () -> ()
      }
      %scan3A_99 = arith.constant 126 : i32
      %dma_wait3A = arith.constant 0 : i32
      %dma_wait3A_100 = arith.constant 0 : i32
      %dma_wait3A_101 = tpu.memref_slice %arg2[%dma_wait3A, %dma_wait3A_100] : memref<10000x128xf32, #tpu.memory_space<hbm>> -> memref<64x128xf32, #tpu.memory_space<hbm>>
      %dma_wait3A_102 = arith.constant 0 : i32
      %dma_wait3A_103 = arith.constant 0 : i32
      %dma_wait3A_104 = tpu.memref_slice %arg2[%dma_wait3A_102, %dma_wait3A_103] : memref<10000x128xf32, #tpu.memory_space<hbm>> -> memref<64x128xf32, #tpu.memory_space<hbm>>
      tpu.wait_dma2 semaphore(%arg11 : memref<!tpu.dma_semaphore, #tpu.memory_space<semaphore_mem>>) src(%dma_wait3A_104 : memref<64x128xf32, #tpu.memory_space<hbm>>) dst(%arg8 : memref<64x128xf32, #tpu.memory_space<vmem>>)
    } else {
    }
    %barrier3A_58 = arith.constant 0 : index
    tpu.barrier barrier_id(%barrier3A_58)
    %mul3A_59 = arith.constant 624 : i32
    %mul3A_60 = arith.muli %arg1, %mul3A_59 : i32
    %mul3A_61 = arith.constant 624 : i32
    %mul3A_62 = arith.muli %arg1, %mul3A_61 : i32
    "tpu.region"() ({
      %run_scoped3A = tpu.sem_alloc : memref<!tpu.dma_semaphore, #tpu.memory_space<semaphore_mem>>
      %dma_start3A = arith.constant 0 : i32
      %dma_start3A_63 = tpu.memref_slice %arg5[%arg0, %mul3A_62, %dma_start3A] : memref<2x10000x128xf32, #tpu.memory_space<hbm>> -> memref<1x640x128xf32, #tpu.memory_space<hbm>>
      %dma_start3A_64 = tpu.memref_squeeze %dma_start3A_63 : memref<1x640x128xf32, #tpu.memory_space<hbm>> -> memref<640x128xf32, #tpu.memory_space<hbm>>
      %dma_start3A_65 = arith.constant 0 : i32
      %dma_start3A_66 = tpu.memref_slice %arg10[%mul3A_60, %dma_start3A_65] : memref<10112x128xf32, #tpu.memory_space<vmem_shared>> -> memref<640x128xf32, #tpu.memory_space<vmem_shared>>
      tpu.enqueue_dma source(%dma_start3A_66 : memref<640x128xf32, #tpu.memory_space<vmem_shared>>) target(%dma_start3A_64 : memref<640x128xf32, #tpu.memory_space<hbm>>) target_semaphore(%run_scoped3A : memref<!tpu.dma_semaphore, #tpu.memory_space<semaphore_mem>>)
      %dma_wait3A = arith.constant 0 : i32
      %dma_wait3A_67 = tpu.memref_slice %arg5[%arg0, %mul3A_62, %dma_wait3A] : memref<2x10000x128xf32, #tpu.memory_space<hbm>> -> memref<1x640x128xf32, #tpu.memory_space<hbm>>
      %dma_wait3A_68 = tpu.memref_squeeze %dma_wait3A_67 : memref<1x640x128xf32, #tpu.memory_space<hbm>> -> memref<640x128xf32, #tpu.memory_space<hbm>>
      %dma_wait3A_69 = arith.constant 0 : i32
      %dma_wait3A_70 = tpu.memref_slice %arg10[%mul3A_60, %dma_wait3A_69] : memref<10112x128xf32, #tpu.memory_space<vmem_shared>> -> memref<640x128xf32, #tpu.memory_space<vmem_shared>>
      tpu.wait_dma2 semaphore(%run_scoped3A : memref<!tpu.dma_semaphore, #tpu.memory_space<semaphore_mem>>) src(%dma_wait3A_70 : memref<640x128xf32, #tpu.memory_space<vmem_shared>>) dst(%dma_wait3A_68 : memref<640x128xf32, #tpu.memory_space<hbm>>)
      tpu.yield
    }) : () -> ()
    return
  }
}

module attributes {stable_mosaic.version = 14 : i64} {
  func.func @_t1_body(%arg0: i32, %arg1: memref<1000x128xf32, #tpu.memory_space<vmem>>, %arg2: memref<128x128xf32, #tpu.memory_space<vmem>>, %arg3: memref<2x1000x32xf32, #tpu.memory_space<vmem>>, %arg4: memref<1000x128xf32, #tpu.memory_space<vmem>>) attributes {dimension_semantics = [#tpu.dimension_semantics<arbitrary>], iteration_bounds = array<i64: 10>, scalar_prefetch = 0 : i64, scratch_operands = 0 : i64, tpu.core_type = #tpu.core_type<tc>, window_params = [{transform_indices = @transform_0, window_bounds = array<i64: 1000, 128>}, {pipeline_mode = #tpu.pipeline_mode<synchronous>, transform_indices = @transform_1, window_bounds = array<i64: 128, 128>}, {transform_indices = @transform_2, window_bounds = array<i64: 2, 1000, 32>}, {transform_indices = @transform_3, window_bounds = array<i64: 1000, 128>}]} {
    %get3A = arith.constant 0 : index
    %get3A_0 = arith.constant 0 : index
    %get3A_1 = arith.constant 0 : index
    %get3A_2 = vector.load %arg3[%get3A, %get3A_0, %get3A_1] : memref<2x1000x32xf32, #tpu.memory_space<vmem>>, vector<1x1000x1xf32>
    %get3A_3 = vector.shape_cast %get3A_2 : vector<1x1000x1xf32> to vector<1000xf32>
    %get3A_4 = arith.constant 1 : index
    %get3A_5 = arith.constant 0 : index
    %get3A_6 = arith.constant 0 : index
    %get3A_7 = vector.load %arg3[%get3A_4, %get3A_5, %get3A_6] : memref<2x1000x32xf32, #tpu.memory_space<vmem>>, vector<1x1000x1xf32>
    %get3A_8 = vector.shape_cast %get3A_7 : vector<1x1000x1xf32> to vector<1000xf32>
    %add3A = arith.addf %get3A_3, %get3A_8 : vector<1000xf32>
    %add3A_9 = arith.constant 1.000000e+00 : f32
    %add3A_10 = vector.broadcast %add3A_9 : f32 to vector<1000xf32>
    %add3A_11 = arith.addf %add3A, %add3A_10 : vector<1000xf32>
    %rsqrt3A = math.rsqrt %add3A_11 : vector<1000xf32>
    %get3A_12 = arith.constant 0 : index
    %get3A_13 = arith.constant 0 : index
    %get3A_14 = vector.load %arg1[%get3A_12, %get3A_13] : memref<1000x128xf32, #tpu.memory_space<vmem>>, vector<1000x128xf32>
    %get3A_15 = arith.constant 0 : index
    %get3A_16 = arith.constant 0 : index
    %get3A_17 = vector.load %arg2[%get3A_15, %get3A_16] : memref<128x128xf32, #tpu.memory_space<vmem>>, vector<128x128xf32>
    %dot_general3A = arith.constant dense<0.000000e+00> : vector<1000x128xf32>
    %dot_general3A_18 = tpu.matmul %get3A_14, %get3A_17, %dot_general3A {dimension_numbers = #tpu.dot_dimension_numbers<[1], [0], [0], [1], [0, 0, 1, 1], [], []>, transpose_lhs_hint = false} : vector<1000x128xf32>, vector<128x128xf32>, vector<1000x128xf32> -> vector<1000x128xf32>
    %broadcast_in_dim3A = vector.shape_cast %rsqrt3A : vector<1000xf32> to vector<1000x1xf32>
    %mul3A = vector.broadcast %broadcast_in_dim3A : vector<1000x1xf32> to vector<1000x128xf32>
    %mul3A_19 = arith.mulf %dot_general3A_18, %mul3A : vector<1000x128xf32>
    %swap3A = arith.constant 0 : index
    %swap3A_20 = arith.constant 0 : index
    %swap3A_21 = vector.load %arg4[%swap3A, %swap3A_20] : memref<1000x128xf32, #tpu.memory_space<vmem>>, vector<1000x128xf32>
    tpu.vector_store %arg4[%swap3A, %swap3A_20], %mul3A_19 {strides = array<i32>} : memref<1000x128xf32, #tpu.memory_space<vmem>>, vector<1000x128xf32>,
    return
  }
  func.func @transform_0(%arg0: i32) -> (i32, i32) {
    %c0_i32 = arith.constant 0 : i32
    %c0_i32_0 = arith.constant 0 : i32
    return %arg0, %c0_i32 : i32, i32
  }
  func.func @transform_1(%arg0: i32) -> (i32, i32) {
    %c0_i32 = arith.constant 0 : i32
    %c0_i32_0 = arith.constant 0 : i32
    %c0_i32_1 = arith.constant 0 : i32
    return %c0_i32, %c0_i32_0 : i32, i32
  }
  func.func @transform_2(%arg0: i32) -> (i32, i32, i32) {
    %c0_i32 = arith.constant 0 : i32
    %c0_i32_0 = arith.constant 0 : i32
    %c0_i32_1 = arith.constant 0 : i32
    return %c0_i32, %arg0, %c0_i32_0 : i32, i32, i32
  }
  func.func @transform_3(%arg0: i32) -> (i32, i32) {
    %c0_i32 = arith.constant 0 : i32
    %c0_i32_0 = arith.constant 0 : i32
    return %arg0, %c0_i32 : i32, i32
  }
}

module attributes {stable_mosaic.version = 14 : i64} {
  func.func @_t3_body(%arg0: i32, %arg1: memref<2x1000x128xf32, #tpu.memory_space<vmem>>, %arg2: memref<1000x128xf32, #tpu.memory_space<vmem>>, %arg3: memref<2x1000x32xf32, #tpu.memory_space<vmem>>, %arg4: memref<1x64xf32, #tpu.memory_space<vmem>>, %arg5: memref<1000x64xf32, #tpu.memory_space<vmem>>) attributes {dimension_semantics = [#tpu.dimension_semantics<arbitrary>], iteration_bounds = array<i64: 10>, scalar_prefetch = 0 : i64, scratch_operands = 0 : i64, tpu.core_type = #tpu.core_type<tc>, window_params = [{transform_indices = @transform_0, window_bounds = array<i64: 2, 1000, 128>}, {transform_indices = @transform_1, window_bounds = array<i64: 1000, 128>}, {transform_indices = @transform_2, window_bounds = array<i64: 2, 1000, 32>}, {pipeline_mode = #tpu.pipeline_mode<synchronous>, transform_indices = @transform_3, window_bounds = array<i64: 1, 64>}, {transform_indices = @transform_4, window_bounds = array<i64: 1000, 64>}]} {
    %get3A = arith.constant 0 : index
    %get3A_0 = arith.constant 0 : index
    %get3A_1 = arith.constant 0 : index
    %get3A_2 = vector.load %arg3[%get3A, %get3A_0, %get3A_1] : memref<2x1000x32xf32, #tpu.memory_space<vmem>>, vector<1x1000x1xf32>
    %get3A_3 = vector.shape_cast %get3A_2 : vector<1x1000x1xf32> to vector<1000xf32>
    %get3A_4 = arith.constant 1 : index
    %get3A_5 = arith.constant 0 : index
    %get3A_6 = arith.constant 0 : index
    %get3A_7 = vector.load %arg3[%get3A_4, %get3A_5, %get3A_6] : memref<2x1000x32xf32, #tpu.memory_space<vmem>>, vector<1x1000x1xf32>
    %get3A_8 = vector.shape_cast %get3A_7 : vector<1x1000x1xf32> to vector<1000xf32>
    %add3A = arith.addf %get3A_3, %get3A_8 : vector<1000xf32>
    %add3A_9 = arith.constant 1.000000e+00 : f32
    %add3A_10 = vector.broadcast %add3A_9 : f32 to vector<1000xf32>
    %add3A_11 = arith.addf %add3A, %add3A_10 : vector<1000xf32>
    %rsqrt3A = math.rsqrt %add3A_11 : vector<1000xf32>
    %get3A_12 = arith.constant 0 : index
    %get3A_13 = arith.constant 0 : index
    %get3A_14 = arith.constant 0 : index
    %get3A_15 = vector.load %arg1[%get3A_12, %get3A_13, %get3A_14] : memref<2x1000x128xf32, #tpu.memory_space<vmem>>, vector<1x1000x128xf32>
    %get3A_16 = vector.shape_cast %get3A_15 : vector<1x1000x128xf32> to vector<1000x128xf32>
    %get3A_17 = arith.constant 1 : index
    %get3A_18 = arith.constant 0 : index
    %get3A_19 = arith.constant 0 : index
    %get3A_20 = vector.load %arg1[%get3A_17, %get3A_18, %get3A_19] : memref<2x1000x128xf32, #tpu.memory_space<vmem>>, vector<1x1000x128xf32>
    %get3A_21 = vector.shape_cast %get3A_20 : vector<1x1000x128xf32> to vector<1000x128xf32>
    %add3A_22 = arith.addf %get3A_16, %get3A_21 : vector<1000x128xf32>
    %get3A_23 = arith.constant 0 : index
    %get3A_24 = arith.constant 0 : index
    %get3A_25 = vector.load %arg2[%get3A_23, %get3A_24] : memref<1000x128xf32, #tpu.memory_space<vmem>>, vector<1000x128xf32>
    %add3A_26 = arith.addf %add3A_22, %get3A_25 : vector<1000x128xf32>
    %slice3A = vector.extract_strided_slice %add3A_26 {offsets = [0, 0], sizes = [1000, 64], strides = [1, 1]} : vector<1000x128xf32> to vector<1000x64xf32>
    %broadcast_in_dim3A = vector.shape_cast %rsqrt3A : vector<1000xf32> to vector<1000x1xf32>
    %mul3A = vector.broadcast %broadcast_in_dim3A : vector<1000x1xf32> to vector<1000x64xf32>
    %mul3A_27 = arith.mulf %slice3A, %mul3A : vector<1000x64xf32>
    %get3A_28 = arith.constant 0 : index
    %get3A_29 = arith.constant 0 : index
    %get3A_30 = vector.load %arg4[%get3A_28, %get3A_29] : memref<1x64xf32, #tpu.memory_space<vmem>>, vector<1x64xf32>
    %get3A_31 = vector.shape_cast %get3A_30 : vector<1x64xf32> to vector<64xf32>
    %broadcast_in_dim3A_32 = vector.shape_cast %get3A_31 : vector<64xf32> to vector<1x64xf32>
    %add3A_33 = vector.broadcast %broadcast_in_dim3A_32 : vector<1x64xf32> to vector<1000x64xf32>
    %add3A_34 = arith.addf %mul3A_27, %add3A_33 : vector<1000x64xf32>
    %reduce_max3A = arith.constant dense<0xFF800000> : vector<1000xf32>
    %reduce_max3A_35 = vector.multi_reduction <maximumf>, %add3A_34, %reduce_max3A [1] : vector<1000x64xf32> to vector<1000xf32>
    %broadcast_in_dim3A_36 = vector.shape_cast %reduce_max3A_35 : vector<1000xf32> to vector<1000x1xf32>
    %sub3A = vector.broadcast %broadcast_in_dim3A_36 : vector<1000x1xf32> to vector<1000x64xf32>
    %sub3A_37 = arith.subf %add3A_34, %sub3A : vector<1000x64xf32>
    %exp3A = math.exp %sub3A_37 : vector<1000x64xf32>
    %sub3A_38 = vector.broadcast %broadcast_in_dim3A_36 : vector<1000x1xf32> to vector<1000x64xf32>
    %sub3A_39 = arith.subf %add3A_34, %sub3A_38 : vector<1000x64xf32>
    %reduce_sum3A = arith.constant dense<0.000000e+00> : vector<1000xf32>
    %reduce_sum3A_40 = vector.multi_reduction <add>, %exp3A, %reduce_sum3A [1] : vector<1000x64xf32> to vector<1000xf32>
    %broadcast_in_dim3A_41 = vector.shape_cast %reduce_sum3A_40 : vector<1000xf32> to vector<1000x1xf32>
    %log3A = math.log %broadcast_in_dim3A_41 : vector<1000x1xf32>
    %sub3A_42 = vector.broadcast %log3A : vector<1000x1xf32> to vector<1000x64xf32>
    %sub3A_43 = arith.subf %sub3A_39, %sub3A_42 : vector<1000x64xf32>
    %swap3A = arith.constant 0 : index
    %swap3A_44 = arith.constant 0 : index
    %swap3A_45 = vector.load %arg5[%swap3A, %swap3A_44] : memref<1000x64xf32, #tpu.memory_space<vmem>>, vector<1000x64xf32>
    tpu.vector_store %arg5[%swap3A, %swap3A_44], %sub3A_43 {strides = array<i32>} : memref<1000x64xf32, #tpu.memory_space<vmem>>, vector<1000x64xf32>,
    return
  }
  func.func @transform_0(%arg0: i32) -> (i32, i32, i32) {
    %c0_i32 = arith.constant 0 : i32
    %c0_i32_0 = arith.constant 0 : i32
    %c0_i32_1 = arith.constant 0 : i32
    return %c0_i32, %arg0, %c0_i32_0 : i32, i32, i32
  }
  func.func @transform_1(%arg0: i32) -> (i32, i32) {
    %c0_i32 = arith.constant 0 : i32
    %c0_i32_0 = arith.constant 0 : i32
    return %arg0, %c0_i32 : i32, i32
  }
  func.func @transform_2(%arg0: i32) -> (i32, i32, i32) {
    %c0_i32 = arith.constant 0 : i32
    %c0_i32_0 = arith.constant 0 : i32
    %c0_i32_1 = arith.constant 0 : i32
    return %c0_i32, %arg0, %c0_i32_0 : i32, i32, i32
  }
  func.func @transform_3(%arg0: i32) -> (i32, i32) {
    %c0_i32 = arith.constant 0 : i32
    %c0_i32_0 = arith.constant 0 : i32
    %c0_i32_1 = arith.constant 0 : i32
    return %c0_i32, %c0_i32_0 : i32, i32
  }
  func.func @transform_4(%arg0: i32) -> (i32, i32) {
    %c0_i32 = arith.constant 0 : i32
    %c0_i32_0 = arith.constant 0 : i32
    return %arg0, %c0_i32 : i32, i32
  }
}

module attributes {stable_mosaic.version = 14 : i64} {
  func.func @_t2_body(%arg0: i32, %arg1: memref<2x1000x128xf32, #tpu.memory_space<vmem>>, %arg2: memref<1000x128xf32, #tpu.memory_space<vmem>>, %arg3: memref<2x1000x32xf32, #tpu.memory_space<vmem>>, %arg4: memref<1x128xf32, #tpu.memory_space<vmem>>, %arg5: memref<128x64xf32, #tpu.memory_space<vmem>>, %arg6: memref<1000x128xf32, #tpu.memory_space<vmem>>) attributes {dimension_semantics = [#tpu.dimension_semantics<arbitrary>], iteration_bounds = array<i64: 10>, scalar_prefetch = 0 : i64, scratch_operands = 0 : i64, tpu.core_type = #tpu.core_type<tc>, window_params = [{transform_indices = @transform_0, window_bounds = array<i64: 2, 1000, 128>}, {transform_indices = @transform_1, window_bounds = array<i64: 1000, 128>}, {transform_indices = @transform_2, window_bounds = array<i64: 2, 1000, 32>}, {pipeline_mode = #tpu.pipeline_mode<synchronous>, transform_indices = @transform_3, window_bounds = array<i64: 1, 128>}, {pipeline_mode = #tpu.pipeline_mode<synchronous>, transform_indices = @transform_4, window_bounds = array<i64: 128, 64>}, {transform_indices = @transform_5, window_bounds = array<i64: 1000, 128>}]} {
    %get3A = arith.constant 0 : index
    %get3A_0 = arith.constant 0 : index
    %get3A_1 = arith.constant 0 : index
    %get3A_2 = vector.load %arg3[%get3A, %get3A_0, %get3A_1] : memref<2x1000x32xf32, #tpu.memory_space<vmem>>, vector<1x1000x1xf32>
    %get3A_3 = vector.shape_cast %get3A_2 : vector<1x1000x1xf32> to vector<1000xf32>
    %get3A_4 = arith.constant 1 : index
    %get3A_5 = arith.constant 0 : index
    %get3A_6 = arith.constant 0 : index
    %get3A_7 = vector.load %arg3[%get3A_4, %get3A_5, %get3A_6] : memref<2x1000x32xf32, #tpu.memory_space<vmem>>, vector<1x1000x1xf32>
    %get3A_8 = vector.shape_cast %get3A_7 : vector<1x1000x1xf32> to vector<1000xf32>
    %add3A = arith.addf %get3A_3, %get3A_8 : vector<1000xf32>
    %add3A_9 = arith.constant 1.000000e+00 : f32
    %add3A_10 = vector.broadcast %add3A_9 : f32 to vector<1000xf32>
    %add3A_11 = arith.addf %add3A, %add3A_10 : vector<1000xf32>
    %rsqrt3A = math.rsqrt %add3A_11 : vector<1000xf32>
    %get3A_12 = arith.constant 0 : index
    %get3A_13 = arith.constant 0 : index
    %get3A_14 = arith.constant 0 : index
    %get3A_15 = vector.load %arg1[%get3A_12, %get3A_13, %get3A_14] : memref<2x1000x128xf32, #tpu.memory_space<vmem>>, vector<1x1000x128xf32>
    %get3A_16 = vector.shape_cast %get3A_15 : vector<1x1000x128xf32> to vector<1000x128xf32>
    %get3A_17 = arith.constant 1 : index
    %get3A_18 = arith.constant 0 : index
    %get3A_19 = arith.constant 0 : index
    %get3A_20 = vector.load %arg1[%get3A_17, %get3A_18, %get3A_19] : memref<2x1000x128xf32, #tpu.memory_space<vmem>>, vector<1x1000x128xf32>
    %get3A_21 = vector.shape_cast %get3A_20 : vector<1x1000x128xf32> to vector<1000x128xf32>
    %add3A_22 = arith.addf %get3A_16, %get3A_21 : vector<1000x128xf32>
    %get3A_23 = arith.constant 0 : index
    %get3A_24 = arith.constant 0 : index
    %get3A_25 = vector.load %arg2[%get3A_23, %get3A_24] : memref<1000x128xf32, #tpu.memory_space<vmem>>, vector<1000x128xf32>
    %add3A_26 = arith.addf %add3A_22, %get3A_25 : vector<1000x128xf32>
    %broadcast_in_dim3A = vector.shape_cast %rsqrt3A : vector<1000xf32> to vector<1000x1xf32>
    %mul3A = vector.broadcast %broadcast_in_dim3A : vector<1000x1xf32> to vector<1000x128xf32>
    %mul3A_27 = arith.mulf %add3A_26, %mul3A : vector<1000x128xf32>
    %get3A_28 = arith.constant 0 : index
    %get3A_29 = arith.constant 0 : index
    %get3A_30 = vector.load %arg4[%get3A_28, %get3A_29] : memref<1x128xf32, #tpu.memory_space<vmem>>, vector<1x128xf32>
    %get3A_31 = vector.shape_cast %get3A_30 : vector<1x128xf32> to vector<128xf32>
    %broadcast_in_dim3A_32 = vector.shape_cast %get3A_31 : vector<128xf32> to vector<1x128xf32>
    %add3A_33 = vector.broadcast %broadcast_in_dim3A_32 : vector<1x128xf32> to vector<1000x128xf32>
    %add3A_34 = arith.addf %mul3A_27, %add3A_33 : vector<1000x128xf32>
    %max3A = arith.constant 0.000000e+00 : f32
    %max3A_35 = vector.broadcast %max3A : f32 to vector<1000x128xf32>
    %max3A_36 = arith.maximumf %add3A_34, %max3A_35 : vector<1000x128xf32>
    %get3A_37 = arith.constant 0 : index
    %get3A_38 = arith.constant 0 : index
    %get3A_39 = vector.load %arg5[%get3A_37, %get3A_38] : memref<128x64xf32, #tpu.memory_space<vmem>>, vector<128x64xf32>
    %dot_general3A = arith.constant dense<0.000000e+00> : vector<1000x64xf32>
    %dot_general3A_40 = tpu.matmul %max3A_36, %get3A_39, %dot_general3A {dimension_numbers = #tpu.dot_dimension_numbers<[1], [0], [0], [1], [0, 0, 1, 1], [], []>, transpose_lhs_hint = false} : vector<1000x128xf32>, vector<128x64xf32>, vector<1000x64xf32> -> vector<1000x64xf32>
    %broadcast_in_dim3A_41 = vector.shape_cast %rsqrt3A : vector<1000xf32> to vector<1000x1xf32>
    %mul3A_42 = vector.broadcast %broadcast_in_dim3A_41 : vector<1000x1xf32> to vector<1000x64xf32>
    %mul3A_43 = arith.mulf %dot_general3A_40, %mul3A_42 : vector<1000x64xf32>
    %broadcast_in_dim3A_44 = arith.constant 0.000000e+00 : f32
    %broadcast_in_dim3A_45 = vector.broadcast %broadcast_in_dim3A_44 : f32 to vector<1000x64xf32>
    %concatenate3A = tpu.concatenate %mul3A_43, %broadcast_in_dim3A_45 in 1 : vector<1000x64xf32>, vector<1000x64xf32> -> vector<1000x128xf32>
    %swap3A = arith.constant 0 : index
    %swap3A_46 = arith.constant 0 : index
    %swap3A_47 = vector.load %arg6[%swap3A, %swap3A_46] : memref<1000x128xf32, #tpu.memory_space<vmem>>, vector<1000x128xf32>
    tpu.vector_store %arg6[%swap3A, %swap3A_46], %concatenate3A {strides = array<i32>} : memref<1000x128xf32, #tpu.memory_space<vmem>>, vector<1000x128xf32>,
    return
  }
  func.func @transform_0(%arg0: i32) -> (i32, i32, i32) {
    %c0_i32 = arith.constant 0 : i32
    %c0_i32_0 = arith.constant 0 : i32
    %c0_i32_1 = arith.constant 0 : i32
    return %c0_i32, %arg0, %c0_i32_0 : i32, i32, i32
  }
  func.func @transform_1(%arg0: i32) -> (i32, i32) {
    %c0_i32 = arith.constant 0 : i32
    %c0_i32_0 = arith.constant 0 : i32
    return %arg0, %c0_i32 : i32, i32
  }
  func.func @transform_2(%arg0: i32) -> (i32, i32, i32) {
    %c0_i32 = arith.constant 0 : i32
    %c0_i32_0 = arith.constant 0 : i32
    %c0_i32_1 = arith.constant 0 : i32
    return %c0_i32, %arg0, %c0_i32_0 : i32, i32, i32
  }
  func.func @transform_3(%arg0: i32) -> (i32, i32) {
    %c0_i32 = arith.constant 0 : i32
    %c0_i32_0 = arith.constant 0 : i32
    %c0_i32_1 = arith.constant 0 : i32
    return %c0_i32, %c0_i32_0 : i32, i32
  }
  func.func @transform_4(%arg0: i32) -> (i32, i32) {
    %c0_i32 = arith.constant 0 : i32
    %c0_i32_0 = arith.constant 0 : i32
    %c0_i32_1 = arith.constant 0 : i32
    return %c0_i32, %c0_i32_0 : i32, i32
  }
  func.func @transform_5(%arg0: i32) -> (i32, i32) {
    %c0_i32 = arith.constant 0 : i32
    %c0_i32_0 = arith.constant 0 : i32
    return %arg0, %c0_i32 : i32, i32
  }
}

</mosaic_0001>

<sc_bundles>
// kernel: kernel.11.cloned.1.call-start
scs
__scs_entry_jumppad:
0x0: {  	(pc) =	sbr.rel $0x88, $3  }
0x1: {  	(tag) =	ssettag $0x0;
	lr =	simm.s32 $0x1  }
0x2: {  	[smem:$0x3F9B] =	sst lr;
	_ =	strace $0xD0000000  }
0x3: {  	_ = 	snop  }
0x4: {  	_ = 	snop  }
0x5: {  	_ = 	snop  }
0x6: {  	_ = 	snop  }
0x7: {  	_ = 	snop  }
__scs_overlays_trampoline_lowered:
0x8: {  	[smem:$0x3FAA] =	sst s0  }
0x9: {  	[smem:$0x3FAB] =	sst s1  }
0xa: {  	[smem:$0x3FAC] =	sst s2  }
0xb: {  	[smem:$0x3FAD] =	sst s3  }
0xc: {  	[smem:$0x3FAE] =	sst s4  }
0xd: {  	[smem:$0x3FAF] =	sst s5  }
0xe: {  	[smem:$0x3FB0] =	sst s6  }
0xf: {  	[smem:$0x3FB1] =	sst s7  }
0x10: {  	[smem:$0x3FB2] =	sst s8  }
0x11: {  	[smem:$0x3FB3] =	sst s9;
	s0 =	simm.s32 @!p0 $0x0  }
0x12: {  	s1 =	sld [smem:$0x3F99];
	s0 =	simm.s32 @p0 $0x1  }
0x13: {  	[smem:$0x3FB4] =	sst s0;
	s0 =	simm.s32 @!p1 $0x0  }
0x14: {  	s2 =	sld [smem:$0x3F98];
	s0 =	simm.s32 @p1 $0x1  }
0x15: {  	[smem:$0x3FB5] =	sst s0;
	s0 =	simm.s32 @!p2 $0x0  }
0x16: {  	s3 =	sld [smem:$0x3FDB];
	s0 =	simm.s32 @p2 $0x1  }
0x17: {  	s4 =	simm.s32 $0x1BF5;
	[smem:$0x3FB7] =	sst s0  }
0x18: {  	s0 =	sld [smem:$0x3F9A];
	_ =	swait.ge [sflag:s4], $0x0  }
0x19: {  	s7 =	sld [smem:$0x3F9B]  }
0x1a: {  	s8 =	sadd.s32 $0xFFFFE003, lr  }
0x1b: {  	s9 =	sadd.s32 $0xFFFFFEF7, lr;
	s5 =	simm.s32 $0xFFFFFFFF;
	p2 =	slt.u32 s8, $0xFFFFF086  }
0x1c: {  	p1 =	slt.u32 s9, $0xF7A;
	s5 =	simm.s32 @!p2 $0x0  }
0x1d: {  	s5 =	simm.s32 @p1 $0x1;
	p0 =	seq.s32 s7, s2  }
0x1e: {  	s7 =	smul.u32 @!p0 $0xF7A, s2;
	p2 =	seq.s32 @!p0 s5, $0x0  }
0x1f: {  	s9 =	smul.u32 $0xF7A, s1;
	s8 =	simm.s32 @!p0 $0x1BF5;
	p2 =	por !p2, p0  }
0x20: {  	[sflag:s8] =	ssyncset.s32 @!p0 $0xFFFFF086;
	s6 =	sadd.s32 @!p0 s3, s7;
	s7 =	simm.s32 @!p0 $0x108  }
0x21: {  	s3 =	sadd.s32 s3, s9;
	s6 =	sadd.s32 @!p0 $0x88, s6;
	s7 =	simm.s32 @p2 $0x1082  }
0x22: {  	[simem:s7], [sflag:s8] =	dma.local @!p0 [hbm:s6], $0xF7A  }
0x23: {  	s9 =	sor.u32 $0xD0000000, s2;
	s6 =	simm.s32 $0x108;
	_ =	swait.ge @!p0 [sflag:s8], $0x0  }
0x24: {  	s3 =	sadd.s32 $0x88, s3;
	s6 =	simm.s32 @!p1 $0x1082;
	[sflag:s4] =	ssyncset.s32 $0xFFFFF086  }
0x25: {  	[simem:s6], [sflag:s4] =	dma.local [hbm:s3], $0xF7A  }
0x26: {  	[smem:$0x3F9B] =	sst s1;
	(tag) =	ssettag s2;
	_ =	strace s9  }
0x27: {  	s1 =	sld [smem:$0x3FAB]  }
0x28: {  	s2 =	sld [smem:$0x3FAC]  }
0x29: {  	s4 =	sld [smem:$0x3FAE]  }
0x2a: {  	p0 =	seq.s32 s5, $0x0;
	s5 =	sld [smem:$0x3FAF]  }
0x2b: {  	s6 =	sld [smem:$0x3FB0]  }
0x2c: {  	s7 =	sld [smem:$0x3FB1]  }
0x2d: {  	s3 =	simm.s32 $0x108;
	s8 =	sld [smem:$0x3FB2]  }
0x2e: {  	s3 =	simm.s32 @!p0 $0x1082;
	s9 =	sld [smem:$0x3FB3]  }
0x2f: {  	lr =	sadd.s32 s0, s3;
	s0 =	sld [smem:$0x3FAA]  }
0x30: {  	s3 =	sld [smem:$0x3FAD]  }
0x31: {  	[smem:$0x3FB6] =	sst s10  }
0x32: {  	s10 =	sld [smem:$0x3FB4];
	_ =	sdelay $0x3  }
0x33: {  	p0 =	seq.s32 s10, $0x1;
	s10 =	sld [smem:$0x3FB6];
	_ =	sdelay $0x3  }
0x34: {  	[smem:$0x3FB6] =	sst s10  }
0x35: {  	s10 =	sld [smem:$0x3FB5];
	_ =	sdelay $0x3  }
0x36: {  	p1 =	seq.s32 s10, $0x1;
	s10 =	sld [smem:$0x3FB6];
	_ =	sdelay $0x3  }
0x37: {  	[smem:$0x3FB6] =	sst s10  }
0x38: {  	s10 =	sld [smem:$0x3FB7]  }
0x39: {  	_ = 	snop;
	(pc) =	sbr.ind lr, $3  }
0x3a: {  	_ = 	snop  }
0x3b: {  	_ = 	snop  }
0x3c: {  	p2 =	seq.s32 s10, $0x1;
	s10 =	sld [smem:$0x3FB6]  }
0x3d: {  	_ =	shalt  }
0x3e: {  	_ =	shalt  }
0x3f: {  	_ =	shalt  }
0x40: {  	_ =	shalt  }
0x41: {  	_ =	shalt  }
0x42: {  	_ =	shalt  }
0x43: {  	_ =	shalt  }
0x44: {  	_ =	shalt  }
0x45: {  	_ =	shalt  }
0x46: {  	_ =	shalt  }
0x47: {  	_ =	shalt  }
0x48: {  	_ =	shalt  }
0x49: {  	_ =	shalt  }
0x4a: {  	_ =	shalt  }
0x4b: {  	_ =	shalt  }
0x4c: {  	_ =	shalt  }
0x4d: {  	_ =	shalt  }
0x4e: {  	_ =	shalt  }
0x4f: {  	_ =	shalt  }
0x50: {  	_ =	shalt  }
0x51: {  	_ =	shalt  }
0x52: {  	_ =	shalt  }
0x53: {  	_ =	shalt  }
0x54: {  	_ =	shalt  }
0x55: {  	_ =	shalt  }
0x56: {  	_ =	shalt  }
0x57: {  	_ =	shalt  }
0x58: {  	_ =	shalt  }
0x59: {  	_ =	shalt  }
0x5a: {  	_ =	shalt  }
0x5b: {  	_ =	shalt  }
0x5c: {  	_ =	shalt  }
0x5d: {  	_ =	shalt  }
0x5e: {  	_ =	shalt  }
0x5f: {  	_ =	shalt  }
0x60: {  	_ =	shalt  }
0x61: {  	_ =	shalt  }
0x62: {  	_ =	shalt  }
0x63: {  	_ =	shalt  }
0x64: {  	_ =	shalt  }
0x65: {  	_ =	shalt  }
0x66: {  	_ =	shalt  }
0x67: {  	_ =	shalt  }
0x68: {  	_ =	shalt  }
0x69: {  	_ =	shalt  }
0x6a: {  	_ =	shalt  }
0x6b: {  	_ =	shalt  }
0x6c: {  	_ =	shalt  }
0x6d: {  	_ =	shalt  }
0x6e: {  	_ =	shalt  }
0x6f: {  	_ =	shalt  }
0x70: {  	_ =	shalt  }
0x71: {  	_ =	shalt  }
0x72: {  	_ =	shalt  }
0x73: {  	_ =	shalt  }
0x74: {  	_ =	shalt  }
0x75: {  	_ =	shalt  }
0x76: {  	_ =	shalt  }
0x77: {  	_ =	shalt  }
0x78: {  	_ =	shalt  }
0x79: {  	_ =	shalt  }
0x7a: {  	_ =	shalt  }
0x7b: {  	_ =	shalt  }
0x7c: {  	_ =	shalt  }
0x7d: {  	_ =	shalt  }
0x7e: {  	_ =	shalt  }
0x7f: {  	_ =	shalt  }
0x80: {  	_ =	shalt  }
0x81: {  	_ =	shalt  }
0x82: {  	_ =	shalt  }
0x83: {  	_ =	shalt  }
0x84: {  	_ =	shalt  }
0x85: {  	_ =	shalt  }
0x86: {  	_ =	shalt  }
0x87: {  	_ =	shalt  }
.Lfunc_end0:
.L_simem_size_0:
called_computation.1_lowered:
.L_overlay_start_0:
0x88: {  	s2 =	sld [smem:$0x3FD9]  }
0x89: {  	s3 =	sld [smem:$0x3FFE];
	_ =	sdelay $0x1  }
0x8a: {  	s1 =	srdreg.scid  }
0x8b: {  	s0 =	sand.u32 $0x1, s1  }
0x8c: {  	s17 =	sshll.u32 s0, $0xA;
	s2 =	sadd.s32 s3, s2  }
0x8d: {  	s2 =	sadd.s32 s2, s17  }
0x8e: {  	[smem:$0x3FC2] =	sst s2  }
0x8f: {  	_ = 	snop  }
0x90: {  	s2 =	sld [smem:$0x3FD0];
	(tm) =	ssettm $0x1  }
0x91: {  	s18 =	sld [smem:$0x3FFB];
	_ =	sdelay $0x3  }
0x92: {  	_ =	strace s18  }
0x93: {  	s3 =	sld [smem:$0x3FFC];
	_ =	sdelay $0x3  }
0x94: {  	_ =	strace s3  }
0x95: {  	s3 =	sld [smem:$0x3FFD];
	_ =	sdelay $0x3  }
0x96: {  	_ =	strace s3  }
0x97: {  	_ =	strace $0x8FFFFFFF  }
0x98: {  	s19 =	sld [smem:$0x3FDB];
	_ =	sdelay $0x1  }
0x99: {  	s4 =	simm.s32 $_scs_section_size  }
0x9a: {  	s5 =	simm.s32 $_size__tile_overlayer_lowered;
	s6 =	simm.s32 $_tile_overlayer_lowered  }
0x9b: {  	s22 =	simm.s32 $0x1BFF;
	s21 =	sshll.u32 s6, $0x1;
	s3 =	sadd.s32 s4, s19  }
0x9c: {  	s7 =	simm.s32 $0x0;
	s20 =	sshll.u32 s5, $0x1;
	s5 =	sadd.s32 s21, s3  }
0x9d: {  	[timem:s7], [sflag:s22] =	dma.local [hbm:s5], s20  }
0x9e: {  	_ =	swait.ge [sflag:s22], s20  }
0x9f: {  	s4 =	ssub.s32 $0x0, s20;
	[sflag:s22] =	ssyncset.done $0x0  }
0xa0: {  	[sflag:s22] =	ssyncadd.s32 s4;
	_ =	sdelay $0x1  }
0xa1: {  	s23 =	simm.s32 $0x1B8B  }
0xa2: {  	_ =	swait.ge [sflag:s23], $0x1  }
0xa3: {  	[sflag:s23] =	ssyncset.done $0x0  }
0xa4: {  	s25 =	simm.s32 $0x1B8E;
	s24 =	sld [smem:$0x3FFE];
	[sflag:s23] =	ssyncadd.s32 $0xFFFFFFFF  }
0xa5: {  	s26 =	simm.s32 $execute0_lowered;
	[smem:$0x3FD2] =	sst s25  }
0xa6: {  	s5 =	sshll.u32 s26, $0x1;
	_ =	strace $0x80000049;
	[dreg:$0x1] =	wrdreg $0xFFFFFFFF  }
0xa7: {  	s28 =	simm.s32 $_size_execute0_lowered;
	s3 =	sadd.s32 s3, s5;
	[dreg:$0x0] =	wrdreg $0x0  }
0xa8: {  	s5 =	sshll.u32 s28, $0x1;
	[dreg:$0x2] =	wrdreg s3  }
0xa9: {  	[dreg:$0x3] =	wrdreg s5  }
0xaa: {  	[dreg:$0x4] =	wrdreg $0xC0  }
0xab: {  	_ =	task [dreg:s7], $0x5FFFF  }
0xac: {  	[dreg:$0x1] =	wrdreg $0xFFFFFFFF  }
0xad: {  	[dreg:$0x0] =	wrdreg $0x60  }
0xae: {  	[dreg:$0x2] =	wrdreg s24  }
0xaf: {  	[dreg:$0x3] =	wrdreg s2  }
0xb0: {  	[dreg:$0x4] =	wrdreg $0xBE800  }
0xb1: {  	[dreg:$0x5] =	wrdreg $0x9  }
0xb2: {  	_ =	task.clear_ibuf [dreg:s7], $0x6FFFF;
	_ =	strace $0x90000049  }
0xb3: {  	s29 =	simm.s32 $0x9;
	_ =	strace $0x8000004B  }
0xb4: {  	_ =	swait.ge [sflag:s29], $0x1  }
0xb5: {  	[sflag:s29] =	ssyncadd.s32 $0xFFFFFFFF  }
0xb6: {  	_ =	strace $0x9000004B  }
0xb7: {  	_ =	sfence  }
0xb8: {  	s30 =	sld [smem:$0x0];
	_ =	sdelay $0x2  }
0xb9: {  	s31 =	sshll.u32 s1, $0xD;
	s1 =	sshrl.u32 s1, $0x2  }
0xba: {  	s3 =	sand.u32 $0x4000, s31;
	s1 =	sadd.s32 s1, s30  }
0xbb: {  	s0 =	sor.u32 s3, s0;
	s1 =	sshll.u32 s1, $0x11  }
0xbc: {  	s0 =	sor.u32 s1, s0  }
0xbd: {  	s0 =	sadd.s32 $0x8F2B, s0  }
0xbe: {  	[sflag:s0] =	ssyncadd.remote.s32 $0x1  }
0xbf: {  	_ =	sfence.sel $0xFFFF  }
0xc0: {  	[dreg:$0x0] =	wrdreg $0xFFFFFFFF;
	(pc) =	sbr.abs _section_cstart, $3  }
0xc1: {  	[dreg:$0x1] =	wrdreg $0xFFFFFFFF  }
0xc2: {  	_ =	task.clear_ibuf [dreg:s7], $0x2FFFF;
	_ =	strace $0x9FFFFFFF  }
0xc3: {  	(tm) =	ssettm $0x7FFFFFFF  }
tec
execute0_lowered:
.L_overlay_start_1:
0x0: {  	(tag) =	ssettag $0x1  }
0x1: {  	s0 =	rddreg [dreg:$0x0]  }
0x2: {  	s1 =	rddreg [dreg:$0x1]  }
0x3: {  	s2 =	rddreg [dreg:$0x2]  }
0x4: {  	s3 =	srdreg.scid;
	s13 =	stileid.u32;
	s5 =	simm.s32 $0x0  }
0x5: {  	s29 =	simm.s32 $0x9680;
	s30 =	simm.s32 $0x9E80;
	s4 =	smul.u32 $0x3F00, s13  }
0x6: {  	s31 =	simm.s32 $0xA680;
	s28 =	simm.s32 $0x40;
	s17 =	smul.u32 $0x13800, s13  }
0x7: {  	s3 =	sand.u32 $0x1, s3;
	[smem:$0x7FF] =	sst s5;
	s8 =	smul.u32 $0x4F000, s13  }
0x8: {  	s5 =	sshll.u32 s13, $0xC;
	s25 =	smul.u32 $0x4E000, s13;
	p0 =	seq.s32 s3, $0x0  }
0x9: {  	s7 =	smul.u32 $0x138800, s3;
	_ =	strace $0x8000004A;
	s18 =	ssub.s32 $0x2, s3  }
0xa: {  	s6 =	sadd.s32 $0x10000, s4;
	s4 =	sadd.s32 $0x5A200, s0;
	s10 =	sshrl.u32 s18, $0x1  }
0xb: {  	s20 =	sshrl.u32 s8, $0x2;
	s26 =	sshrl.u32 s25, $0x2;
	s6 =	smov.u32 @p0 s5  }
0xc: {  	s5 =	sadd.s32 s17, s7;
	s19 =	ssub.s32 s18, s10;
	s7 =	sadd.s32 s20, s2  }
0xd: {  	p0 =	sne.s32 s3, $0x0;
	s20 =	simm.s32 $0xB680;
	s3 =	simm.s32 $0x0  }
0xe: {  	s6 =	sshrl.u32 s6, $0x3;
	s5 =	sshrl.u32 s5, $0x3;
	s22 =	sadd.s32 $0x2000, s7  }
0xf: {  	s23 =	sadd.s32 $0x4000, s7;
	s24 =	sadd.s32 $0x6000, s7;
	s11 =	sadd.s32 $0x8000, s7  }
0x10: {  	s12 =	sadd.s32 $0xA000, s7;
	s13 =	sadd.s32 $0xC000, s7;
	s14 =	sadd.s32 $0xE000, s7  }
0x11: {  	s15 =	sadd.s32 $0x10000, s7;
	s16 =	sadd.s32 $0x12000, s7;
	s18 =	smax.u32 s19, $0x1  }
0x12: {  	s19 =	simm.s32 $0x3;
	s9 =	sadd.s32 s6, s0;
	[dreg:$0x6] =	wrdreg s22  }
0x13: {  	s0 =	sadd.s32 s5, s0;
	s1 =	sadd.s32 s1, s6;
	[dreg:$0x7] =	wrdreg s23  }
.Ltmp0:
0x14: {  	[dreg:$0x8] =	wrdreg s24;
	s22 =	simm.s32 $0x10;
	(pc) =	sbr.rel .LBB2_1-.Ltmp0, $4  }
0x15: {  	s23 =	simm.s32 $0x8680;
	s24 =	simm.s32 $0x1;
	[dreg:$0x4] =	wrdreg s1  }
0x16: {  	s21 =	sadd.s32 $0x2200, s9;
	s17 =	sadd.s32 $0x81400, s0;
	s0 =	sadd.s32 s26, s2  }
0x17: {  	s26 =	simm.s32 $0x8E80;
	s1 =	simm.s32 $0x2;
	[dreg:$0x5] =	wrdreg s21  }
0x18: {  	v0 =	vimm.f32 $0.0e+00;
	s21 =	simm.s32 $0x7E80;
	s25 =	sshrl.u32 s0, $0x3;
	s0 =	simm.s32 $0xAE80  }
.LBB2_9:
0x19: {  	s6 =	sadd.s32 $0x40, s5;
	[sflag:s19] =	ssyncadd.s32 $0xFFFFE000  }
0x1a: {  	[tilespmem:s30], [sflag:$0x2] =	stream.indirect.gather [hbm4b:s4+s22], $0x80, s6, s22, $0xb8;
	[tilespmem:$0x1FA80] =	vst v63  }
0x1b: {  	s8 =	sadd.s32 $0x50, s5  }
0x1c: {  	[tilespmem:s31], [sflag:$0x2] =	stream.indirect.gather [hbm4b:s4+s22], $0x80, s8, s22, $0xb8;
	[tilespmem:$0x1FA80] =	vst v63  }
0x1d: {  	s9 =	sadd.s32 $0x60, s5  }
0x1e: {  	[tilespmem:s0], [sflag:$0x2] =	stream.indirect.gather [hbm4b:s4+s22], $0x80, s9, s22, $0xb8;
	[tilespmem:$0x1FA80] =	vst v63  }
0x1f: {  	s10 =	sadd.s32 $0x70, s5  }
0x20: {  	[tilespmem:s20], [sflag:$0x2] =	stream.indirect.gather [hbm4b:s4+s22], $0x80, s10, s22, $0xb8;
	[tilespmem:$0x1FA80] =	vst v63  }
0x21: {  	_ =	swait.ge [sflag:s24], $0x2000  }
0x22: {  	[sflag:s24] =	ssyncset.done $0x0  }
0x23: {  	s8 =	sadd.s32 $0x3F80, s5;
	[sflag:s24] =	ssyncadd.s32 $0xFFFFE000  }
0x24: {  	[spmem:s2] =	stream.indirect.scatter.add.f32 [tilespmem:s21], [sflag:$0x3], $0x80, s8, s28, $0xb8;
	[tilespmem:$0x1FA80] =	vst v63  }
0x25: {  	_ =	swait.ge [sflag:s19], $0x2000  }
0x26: {  	[sflag:s19] =	ssyncset.done $0x0  }
0x27: {  	s9 =	sadd.s32 $0x80, s5;
	[sflag:s19] =	ssyncadd.s32 $0xFFFFE000  }
0x28: {  	[tilespmem:s21], [sflag:$0x1] =	stream.indirect.gather [hbm4b:s4+s22], $0x80, s9, s22, $0xb8;
	[tilespmem:$0x1FA80] =	vst v63  }
0x29: {  	s10 =	sadd.s32 $0x90, s5  }
0x2a: {  	[tilespmem:s23], [sflag:$0x1] =	stream.indirect.gather [hbm4b:s4+s22], $0x80, s10, s22, $0xb8;
	[tilespmem:$0x1FA80] =	vst v63  }
0x2b: {  	s8 =	sadd.s32 $0xA0, s5  }
0x2c: {  	[tilespmem:s26], [sflag:$0x1] =	stream.indirect.gather [hbm4b:s4+s22], $0x80, s8, s22, $0xb8;
	[tilespmem:$0x1FA80] =	vst v63  }
0x2d: {  	s9 =	sadd.s32 $0xB0, s5  }
0x2e: {  	[tilespmem:s29], [sflag:$0x1] =	stream.indirect.gather [hbm4b:s4+s22], $0x80, s9, s22, $0xb8;
	[tilespmem:$0x1FA80] =	vst v63  }
0x2f: {  	_ =	swait.ge [sflag:s1], $0x2000  }
0x30: {  	[sflag:s1] =	ssyncset.done $0x0  }
0x31: {  	s10 =	sadd.s32 $0x3FC0, s5;
	[sflag:s1] =	ssyncadd.s32 $0xFFFFE000  }
0x32: {  	[spmem:s2] =	stream.indirect.scatter.add.f32 [tilespmem:s30], [sflag:$0x3], $0x80, s10, s28, $0xb8;
	[tilespmem:$0x1FA80] =	vst v63  }
0x33: {  	_ =	swait.ge [sflag:s19], $0x2000  }
0x34: {  	[sflag:s19] =	ssyncset.done $0x0  }
0x35: {  	[sflag:s19] =	ssyncadd.s32 $0xFFFFE000  }
.LBB2_10:
0x36: {  	_ =	swait.ge [sflag:s24], $0x2000  }
0x37: {  	s5 =	stileid.u32;
	s3 =	sadd.s32 $0x1, s3;
	[sflag:s24] =	ssyncset.done $0x0  }
0x38: {  	s5 =	sshll.u32 s5, $0x6;
	p1 =	sne.s32 s3, s18;
	[sflag:s24] =	ssyncadd.s32 $0xFFFFE000  }
.Ltmp1:
0x39: {  	s5 =	sor.u32 $0x1C03, s5;
	[bflag:$0x0] =	sbarrier.arrive $0xFFFF;
	(pc) =	sbr.rel @!p1 .LBB2_11-.Ltmp1, $4  }
0x3a: {  	[hbm:s17], [sflag:s5] =	dma.local [spmem:s25], $0x2800  }
0x3b: {  	_ =	swait.ge [sflag:s19], $0x2800  }
0x3c: {  	[sflag:s19] =	ssyncset.done $0x0  }
0x3d: {  	[sflag:s19] =	ssyncadd.s32 $0xFFFFD800  }
.LBB2_1:
0x3e: {  	s5 =	simm.s32 $0x0;
	s6 =	rddreg [dreg:$0x4]  }
0x3f: {  	[tilespmem:s5], [sflag:$0x3] =	stream.linear.gather [hbm4b:s6+s5], $0x3F40, $0x38;
	[tilespmem:$0x1FA80] =	vst v63  }
0x40: {  	_ =	swait.ge [sflag:s19], $0x3F40  }
0x41: {  	[sflag:s19] =	ssyncset.done $0x0  }
0x42: {  	s8 =	simm.s32 $0x3F80;
	s10 =	rddreg [dreg:$0x5];
	[sflag:s19] =	ssyncadd.s32 $0xFFFFC0C0  }
0x43: {  	[tilespmem:s8], [sflag:$0x3] =	stream.linear.gather [hbm4b:s10+s5], $0x3F00, $0x38;
	[tilespmem:$0x1FA80] =	vst v63  }
0x44: {  	_ =	swait.ge [sflag:s19], $0x3F00  }
0x45: {  	[sflag:s19] =	ssyncset.done $0x0  }
0x46: {  	s6 =	simm.s32 $0x200;
	s5 =	simm.s32 $0x0;
	[sflag:s19] =	ssyncadd.s32 $0xFFFFC100  }
.LBB2_2:
0x47: {  	p1 =	sne.s32 s6, $0x7E00;
	[tilespmem:s5+$0x7EF0] =	vst v0  }
0x48: {  	[tilespmem:s5+$0x7E80] =	vst v0  }
0x49: {  	[tilespmem:s5+$0x7E90] =	vst v0  }
.Ltmp2:
0x4a: {  	[tilespmem:s5+$0x7EA0] =	vst v0;
	(pc) =	sbr.rel @p1 .LBB2_2-.Ltmp2, $4  }
0x4b: {  	[tilespmem:s5+$0x7EB0] =	vst v0  }
0x4c: {  	[tilespmem:s5+$0x7EC0] =	vst v0  }
0x4d: {  	[tilespmem:s5+$0x7ED0] =	vst v0  }
0x4e: {  	[tilespmem:s5+$0x7EE0] =	vst v0;
	s5 =	sshra.s32 s6, $0x2;
	s6 =	sadd.s32 $0x200, s6  }
0x4f: {  	[tilespmem:s5+$0x7EF0] =	vst v0  }
0x50: {  	[tilespmem:s5+$0x7E80] =	vst v0  }
0x51: {  	[tilespmem:s5+$0x7E90] =	vst v0  }
0x52: {  	[tilespmem:s5+$0x7EA0] =	vst v0  }
0x53: {  	[tilespmem:s5+$0x7EB0] =	vst v0  }
0x54: {  	[tilespmem:s5+$0x7EC0] =	vst v0  }
0x55: {  	[tilespmem:s5+$0x7ED0] =	vst v0  }
0x56: {  	[tilespmem:s5+$0x7EE0] =	vst v0  }
0x57: {  	[spmem:s7] =	stream.linear.scatter [tilespmem:s21], [sflag:$0x3], $0x2000, $0x38;
	[tilespmem:$0x1FA80] =	vst v63  }
0x58: {  	_ =	swait.ge [sflag:s19], $0x2000  }
0x59: {  	[sflag:s19] =	ssyncset.done $0x0  }
0x5a: {  	s9 =	rddreg [dreg:$0x6];
	[sflag:s19] =	ssyncadd.s32 $0xFFFFE000  }
0x5b: {  	[spmem:s9] =	stream.linear.scatter [tilespmem:s21], [sflag:$0x3], $0x2000, $0x38;
	[tilespmem:$0x1FA80] =	vst v63  }
0x5c: {  	_ =	swait.ge [sflag:s19], $0x2000  }
0x5d: {  	[sflag:s19] =	ssyncset.done $0x0  }
0x5e: {  	s10 =	rddreg [dreg:$0x7];
	[sflag:s19] =	ssyncadd.s32 $0xFFFFE000  }
0x5f: {  	[spmem:s10] =	stream.linear.scatter [tilespmem:s21], [sflag:$0x3], $0x2000, $0x38;
	[tilespmem:$0x1FA80] =	vst v63  }
0x60: {  	_ =	swait.ge [sflag:s19], $0x2000  }
0x61: {  	[sflag:s19] =	ssyncset.done $0x0  }
0x62: {  	s6 =	rddreg [dreg:$0x8];
	[sflag:s19] =	ssyncadd.s32 $0xFFFFE000  }
0x63: {  	[spmem:s6] =	stream.linear.scatter [tilespmem:s21], [sflag:$0x3], $0x2000, $0x38;
	[tilespmem:$0x1FA80] =	vst v63  }
0x64: {  	_ =	swait.ge [sflag:s19], $0x2000  }
0x65: {  	[sflag:s19] =	ssyncset.done $0x0  }
0x66: {  	[sflag:s19] =	ssyncadd.s32 $0xFFFFE000  }
0x67: {  	[spmem:s11] =	stream.linear.scatter [tilespmem:s21], [sflag:$0x3], $0x2000, $0x38;
	[tilespmem:$0x1FA80] =	vst v63  }
0x68: {  	_ =	swait.ge [sflag:s19], $0x2000  }
0x69: {  	[sflag:s19] =	ssyncset.done $0x0  }
0x6a: {  	[sflag:s19] =	ssyncadd.s32 $0xFFFFE000  }
0x6b: {  	[spmem:s12] =	stream.linear.scatter [tilespmem:s21], [sflag:$0x3], $0x2000, $0x38;
	[tilespmem:$0x1FA80] =	vst v63  }
0x6c: {  	_ =	swait.ge [sflag:s19], $0x2000  }
0x6d: {  	[sflag:s19] =	ssyncset.done $0x0  }
0x6e: {  	[sflag:s19] =	ssyncadd.s32 $0xFFFFE000  }
0x6f: {  	[spmem:s13] =	stream.linear.scatter [tilespmem:s21], [sflag:$0x3], $0x2000, $0x38;
	[tilespmem:$0x1FA80] =	vst v63  }
0x70: {  	_ =	swait.ge [sflag:s19], $0x2000  }
0x71: {  	[sflag:s19] =	ssyncset.done $0x0  }
0x72: {  	[sflag:s19] =	ssyncadd.s32 $0xFFFFE000  }
0x73: {  	[spmem:s14] =	stream.linear.scatter [tilespmem:s21], [sflag:$0x3], $0x2000, $0x38;
	[tilespmem:$0x1FA80] =	vst v63  }
0x74: {  	_ =	swait.ge [sflag:s19], $0x2000  }
0x75: {  	[sflag:s19] =	ssyncset.done $0x0  }
0x76: {  	[sflag:s19] =	ssyncadd.s32 $0xFFFFE000  }
0x77: {  	[spmem:s15] =	stream.linear.scatter [tilespmem:s21], [sflag:$0x3], $0x2000, $0x38;
	[tilespmem:$0x1FA80] =	vst v63  }
0x78: {  	_ =	swait.ge [sflag:s19], $0x2000  }
0x79: {  	[sflag:s19] =	ssyncset.done $0x0  }
0x7a: {  	[sflag:s19] =	ssyncadd.s32 $0xFFFFE000  }
0x7b: {  	[spmem:s16] =	stream.linear.scatter [tilespmem:s21], [sflag:$0x3], $0x1C00, $0x38;
	[tilespmem:$0x1FA80] =	vst v63  }
0x7c: {  	_ =	swait.ge [sflag:s19], $0x1C00  }
0x7d: {  	[sflag:s19] =	ssyncset.done $0x0  }
0x7e: {  	[sflag:s19] =	ssyncadd.s32 $0xFFFFE400  }
0x7f: {  	s8 =	simm.s32 $0x0;
	[bflag:$0x0] =	sbarrier.arrive $0xFFFF  }
0x80: {  	[tilespmem:s21], [sflag:$0x1] =	stream.indirect.gather [hbm4b:s4+s22], $0x80, s8, s22, $0xb8;
	[tilespmem:$0x1FA80] =	vst v63  }
0x81: {  	_ = 	snop  }
0x82: {  	[tilespmem:s23], [sflag:$0x1] =	stream.indirect.gather [hbm4b:s4+s22], $0x80, s22, s22, $0xb8;
	[tilespmem:$0x1FA80] =	vst v63  }
.Ltmp3:
0x83: {  	_ = 	snop;
	(pc) =	sbr.rel @p0 .LBB2_7-.Ltmp3, $4  }
0x84: {  	s9 =	simm.s32 $0x20  }
0x85: {  	[tilespmem:s26], [sflag:$0x1] =	stream.indirect.gather [hbm4b:s4+s22], $0x80, s9, s22, $0xb8;
	[tilespmem:$0x1FA80] =	vst v63  }
0x86: {  	s5 =	simm.s32 $0x40;
	s10 =	simm.s32 $0x30  }
0x87: {  	[tilespmem:s29], [sflag:$0x1] =	stream.indirect.gather [hbm4b:s4+s22], $0x80, s10, s22, $0xb8;
	[tilespmem:$0x1FA80] =	vst v63  }
0x88: {  	[tilespmem:s30], [sflag:$0x2] =	stream.indirect.gather [hbm4b:s4+s22], $0x80, s5, s22, $0xb8;
	[tilespmem:$0x1FA80] =	vst v63  }
0x89: {  	s10 =	simm.s32 $0x50  }
0x8a: {  	[tilespmem:s31], [sflag:$0x2] =	stream.indirect.gather [hbm4b:s4+s22], $0x80, s10, s22, $0xb8;
	[tilespmem:$0x1FA80] =	vst v63  }
0x8b: {  	s6 =	simm.s32 $0x60  }
0x8c: {  	[tilespmem:s0], [sflag:$0x2] =	stream.indirect.gather [hbm4b:s4+s22], $0x80, s6, s22, $0xb8;
	[tilespmem:$0x1FA80] =	vst v63  }
0x8d: {  	s8 =	simm.s32 $0x70  }
0x8e: {  	[tilespmem:s20], [sflag:$0x2] =	stream.indirect.gather [hbm4b:s4+s22], $0x80, s8, s22, $0xb8;
	[tilespmem:$0x1FA80] =	vst v63  }
0x8f: {  	_ =	swait.ge [sflag:s24], $0x2000  }
0x90: {  	[sflag:s24] =	ssyncset.done $0x0  }
0x91: {  	s9 =	simm.s32 $0x3F80;
	[sflag:s24] =	ssyncadd.s32 $0xFFFFE000  }
0x92: {  	[spmem:s2] =	stream.indirect.scatter.add.f32 [tilespmem:s21], [sflag:$0x3], $0x80, s9, s28, $0xb8;
	[tilespmem:$0x1FA80] =	vst v63  }
0x93: {  	_ =	swait.ge [sflag:s19], $0x2000  }
0x94: {  	[sflag:s19] =	ssyncset.done $0x0  }
0x95: {  	s10 =	simm.s32 $0x80;
	[sflag:s19] =	ssyncadd.s32 $0xFFFFE000  }
0x96: {  	[tilespmem:s21], [sflag:$0x1] =	stream.indirect.gather [hbm4b:s4+s22], $0x80, s10, s22, $0xb8;
	[tilespmem:$0x1FA80] =	vst v63  }
0x97: {  	s6 =	simm.s32 $0x90  }
0x98: {  	[tilespmem:s23], [sflag:$0x1] =	stream.indirect.gather [hbm4b:s4+s22], $0x80, s6, s22, $0xb8;
	[tilespmem:$0x1FA80] =	vst v63  }
0x99: {  	s8 =	simm.s32 $0xA0  }
0x9a: {  	[tilespmem:s26], [sflag:$0x1] =	stream.indirect.gather [hbm4b:s4+s22], $0x80, s8, s22, $0xb8;
	[tilespmem:$0x1FA80] =	vst v63  }
0x9b: {  	s9 =	simm.s32 $0xB0  }
0x9c: {  	[tilespmem:s29], [sflag:$0x1] =	stream.indirect.gather [hbm4b:s4+s22], $0x80, s9, s22, $0xb8;
	[tilespmem:$0x1FA80] =	vst v63  }
0x9d: {  	_ =	swait.ge [sflag:s1], $0x2000  }
0x9e: {  	[sflag:s1] =	ssyncset.done $0x0  }
0x9f: {  	s10 =	simm.s32 $0x3FC0;
	[sflag:s1] =	ssyncadd.s32 $0xFFFFE000  }
0xa0: {  	[spmem:s2] =	stream.indirect.scatter.add.f32 [tilespmem:s30], [sflag:$0x3], $0x80, s10, s28, $0xb8;
	[tilespmem:$0x1FA80] =	vst v63  }
0xa1: {  	_ =	swait.ge [sflag:s19], $0x2000  }
0xa2: {  	s5 =	simm.s32 $0x80;
	s6 =	simm.s32 $0x400;
	[sflag:s19] =	ssyncset.done $0x0  }
.LBB2_5:
0xa3: {  	s8 =	sadd.s32 $0x40, s5  }
0xa4: {  	[sflag:s19] =	ssyncadd.s32 $0xFFFFE000;
	s9 =	smov.u32 s6;
	s10 =	sadd.s32 $0x200, s6  }
0xa5: {  	[tilespmem:s30], [sflag:$0x2] =	stream.indirect.gather [hbm4b:s4+s22], $0x80, s8, s22, $0xb8;
	[tilespmem:$0x1FA80] =	vst v63  }
0xa6: {  	p1 =	seq.s32 s6, $0x3E00;
	s6 =	sadd.s32 $0x50, s5  }
0xa7: {  	[tilespmem:s31], [sflag:$0x2] =	stream.indirect.gather [hbm4b:s4+s22], $0x80, s6, s22, $0xb8;
	[tilespmem:$0x1FA80] =	vst v63  }
0xa8: {  	s6 =	sadd.s32 $0x60, s5  }
0xa9: {  	[tilespmem:s0], [sflag:$0x2] =	stream.indirect.gather [hbm4b:s4+s22], $0x80, s6, s22, $0xb8;
	[tilespmem:$0x1FA80] =	vst v63  }
0xaa: {  	s6 =	sadd.s32 $0x70, s5  }
0xab: {  	[tilespmem:s20], [sflag:$0x2] =	stream.indirect.gather [hbm4b:s4+s22], $0x80, s6, s22, $0xb8;
	[tilespmem:$0x1FA80] =	vst v63  }
0xac: {  	_ =	swait.ge [sflag:s24], $0x2000  }
0xad: {  	[sflag:s24] =	ssyncset.done $0x0  }
0xae: {  	s6 =	sadd.s32 $0x3F80, s5;
	[sflag:s24] =	ssyncadd.s32 $0xFFFFE000  }
0xaf: {  	[spmem:s2] =	stream.indirect.scatter.add.f32 [tilespmem:s21], [sflag:$0x3], $0x80, s6, s28, $0xb8;
	[tilespmem:$0x1FA80] =	vst v63  }
0xb0: {  	_ =	swait.ge [sflag:s19], $0x2000  }
0xb1: {  	[sflag:s19] =	ssyncset.done $0x0  }
0xb2: {  	s6 =	sadd.s32 $0x80, s5;
	[sflag:s19] =	ssyncadd.s32 $0xFFFFE000  }
0xb3: {  	[tilespmem:s21], [sflag:$0x1] =	stream.indirect.gather [hbm4b:s4+s22], $0x80, s6, s22, $0xb8;
	[tilespmem:$0x1FA80] =	vst v63  }
0xb4: {  	s6 =	sadd.s32 $0x90, s5  }
0xb5: {  	[tilespmem:s23], [sflag:$0x1] =	stream.indirect.gather [hbm4b:s4+s22], $0x80, s6, s22, $0xb8;
	[tilespmem:$0x1FA80] =	vst v63  }
0xb6: {  	s6 =	sadd.s32 $0xA0, s5  }
0xb7: {  	[tilespmem:s26], [sflag:$0x1] =	stream.indirect.gather [hbm4b:s4+s22], $0x80, s6, s22, $0xb8;
	[tilespmem:$0x1FA80] =	vst v63  }
0xb8: {  	s6 =	sadd.s32 $0xB0, s5  }
0xb9: {  	[tilespmem:s29], [sflag:$0x1] =	stream.indirect.gather [hbm4b:s4+s22], $0x80, s6, s22, $0xb8;
	[tilespmem:$0x1FA80] =	vst v63  }
0xba: {  	_ =	swait.ge [sflag:s1], $0x2000  }
.Ltmp4:
0xbb: {  	[sflag:s1] =	ssyncset.done $0x0;
	(pc) =	sbr.rel @!p1 .LBB2_5-.Ltmp4, $4  }
0xbc: {  	s5 =	sadd.s32 $0x3FC0, s5;
	[sflag:s1] =	ssyncadd.s32 $0xFFFFE000  }
0xbd: {  	[spmem:s2] =	stream.indirect.scatter.add.f32 [tilespmem:s30], [sflag:$0x3], $0x80, s5, s28, $0xb8;
	[tilespmem:$0x1FA80] =	vst v63  }
0xbe: {  	_ =	swait.ge [sflag:s19], $0x2000  }
0xbf: {  	s6 =	smov.u32 s10;
	s5 =	sshra.s32 s9, $0x2;
	[sflag:s19] =	ssyncset.done $0x0  }
0xc0: {  	s6 =	sadd.s32 $0x40, s5;
	[sflag:s19] =	ssyncadd.s32 $0xFFFFE000  }
0xc1: {  	[tilespmem:s30], [sflag:$0x2] =	stream.indirect.gather [hbm4b:s4+s22], $0x80, s6, s22, $0xb8;
	[tilespmem:$0x1FA80] =	vst v63  }
0xc2: {  	s8 =	sadd.s32 $0x50, s5  }
0xc3: {  	[tilespmem:s31], [sflag:$0x2] =	stream.indirect.gather [hbm4b:s4+s22], $0x80, s8, s22, $0xb8;
	[tilespmem:$0x1FA80] =	vst v63  }
0xc4: {  	s9 =	sadd.s32 $0x60, s5  }
0xc5: {  	[tilespmem:s0], [sflag:$0x2] =	stream.indirect.gather [hbm4b:s4+s22], $0x80, s9, s22, $0xb8;
	[tilespmem:$0x1FA80] =	vst v63  }
0xc6: {  	s10 =	sadd.s32 $0x70, s5  }
0xc7: {  	[tilespmem:s20], [sflag:$0x2] =	stream.indirect.gather [hbm4b:s4+s22], $0x80, s10, s22, $0xb8;
	[tilespmem:$0x1FA80] =	vst v63  }
0xc8: {  	_ =	swait.ge [sflag:s24], $0x2000  }
0xc9: {  	[sflag:s24] =	ssyncset.done $0x0  }
0xca: {  	s8 =	sadd.s32 $0x3F80, s5;
	[sflag:s24] =	ssyncadd.s32 $0xFFFFE000  }
0xcb: {  	[spmem:s2] =	stream.indirect.scatter.add.f32 [tilespmem:s21], [sflag:$0x3], $0x80, s8, s28, $0xb8;
	[tilespmem:$0x1FA80] =	vst v63  }
0xcc: {  	_ =	swait.ge [sflag:s19], $0x2000  }
0xcd: {  	[sflag:s19] =	ssyncset.done $0x0  }
0xce: {  	s9 =	sadd.s32 $0x80, s5;
	[sflag:s19] =	ssyncadd.s32 $0xFFFFE000  }
0xcf: {  	[tilespmem:s21], [sflag:$0x1] =	stream.indirect.gather [hbm4b:s4+s22], $0x80, s9, s22, $0xb8;
	[tilespmem:$0x1FA80] =	vst v63  }
0xd0: {  	s10 =	sadd.s32 $0x90, s5  }
0xd1: {  	[tilespmem:s23], [sflag:$0x1] =	stream.indirect.gather [hbm4b:s4+s22], $0x80, s10, s22, $0xb8;
	[tilespmem:$0x1FA80] =	vst v63  }
0xd2: {  	s8 =	sadd.s32 $0xA0, s5  }
0xd3: {  	[tilespmem:s26], [sflag:$0x1] =	stream.indirect.gather [hbm4b:s4+s22], $0x80, s8, s22, $0xb8;
	[tilespmem:$0x1FA80] =	vst v63  }
0xd4: {  	s9 =	sadd.s32 $0xB0, s5  }
0xd5: {  	[tilespmem:s29], [sflag:$0x1] =	stream.indirect.gather [hbm4b:s4+s22], $0x80, s9, s22, $0xb8;
	[tilespmem:$0x1FA80] =	vst v63  }
0xd6: {  	_ =	swait.ge [sflag:s1], $0x2000  }
0xd7: {  	[sflag:s1] =	ssyncset.done $0x0  }
.Ltmp5:
0xd8: {  	s10 =	sadd.s32 $0x3FC0, s5;
	[sflag:s1] =	ssyncadd.s32 $0xFFFFE000;
	(pc) =	sbr.rel .LBB2_10-.Ltmp5, $4  }
0xd9: {  	[spmem:s2] =	stream.indirect.scatter.add.f32 [tilespmem:s30], [sflag:$0x3], $0x80, s10, s28, $0xb8;
	[tilespmem:$0x1FA80] =	vst v63  }
0xda: {  	_ =	swait.ge [sflag:s19], $0x2000  }
0xdb: {  	[sflag:s19] =	ssyncset.done $0x0  }
0xdc: {  	[sflag:s19] =	ssyncadd.s32 $0xFFFFE000  }
.LBB2_7:
0xdd: {  	[tilespmem:s30], [sflag:$0x2] =	stream.indirect.gather [hbm4b:s4+s22], $0x80, s5, s22, $0xb8;
	[tilespmem:$0x1FA80] =	vst v63  }
0xde: {  	s10 =	simm.s32 $0x50  }
0xdf: {  	[tilespmem:s31], [sflag:$0x2] =	stream.indirect.gather [hbm4b:s4+s22], $0x80, s10, s22, $0xb8;
	[tilespmem:$0x1FA80] =	vst v63  }
0xe0: {  	s6 =	simm.s32 $0x60  }
0xe1: {  	[tilespmem:s0], [sflag:$0x2] =	stream.indirect.gather [hbm4b:s4+s22], $0x80, s6, s22, $0xb8;
	[tilespmem:$0x1FA80] =	vst v63  }
0xe2: {  	s8 =	simm.s32 $0x70  }
0xe3: {  	[tilespmem:s20], [sflag:$0x2] =	stream.indirect.gather [hbm4b:s4+s22], $0x80, s8, s22, $0xb8;
	[tilespmem:$0x1FA80] =	vst v63  }
0xe4: {  	_ =	swait.ge [sflag:s24], $0x2000  }
0xe5: {  	[sflag:s24] =	ssyncset.done $0x0  }
0xe6: {  	s9 =	simm.s32 $0x3F80;
	[sflag:s24] =	ssyncadd.s32 $0xFFFFE000  }
0xe7: {  	[spmem:s2] =	stream.indirect.scatter.add.f32 [tilespmem:s21], [sflag:$0x3], $0x80, s9, s28, $0xb8;
	[tilespmem:$0x1FA80] =	vst v63  }
0xe8: {  	_ =	swait.ge [sflag:s19], $0x2000  }
0xe9: {  	[sflag:s19] =	ssyncset.done $0x0  }
0xea: {  	s10 =	simm.s32 $0x80;
	[sflag:s19] =	ssyncadd.s32 $0xFFFFE000  }
0xeb: {  	[tilespmem:s21], [sflag:$0x1] =	stream.indirect.gather [hbm4b:s4+s22], $0x80, s10, s22, $0xb8;
	[tilespmem:$0x1FA80] =	vst v63  }
0xec: {  	s6 =	simm.s32 $0x90  }
0xed: {  	[tilespmem:s23], [sflag:$0x1] =	stream.indirect.gather [hbm4b:s4+s22], $0x80, s6, s22, $0xb8;
	[tilespmem:$0x1FA80] =	vst v63  }
0xee: {  	s8 =	simm.s32 $0xA0  }
0xef: {  	[tilespmem:s26], [sflag:$0x1] =	stream.indirect.gather [hbm4b:s4+s22], $0x80, s8, s22, $0xb8;
	[tilespmem:$0x1FA80] =	vst v63  }
0xf0: {  	s9 =	simm.s32 $0xB0  }
0xf1: {  	[tilespmem:s29], [sflag:$0x1] =	stream.indirect.gather [hbm4b:s4+s22], $0x80, s9, s22, $0xb8;
	[tilespmem:$0x1FA80] =	vst v63  }
0xf2: {  	_ =	swait.ge [sflag:s1], $0x2000  }
0xf3: {  	[sflag:s1] =	ssyncset.done $0x0  }
0xf4: {  	s10 =	simm.s32 $0x3FC0;
	[sflag:s1] =	ssyncadd.s32 $0xFFFFE000  }
0xf5: {  	[spmem:s2] =	stream.indirect.scatter.add.f32 [tilespmem:s30], [sflag:$0x3], $0x80, s10, s28, $0xb8;
	[tilespmem:$0x1FA80] =	vst v63  }
0xf6: {  	_ =	swait.ge [sflag:s19], $0x2000  }
0xf7: {  	s5 =	simm.s32 $0x80;
	s6 =	simm.s32 $0x400;
	[sflag:s19] =	ssyncset.done $0x0  }
.LBB2_8:
0xf8: {  	s8 =	sadd.s32 $0x40, s5  }
0xf9: {  	[sflag:s19] =	ssyncadd.s32 $0xFFFFE000;
	s9 =	smov.u32 s6;
	s10 =	sadd.s32 $0x200, s6  }
0xfa: {  	[tilespmem:s30], [sflag:$0x2] =	stream.indirect.gather [hbm4b:s4+s22], $0x80, s8, s22, $0xb8;
	[tilespmem:$0x1FA80] =	vst v63  }
0xfb: {  	p1 =	sne.s32 s6, $0xFA00;
	s6 =	sadd.s32 $0x50, s5  }
0xfc: {  	[tilespmem:s31], [sflag:$0x2] =	stream.indirect.gather [hbm4b:s4+s22], $0x80, s6, s22, $0xb8;
	[tilespmem:$0x1FA80] =	vst v63  }
0xfd: {  	s6 =	sadd.s32 $0x60, s5  }
0xfe: {  	[tilespmem:s0], [sflag:$0x2] =	stream.indirect.gather [hbm4b:s4+s22], $0x80, s6, s22, $0xb8;
	[tilespmem:$0x1FA80] =	vst v63  }
0xff: {  	s6 =	sadd.s32 $0x70, s5  }
0x100: {  	[tilespmem:s20], [sflag:$0x2] =	stream.indirect.gather [hbm4b:s4+s22], $0x80, s6, s22, $0xb8;
	[tilespmem:$0x1FA80] =	vst v63  }
0x101: {  	_ =	swait.ge [sflag:s24], $0x2000  }
0x102: {  	[sflag:s24] =	ssyncset.done $0x0  }
0x103: {  	s6 =	sadd.s32 $0x3F80, s5;
	[sflag:s24] =	ssyncadd.s32 $0xFFFFE000  }
0x104: {  	[spmem:s2] =	stream.indirect.scatter.add.f32 [tilespmem:s21], [sflag:$0x3], $0x80, s6, s28, $0xb8;
	[tilespmem:$0x1FA80] =	vst v63  }
0x105: {  	_ =	swait.ge [sflag:s19], $0x2000  }
0x106: {  	[sflag:s19] =	ssyncset.done $0x0  }
0x107: {  	s6 =	sadd.s32 $0x80, s5;
	[sflag:s19] =	ssyncadd.s32 $0xFFFFE000  }
0x108: {  	[tilespmem:s21], [sflag:$0x1] =	stream.indirect.gather [hbm4b:s4+s22], $0x80, s6, s22, $0xb8;
	[tilespmem:$0x1FA80] =	vst v63  }
0x109: {  	s6 =	sadd.s32 $0x90, s5  }
0x10a: {  	[tilespmem:s23], [sflag:$0x1] =	stream.indirect.gather [hbm4b:s4+s22], $0x80, s6, s22, $0xb8;
	[tilespmem:$0x1FA80] =	vst v63  }
0x10b: {  	s6 =	sadd.s32 $0xA0, s5  }
0x10c: {  	[tilespmem:s26], [sflag:$0x1] =	stream.indirect.gather [hbm4b:s4+s22], $0x80, s6, s22, $0xb8;
	[tilespmem:$0x1FA80] =	vst v63  }
0x10d: {  	s6 =	sadd.s32 $0xB0, s5  }
0x10e: {  	[tilespmem:s29], [sflag:$0x1] =	stream.indirect.gather [hbm4b:s4+s22], $0x80, s6, s22, $0xb8;
	[tilespmem:$0x1FA80] =	vst v63  }
0x10f: {  	_ =	swait.ge [sflag:s1], $0x2000  }
.Ltmp6:
0x110: {  	[sflag:s1] =	ssyncset.done $0x0;
	(pc) =	sbr.rel @p1 .LBB2_8-.Ltmp6, $4  }
0x111: {  	s5 =	sadd.s32 $0x3FC0, s5;
	[sflag:s1] =	ssyncadd.s32 $0xFFFFE000  }
0x112: {  	[spmem:s2] =	stream.indirect.scatter.add.f32 [tilespmem:s30], [sflag:$0x3], $0x80, s5, s28, $0xb8;
	[tilespmem:$0x1FA80] =	vst v63  }
0x113: {  	_ =	swait.ge [sflag:s19], $0x2000  }
0x114: {  	s6 =	smov.u32 s10;
	s5 =	sshra.s32 s9, $0x2;
	[sflag:s19] =	ssyncset.done $0x0  }
.Ltmp7:
0x115: {  	_ = 	snop;
	(pc) =	sbr.rel .LBB2_9-.Ltmp7, $1  }
0x116: {  	_ =	sdelay $0x3  }
.LBB2_11:
0x117: {  	_ =	sfence.sel $0x180000  }
0x118: {  	[bflag:$0x0] =	sbarrier.arrive $0xFFFF  }
0x119: {  	_ =	strace $0x9000004A  }
0x11a: {  	s0 =	stileid.u32;
	[bflag:$0x2] =	sbarrier.arrive $0xFFFF  }
0x11b: {  	p0 =	sne.s32 s0, $0x0;
	s0 =	rddreg [dreg:$0x3]  }
0x11c: {  	s0 =	sadd.s32 @!p0 $0x100000, s0  }
0x11d: {  	[sflag:s0] =	ssyncadd.tile.s32 @!p0 $0x1;
	_ =	shalt  }
.Lfunc_end2:
_tile_overlayer_lowered:
.L_overlay_start_2:
0x11e: {  	(tag) =	ssettag $0x2  }
0x11f: {  	s0 =	rddreg [dreg:$0x0];
	s2 =	stileid.u32  }
0x120: {  	s1 =	rddreg [dreg:$0x1];
	p0 =	sne.s32 s2, $0x0  }
0x121: {  	s3 =	rddreg [dreg:$0x2];
	[bflag:$0x3] =	sbarrier.arrive $0xFFFF;
	s2 =	simm.s32 @!p0 $0x1C03  }
0x122: {  	[timem:s3], [sflag:s2] =	dma.local @!p0 [hbm:s0], s1  }
0x123: {  	s0 =	simm.s32 @!p0 $0x3  }
0x124: {  	_ =	swait.ge @!p0 [sflag:s0], s1  }
0x125: {  	s1 =	ssub.s32 @!p0 $0x0, s1;
	[sflag:s0] =	ssyncset.done @!p0 $0x0  }
0x126: {  	[sflag:s0] =	ssyncadd.s32 @!p0 s1  }
0x127: {  	[bflag:$0x3] =	sbarrier.arrive $0xFFFF  }
0x128: {  	_ =	shalt  }

// kernel: kernel.14.cloned.1.call-start
scs
__scs_entry_jumppad:
0x0: {  	(pc) =	sbr.rel $0x88, $3  }
0x1: {  	(tag) =	ssettag $0x0;
	lr =	simm.s32 $0x1  }
0x2: {  	[smem:$0x3F9B] =	sst lr;
	_ =	strace $0xD0000000  }
0x3: {  	_ = 	snop  }
0x4: {  	_ = 	snop  }
0x5: {  	_ = 	snop  }
0x6: {  	_ = 	snop  }
0x7: {  	_ = 	snop  }
__scs_overlays_trampoline_lowered:
0x8: {  	[smem:$0x3FAA] =	sst s0  }
0x9: {  	[smem:$0x3FAB] =	sst s1  }
0xa: {  	[smem:$0x3FAC] =	sst s2  }
0xb: {  	[smem:$0x3FAD] =	sst s3  }
0xc: {  	[smem:$0x3FAE] =	sst s4  }
0xd: {  	[smem:$0x3FAF] =	sst s5  }
0xe: {  	[smem:$0x3FB0] =	sst s6  }
0xf: {  	[smem:$0x3FB1] =	sst s7  }
0x10: {  	[smem:$0x3FB2] =	sst s8  }
0x11: {  	[smem:$0x3FB3] =	sst s9;
	s0 =	simm.s32 @!p0 $0x0  }
0x12: {  	s1 =	sld [smem:$0x3F99];
	s0 =	simm.s32 @p0 $0x1  }
0x13: {  	[smem:$0x3FB4] =	sst s0;
	s0 =	simm.s32 @!p1 $0x0  }
0x14: {  	s2 =	sld [smem:$0x3F98];
	s0 =	simm.s32 @p1 $0x1  }
0x15: {  	[smem:$0x3FB5] =	sst s0;
	s0 =	simm.s32 @!p2 $0x0  }
0x16: {  	s3 =	sld [smem:$0x3FDB];
	s0 =	simm.s32 @p2 $0x1  }
0x17: {  	s4 =	simm.s32 $0x1BF5;
	[smem:$0x3FB7] =	sst s0  }
0x18: {  	s0 =	sld [smem:$0x3F9A];
	_ =	swait.ge [sflag:s4], $0x0  }
0x19: {  	s7 =	sld [smem:$0x3F9B]  }
0x1a: {  	s8 =	sadd.s32 $0xFFFFE003, lr  }
0x1b: {  	s9 =	sadd.s32 $0xFFFFFEF7, lr;
	s5 =	simm.s32 $0xFFFFFFFF;
	p2 =	slt.u32 s8, $0xFFFFF086  }
0x1c: {  	p1 =	slt.u32 s9, $0xF7A;
	s5 =	simm.s32 @!p2 $0x0  }
0x1d: {  	s5 =	simm.s32 @p1 $0x1;
	p0 =	seq.s32 s7, s2  }
0x1e: {  	s7 =	smul.u32 @!p0 $0xF7A, s2;
	p2 =	seq.s32 @!p0 s5, $0x0  }
0x1f: {  	s9 =	smul.u32 $0xF7A, s1;
	s8 =	simm.s32 @!p0 $0x1BF5;
	p2 =	por !p2, p0  }
0x20: {  	[sflag:s8] =	ssyncset.s32 @!p0 $0xFFFFF086;
	s6 =	sadd.s32 @!p0 s3, s7;
	s7 =	simm.s32 @!p0 $0x108  }
0x21: {  	s3 =	sadd.s32 s3, s9;
	s6 =	sadd.s32 @!p0 $0x88, s6;
	s7 =	simm.s32 @p2 $0x1082  }
0x22: {  	[simem:s7], [sflag:s8] =	dma.local @!p0 [hbm:s6], $0xF7A  }
0x23: {  	s9 =	sor.u32 $0xD0000000, s2;
	s6 =	simm.s32 $0x108;
	_ =	swait.ge @!p0 [sflag:s8], $0x0  }
0x24: {  	s3 =	sadd.s32 $0x88, s3;
	s6 =	simm.s32 @!p1 $0x1082;
	[sflag:s4] =	ssyncset.s32 $0xFFFFF086  }
0x25: {  	[simem:s6], [sflag:s4] =	dma.local [hbm:s3], $0xF7A  }
0x26: {  	[smem:$0x3F9B] =	sst s1;
	(tag) =	ssettag s2;
	_ =	strace s9  }
0x27: {  	s1 =	sld [smem:$0x3FAB]  }
0x28: {  	s2 =	sld [smem:$0x3FAC]  }
0x29: {  	s4 =	sld [smem:$0x3FAE]  }
0x2a: {  	p0 =	seq.s32 s5, $0x0;
	s5 =	sld [smem:$0x3FAF]  }
0x2b: {  	s6 =	sld [smem:$0x3FB0]  }
0x2c: {  	s7 =	sld [smem:$0x3FB1]  }
0x2d: {  	s3 =	simm.s32 $0x108;
	s8 =	sld [smem:$0x3FB2]  }
0x2e: {  	s3 =	simm.s32 @!p0 $0x1082;
	s9 =	sld [smem:$0x3FB3]  }
0x2f: {  	lr =	sadd.s32 s0, s3;
	s0 =	sld [smem:$0x3FAA]  }
0x30: {  	s3 =	sld [smem:$0x3FAD]  }
0x31: {  	[smem:$0x3FB6] =	sst s10  }
0x32: {  	s10 =	sld [smem:$0x3FB4];
	_ =	sdelay $0x3  }
0x33: {  	p0 =	seq.s32 s10, $0x1;
	s10 =	sld [smem:$0x3FB6];
	_ =	sdelay $0x3  }
0x34: {  	[smem:$0x3FB6] =	sst s10  }
0x35: {  	s10 =	sld [smem:$0x3FB5];
	_ =	sdelay $0x3  }
0x36: {  	p1 =	seq.s32 s10, $0x1;
	s10 =	sld [smem:$0x3FB6];
	_ =	sdelay $0x3  }
0x37: {  	[smem:$0x3FB6] =	sst s10  }
0x38: {  	s10 =	sld [smem:$0x3FB7]  }
0x39: {  	_ = 	snop;
	(pc) =	sbr.ind lr, $3  }
0x3a: {  	_ = 	snop  }
0x3b: {  	_ = 	snop  }
0x3c: {  	p2 =	seq.s32 s10, $0x1;
	s10 =	sld [smem:$0x3FB6]  }
0x3d: {  	_ =	shalt  }
0x3e: {  	_ =	shalt  }
0x3f: {  	_ =	shalt  }
0x40: {  	_ =	shalt  }
0x41: {  	_ =	shalt  }
0x42: {  	_ =	shalt  }
0x43: {  	_ =	shalt  }
0x44: {  	_ =	shalt  }
0x45: {  	_ =	shalt  }
0x46: {  	_ =	shalt  }
0x47: {  	_ =	shalt  }
0x48: {  	_ =	shalt  }
0x49: {  	_ =	shalt  }
0x4a: {  	_ =	shalt  }
0x4b: {  	_ =	shalt  }
0x4c: {  	_ =	shalt  }
0x4d: {  	_ =	shalt  }
0x4e: {  	_ =	shalt  }
0x4f: {  	_ =	shalt  }
0x50: {  	_ =	shalt  }
0x51: {  	_ =	shalt  }
0x52: {  	_ =	shalt  }
0x53: {  	_ =	shalt  }
0x54: {  	_ =	shalt  }
0x55: {  	_ =	shalt  }
0x56: {  	_ =	shalt  }
0x57: {  	_ =	shalt  }
0x58: {  	_ =	shalt  }
0x59: {  	_ =	shalt  }
0x5a: {  	_ =	shalt  }
0x5b: {  	_ =	shalt  }
0x5c: {  	_ =	shalt  }
0x5d: {  	_ =	shalt  }
0x5e: {  	_ =	shalt  }
0x5f: {  	_ =	shalt  }
0x60: {  	_ =	shalt  }
0x61: {  	_ =	shalt  }
0x62: {  	_ =	shalt  }
0x63: {  	_ =	shalt  }
0x64: {  	_ =	shalt  }
0x65: {  	_ =	shalt  }
0x66: {  	_ =	shalt  }
0x67: {  	_ =	shalt  }
0x68: {  	_ =	shalt  }
0x69: {  	_ =	shalt  }
0x6a: {  	_ =	shalt  }
0x6b: {  	_ =	shalt  }
0x6c: {  	_ =	shalt  }
0x6d: {  	_ =	shalt  }
0x6e: {  	_ =	shalt  }
0x6f: {  	_ =	shalt  }
0x70: {  	_ =	shalt  }
0x71: {  	_ =	shalt  }
0x72: {  	_ =	shalt  }
0x73: {  	_ =	shalt  }
0x74: {  	_ =	shalt  }
0x75: {  	_ =	shalt  }
0x76: {  	_ =	shalt  }
0x77: {  	_ =	shalt  }
0x78: {  	_ =	shalt  }
0x79: {  	_ =	shalt  }
0x7a: {  	_ =	shalt  }
0x7b: {  	_ =	shalt  }
0x7c: {  	_ =	shalt  }
0x7d: {  	_ =	shalt  }
0x7e: {  	_ =	shalt  }
0x7f: {  	_ =	shalt  }
0x80: {  	_ =	shalt  }
0x81: {  	_ =	shalt  }
0x82: {  	_ =	shalt  }
0x83: {  	_ =	shalt  }
0x84: {  	_ =	shalt  }
0x85: {  	_ =	shalt  }
0x86: {  	_ =	shalt  }
0x87: {  	_ =	shalt  }
.Lfunc_end0:
.L_simem_size_0:
called_computation.2_lowered:
.L_overlay_start_0:
0x88: {  	s2 =	sld [smem:$0x3FD9]  }
0x89: {  	s3 =	sld [smem:$0x3FFE];
	_ =	sdelay $0x1  }
0x8a: {  	s1 =	srdreg.scid  }
0x8b: {  	s0 =	sand.u32 $0x1, s1  }
0x8c: {  	s17 =	sshll.u32 s0, $0xA;
	s2 =	sadd.s32 s3, s2  }
0x8d: {  	s2 =	sadd.s32 s2, s17  }
0x8e: {  	[smem:$0x3FC2] =	sst s2  }
0x8f: {  	_ = 	snop  }
0x90: {  	s2 =	sld [smem:$0x3FD0];
	(tm) =	ssettm $0x1  }
0x91: {  	s18 =	sld [smem:$0x3FFB];
	_ =	sdelay $0x3  }
0x92: {  	_ =	strace s18  }
0x93: {  	s3 =	sld [smem:$0x3FFC];
	_ =	sdelay $0x3  }
0x94: {  	_ =	strace s3  }
0x95: {  	s3 =	sld [smem:$0x3FFD];
	_ =	sdelay $0x3  }
0x96: {  	_ =	strace s3  }
0x97: {  	_ =	strace $0x8FFFFFFF  }
0x98: {  	s19 =	sld [smem:$0x3FDB];
	_ =	sdelay $0x1  }
0x99: {  	s4 =	simm.s32 $_scs_section_size  }
0x9a: {  	s5 =	simm.s32 $_size__tile_overlayer_lowered;
	s6 =	simm.s32 $_tile_overlayer_lowered  }
0x9b: {  	s22 =	simm.s32 $0x1BFF;
	s21 =	sshll.u32 s6, $0x1;
	s3 =	sadd.s32 s4, s19  }
0x9c: {  	s7 =	simm.s32 $0x0;
	s20 =	sshll.u32 s5, $0x1;
	s5 =	sadd.s32 s21, s3  }
0x9d: {  	[timem:s7], [sflag:s22] =	dma.local [hbm:s5], s20  }
0x9e: {  	_ =	swait.ge [sflag:s22], s20  }
0x9f: {  	s4 =	ssub.s32 $0x0, s20;
	[sflag:s22] =	ssyncset.done $0x0  }
0xa0: {  	[sflag:s22] =	ssyncadd.s32 s4;
	_ =	sdelay $0x1  }
0xa1: {  	s23 =	simm.s32 $0x1B8B  }
0xa2: {  	_ =	swait.ge [sflag:s23], $0x1  }
0xa3: {  	[sflag:s23] =	ssyncset.done $0x0  }
0xa4: {  	s25 =	simm.s32 $0x1B8E;
	s24 =	sld [smem:$0x3FFE];
	[sflag:s23] =	ssyncadd.s32 $0xFFFFFFFF  }
0xa5: {  	s26 =	simm.s32 $execute0_lowered;
	[smem:$0x3FD2] =	sst s25  }
0xa6: {  	s5 =	sshll.u32 s26, $0x1;
	_ =	strace $0x8000004C;
	[dreg:$0x1] =	wrdreg $0xFFFFFFFF  }
0xa7: {  	s28 =	simm.s32 $_size_execute0_lowered;
	s3 =	sadd.s32 s3, s5;
	[dreg:$0x0] =	wrdreg $0x0  }
0xa8: {  	s5 =	sshll.u32 s28, $0x1;
	[dreg:$0x2] =	wrdreg s3  }
0xa9: {  	[dreg:$0x3] =	wrdreg s5  }
0xaa: {  	[dreg:$0x4] =	wrdreg $0xC0  }
0xab: {  	_ =	task [dreg:s7], $0x5FFFF  }
0xac: {  	[dreg:$0x1] =	wrdreg $0xFFFFFFFF  }
0xad: {  	[dreg:$0x0] =	wrdreg $0x60  }
0xae: {  	[dreg:$0x2] =	wrdreg s24  }
0xaf: {  	[dreg:$0x3] =	wrdreg s2  }
0xb0: {  	[dreg:$0x4] =	wrdreg $0xBE800  }
0xb1: {  	[dreg:$0x5] =	wrdreg $0x9  }
0xb2: {  	_ =	task.clear_ibuf [dreg:s7], $0x6FFFF;
	_ =	strace $0x9000004C  }
0xb3: {  	s29 =	simm.s32 $0x9;
	_ =	strace $0x8000004E  }
0xb4: {  	_ =	swait.ge [sflag:s29], $0x1  }
0xb5: {  	[sflag:s29] =	ssyncadd.s32 $0xFFFFFFFF  }
0xb6: {  	_ =	strace $0x9000004E  }
0xb7: {  	_ =	sfence  }
0xb8: {  	s30 =	sld [smem:$0x0];
	_ =	sdelay $0x2  }
0xb9: {  	s31 =	sshll.u32 s1, $0xD;
	s1 =	sshrl.u32 s1, $0x2  }
0xba: {  	s3 =	sand.u32 $0x4000, s31;
	s1 =	sadd.s32 s1, s30  }
0xbb: {  	s0 =	sor.u32 s3, s0;
	s1 =	sshll.u32 s1, $0x11  }
0xbc: {  	s0 =	sor.u32 s1, s0  }
0xbd: {  	s0 =	sadd.s32 $0x8F2B, s0  }
0xbe: {  	[sflag:s0] =	ssyncadd.remote.s32 $0x1  }
0xbf: {  	_ =	sfence.sel $0xFFFF  }
0xc0: {  	[dreg:$0x0] =	wrdreg $0xFFFFFFFF;
	(pc) =	sbr.abs _section_cstart, $3  }
0xc1: {  	[dreg:$0x1] =	wrdreg $0xFFFFFFFF  }
0xc2: {  	_ =	task.clear_ibuf [dreg:s7], $0x2FFFF;
	_ =	strace $0x9FFFFFFF  }
0xc3: {  	(tm) =	ssettm $0x7FFFFFFF  }
tec
execute0_lowered:
.L_overlay_start_1:
0x0: {  	(tag) =	ssettag $0x1  }
0x1: {  	s0 =	rddreg [dreg:$0x0]  }
0x2: {  	s1 =	rddreg [dreg:$0x1]  }
0x3: {  	s2 =	rddreg [dreg:$0x2]  }
0x4: {  	s3 =	srdreg.scid;
	s13 =	stileid.u32;
	s5 =	simm.s32 $0x0  }
0x5: {  	s29 =	simm.s32 $0x9680;
	s30 =	simm.s32 $0x9E80;
	s4 =	smul.u32 $0x3F00, s13  }
0x6: {  	s31 =	simm.s32 $0xA680;
	s28 =	simm.s32 $0x40;
	s17 =	smul.u32 $0x13800, s13  }
0x7: {  	s3 =	sand.u32 $0x1, s3;
	[smem:$0x7FF] =	sst s5;
	s8 =	smul.u32 $0x4F000, s13  }
0x8: {  	s5 =	sshll.u32 s13, $0xC;
	s25 =	smul.u32 $0x4E000, s13;
	p0 =	seq.s32 s3, $0x0  }
0x9: {  	s7 =	smul.u32 $0x138800, s3;
	_ =	strace $0x8000004D;
	s18 =	ssub.s32 $0x2, s3  }
0xa: {  	s6 =	sadd.s32 $0x10000, s4;
	s4 =	sadd.s32 $0x5A200, s0;
	s10 =	sshrl.u32 s18, $0x1  }
0xb: {  	s20 =	sshrl.u32 s8, $0x2;
	s26 =	sshrl.u32 s25, $0x2;
	s6 =	smov.u32 @p0 s5  }
0xc: {  	s5 =	sadd.s32 s17, s7;
	s19 =	ssub.s32 s18, s10;
	s7 =	sadd.s32 s20, s2  }
0xd: {  	p0 =	sne.s32 s3, $0x0;
	s20 =	simm.s32 $0xB680;
	s3 =	simm.s32 $0x0  }
0xe: {  	s6 =	sshrl.u32 s6, $0x3;
	s5 =	sshrl.u32 s5, $0x3;
	s22 =	sadd.s32 $0x2000, s7  }
0xf: {  	s23 =	sadd.s32 $0x4000, s7;
	s24 =	sadd.s32 $0x6000, s7;
	s11 =	sadd.s32 $0x8000, s7  }
0x10: {  	s12 =	sadd.s32 $0xA000, s7;
	s13 =	sadd.s32 $0xC000, s7;
	s14 =	sadd.s32 $0xE000, s7  }
0x11: {  	s15 =	sadd.s32 $0x10000, s7;
	s16 =	sadd.s32 $0x12000, s7;
	s18 =	smax.u32 s19, $0x1  }
0x12: {  	s19 =	simm.s32 $0x3;
	s9 =	sadd.s32 s6, s0;
	[dreg:$0x6] =	wrdreg s22  }
0x13: {  	s0 =	sadd.s32 s5, s0;
	s1 =	sadd.s32 s1, s6;
	[dreg:$0x7] =	wrdreg s23  }
.Ltmp0:
0x14: {  	[dreg:$0x8] =	wrdreg s24;
	s22 =	simm.s32 $0x10;
	(pc) =	sbr.rel .LBB2_1-.Ltmp0, $4  }
0x15: {  	s23 =	simm.s32 $0x8680;
	s24 =	simm.s32 $0x1;
	[dreg:$0x4] =	wrdreg s1  }
0x16: {  	s21 =	sadd.s32 $0x2200, s9;
	s17 =	sadd.s32 $0x81400, s0;
	s0 =	sadd.s32 s26, s2  }
0x17: {  	s26 =	simm.s32 $0x8E80;
	s1 =	simm.s32 $0x2;
	[dreg:$0x5] =	wrdreg s21  }
0x18: {  	v0 =	vimm.f32 $0.0e+00;
	s21 =	simm.s32 $0x7E80;
	s25 =	sshrl.u32 s0, $0x3;
	s0 =	simm.s32 $0xAE80  }
.LBB2_9:
0x19: {  	s6 =	sadd.s32 $0x40, s5;
	[sflag:s19] =	ssyncadd.s32 $0xFFFFE000  }
0x1a: {  	[tilespmem:s30], [sflag:$0x2] =	stream.indirect.gather [hbm4b:s4+s22], $0x80, s6, s22, $0xb8;
	[tilespmem:$0x1FA80] =	vst v63  }
0x1b: {  	s8 =	sadd.s32 $0x50, s5  }
0x1c: {  	[tilespmem:s31], [sflag:$0x2] =	stream.indirect.gather [hbm4b:s4+s22], $0x80, s8, s22, $0xb8;
	[tilespmem:$0x1FA80] =	vst v63  }
0x1d: {  	s9 =	sadd.s32 $0x60, s5  }
0x1e: {  	[tilespmem:s0], [sflag:$0x2] =	stream.indirect.gather [hbm4b:s4+s22], $0x80, s9, s22, $0xb8;
	[tilespmem:$0x1FA80] =	vst v63  }
0x1f: {  	s10 =	sadd.s32 $0x70, s5  }
0x20: {  	[tilespmem:s20], [sflag:$0x2] =	stream.indirect.gather [hbm4b:s4+s22], $0x80, s10, s22, $0xb8;
	[tilespmem:$0x1FA80] =	vst v63  }
0x21: {  	_ =	swait.ge [sflag:s24], $0x2000  }
0x22: {  	[sflag:s24] =	ssyncset.done $0x0  }
0x23: {  	s8 =	sadd.s32 $0x3F80, s5;
	[sflag:s24] =	ssyncadd.s32 $0xFFFFE000  }
0x24: {  	[spmem:s2] =	stream.indirect.scatter.add.f32 [tilespmem:s21], [sflag:$0x3], $0x80, s8, s28, $0xb8;
	[tilespmem:$0x1FA80] =	vst v63  }
0x25: {  	_ =	swait.ge [sflag:s19], $0x2000  }
0x26: {  	[sflag:s19] =	ssyncset.done $0x0  }
0x27: {  	s9 =	sadd.s32 $0x80, s5;
	[sflag:s19] =	ssyncadd.s32 $0xFFFFE000  }
0x28: {  	[tilespmem:s21], [sflag:$0x1] =	stream.indirect.gather [hbm4b:s4+s22], $0x80, s9, s22, $0xb8;
	[tilespmem:$0x1FA80] =	vst v63  }
0x29: {  	s10 =	sadd.s32 $0x90, s5  }
0x2a: {  	[tilespmem:s23], [sflag:$0x1] =	stream.indirect.gather [hbm4b:s4+s22], $0x80, s10, s22, $0xb8;
	[tilespmem:$0x1FA80] =	vst v63  }
0x2b: {  	s8 =	sadd.s32 $0xA0, s5  }
0x2c: {  	[tilespmem:s26], [sflag:$0x1] =	stream.indirect.gather [hbm4b:s4+s22], $0x80, s8, s22, $0xb8;
	[tilespmem:$0x1FA80] =	vst v63  }
0x2d: {  	s9 =	sadd.s32 $0xB0, s5  }
0x2e: {  	[tilespmem:s29], [sflag:$0x1] =	stream.indirect.gather [hbm4b:s4+s22], $0x80, s9, s22, $0xb8;
	[tilespmem:$0x1FA80] =	vst v63  }
0x2f: {  	_ =	swait.ge [sflag:s1], $0x2000  }
0x30: {  	[sflag:s1] =	ssyncset.done $0x0  }
0x31: {  	s10 =	sadd.s32 $0x3FC0, s5;
	[sflag:s1] =	ssyncadd.s32 $0xFFFFE000  }
0x32: {  	[spmem:s2] =	stream.indirect.scatter.add.f32 [tilespmem:s30], [sflag:$0x3], $0x80, s10, s28, $0xb8;
	[tilespmem:$0x1FA80] =	vst v63  }
0x33: {  	_ =	swait.ge [sflag:s19], $0x2000  }
0x34: {  	[sflag:s19] =	ssyncset.done $0x0  }
0x35: {  	[sflag:s19] =	ssyncadd.s32 $0xFFFFE000  }
.LBB2_10:
0x36: {  	_ =	swait.ge [sflag:s24], $0x2000  }
0x37: {  	s5 =	stileid.u32;
	s3 =	sadd.s32 $0x1, s3;
	[sflag:s24] =	ssyncset.done $0x0  }
0x38: {  	s5 =	sshll.u32 s5, $0x6;
	p1 =	sne.s32 s3, s18;
	[sflag:s24] =	ssyncadd.s32 $0xFFFFE000  }
.Ltmp1:
0x39: {  	s5 =	sor.u32 $0x1C03, s5;
	[bflag:$0x0] =	sbarrier.arrive $0xFFFF;
	(pc) =	sbr.rel @!p1 .LBB2_11-.Ltmp1, $4  }
0x3a: {  	[hbm:s17], [sflag:s5] =	dma.local [spmem:s25], $0x2800  }
0x3b: {  	_ =	swait.ge [sflag:s19], $0x2800  }
0x3c: {  	[sflag:s19] =	ssyncset.done $0x0  }
0x3d: {  	[sflag:s19] =	ssyncadd.s32 $0xFFFFD800  }
.LBB2_1:
0x3e: {  	s5 =	simm.s32 $0x0;
	s6 =	rddreg [dreg:$0x4]  }
0x3f: {  	[tilespmem:s5], [sflag:$0x3] =	stream.linear.gather [hbm4b:s6+s5], $0x3F40, $0x38;
	[tilespmem:$0x1FA80] =	vst v63  }
0x40: {  	_ =	swait.ge [sflag:s19], $0x3F40  }
0x41: {  	[sflag:s19] =	ssyncset.done $0x0  }
0x42: {  	s8 =	simm.s32 $0x3F80;
	s10 =	rddreg [dreg:$0x5];
	[sflag:s19] =	ssyncadd.s32 $0xFFFFC0C0  }
0x43: {  	[tilespmem:s8], [sflag:$0x3] =	stream.linear.gather [hbm4b:s10+s5], $0x3F00, $0x38;
	[tilespmem:$0x1FA80] =	vst v63  }
0x44: {  	_ =	swait.ge [sflag:s19], $0x3F00  }
0x45: {  	[sflag:s19] =	ssyncset.done $0x0  }
0x46: {  	s6 =	simm.s32 $0x200;
	s5 =	simm.s32 $0x0;
	[sflag:s19] =	ssyncadd.s32 $0xFFFFC100  }
.LBB2_2:
0x47: {  	p1 =	sne.s32 s6, $0x7E00;
	[tilespmem:s5+$0x7EF0] =	vst v0  }
0x48: {  	[tilespmem:s5+$0x7E80] =	vst v0  }
0x49: {  	[tilespmem:s5+$0x7E90] =	vst v0  }
.Ltmp2:
0x4a: {  	[tilespmem:s5+$0x7EA0] =	vst v0;
	(pc) =	sbr.rel @p1 .LBB2_2-.Ltmp2, $4  }
0x4b: {  	[tilespmem:s5+$0x7EB0] =	vst v0  }
0x4c: {  	[tilespmem:s5+$0x7EC0] =	vst v0  }
0x4d: {  	[tilespmem:s5+$0x7ED0] =	vst v0  }
0x4e: {  	[tilespmem:s5+$0x7EE0] =	vst v0;
	s5 =	sshra.s32 s6, $0x2;
	s6 =	sadd.s32 $0x200, s6  }
0x4f: {  	[tilespmem:s5+$0x7EF0] =	vst v0  }
0x50: {  	[tilespmem:s5+$0x7E80] =	vst v0  }
0x51: {  	[tilespmem:s5+$0x7E90] =	vst v0  }
0x52: {  	[tilespmem:s5+$0x7EA0] =	vst v0  }
0x53: {  	[tilespmem:s5+$0x7EB0] =	vst v0  }
0x54: {  	[tilespmem:s5+$0x7EC0] =	vst v0  }
0x55: {  	[tilespmem:s5+$0x7ED0] =	vst v0  }
0x56: {  	[tilespmem:s5+$0x7EE0] =	vst v0  }
0x57: {  	[spmem:s7] =	stream.linear.scatter [tilespmem:s21], [sflag:$0x3], $0x2000, $0x38;
	[tilespmem:$0x1FA80] =	vst v63  }
0x58: {  	_ =	swait.ge [sflag:s19], $0x2000  }
0x59: {  	[sflag:s19] =	ssyncset.done $0x0  }
0x5a: {  	s9 =	rddreg [dreg:$0x6];
	[sflag:s19] =	ssyncadd.s32 $0xFFFFE000  }
0x5b: {  	[spmem:s9] =	stream.linear.scatter [tilespmem:s21], [sflag:$0x3], $0x2000, $0x38;
	[tilespmem:$0x1FA80] =	vst v63  }
0x5c: {  	_ =	swait.ge [sflag:s19], $0x2000  }
0x5d: {  	[sflag:s19] =	ssyncset.done $0x0  }
0x5e: {  	s10 =	rddreg [dreg:$0x7];
	[sflag:s19] =	ssyncadd.s32 $0xFFFFE000  }
0x5f: {  	[spmem:s10] =	stream.linear.scatter [tilespmem:s21], [sflag:$0x3], $0x2000, $0x38;
	[tilespmem:$0x1FA80] =	vst v63  }
0x60: {  	_ =	swait.ge [sflag:s19], $0x2000  }
0x61: {  	[sflag:s19] =	ssyncset.done $0x0  }
0x62: {  	s6 =	rddreg [dreg:$0x8];
	[sflag:s19] =	ssyncadd.s32 $0xFFFFE000  }
0x63: {  	[spmem:s6] =	stream.linear.scatter [tilespmem:s21], [sflag:$0x3], $0x2000, $0x38;
	[tilespmem:$0x1FA80] =	vst v63  }
0x64: {  	_ =	swait.ge [sflag:s19], $0x2000  }
0x65: {  	[sflag:s19] =	ssyncset.done $0x0  }
0x66: {  	[sflag:s19] =	ssyncadd.s32 $0xFFFFE000  }
0x67: {  	[spmem:s11] =	stream.linear.scatter [tilespmem:s21], [sflag:$0x3], $0x2000, $0x38;
	[tilespmem:$0x1FA80] =	vst v63  }
0x68: {  	_ =	swait.ge [sflag:s19], $0x2000  }
0x69: {  	[sflag:s19] =	ssyncset.done $0x0  }
0x6a: {  	[sflag:s19] =	ssyncadd.s32 $0xFFFFE000  }
0x6b: {  	[spmem:s12] =	stream.linear.scatter [tilespmem:s21], [sflag:$0x3], $0x2000, $0x38;
	[tilespmem:$0x1FA80] =	vst v63  }
0x6c: {  	_ =	swait.ge [sflag:s19], $0x2000  }
0x6d: {  	[sflag:s19] =	ssyncset.done $0x0  }
0x6e: {  	[sflag:s19] =	ssyncadd.s32 $0xFFFFE000  }
0x6f: {  	[spmem:s13] =	stream.linear.scatter [tilespmem:s21], [sflag:$0x3], $0x2000, $0x38;
	[tilespmem:$0x1FA80] =	vst v63  }
0x70: {  	_ =	swait.ge [sflag:s19], $0x2000  }
0x71: {  	[sflag:s19] =	ssyncset.done $0x0  }
0x72: {  	[sflag:s19] =	ssyncadd.s32 $0xFFFFE000  }
0x73: {  	[spmem:s14] =	stream.linear.scatter [tilespmem:s21], [sflag:$0x3], $0x2000, $0x38;
	[tilespmem:$0x1FA80] =	vst v63  }
0x74: {  	_ =	swait.ge [sflag:s19], $0x2000  }
0x75: {  	[sflag:s19] =	ssyncset.done $0x0  }
0x76: {  	[sflag:s19] =	ssyncadd.s32 $0xFFFFE000  }
0x77: {  	[spmem:s15] =	stream.linear.scatter [tilespmem:s21], [sflag:$0x3], $0x2000, $0x38;
	[tilespmem:$0x1FA80] =	vst v63  }
0x78: {  	_ =	swait.ge [sflag:s19], $0x2000  }
0x79: {  	[sflag:s19] =	ssyncset.done $0x0  }
0x7a: {  	[sflag:s19] =	ssyncadd.s32 $0xFFFFE000  }
0x7b: {  	[spmem:s16] =	stream.linear.scatter [tilespmem:s21], [sflag:$0x3], $0x1C00, $0x38;
	[tilespmem:$0x1FA80] =	vst v63  }
0x7c: {  	_ =	swait.ge [sflag:s19], $0x1C00  }
0x7d: {  	[sflag:s19] =	ssyncset.done $0x0  }
0x7e: {  	[sflag:s19] =	ssyncadd.s32 $0xFFFFE400  }
0x7f: {  	s8 =	simm.s32 $0x0;
	[bflag:$0x0] =	sbarrier.arrive $0xFFFF  }
0x80: {  	[tilespmem:s21], [sflag:$0x1] =	stream.indirect.gather [hbm4b:s4+s22], $0x80, s8, s22, $0xb8;
	[tilespmem:$0x1FA80] =	vst v63  }
0x81: {  	_ = 	snop  }
0x82: {  	[tilespmem:s23], [sflag:$0x1] =	stream.indirect.gather [hbm4b:s4+s22], $0x80, s22, s22, $0xb8;
	[tilespmem:$0x1FA80] =	vst v63  }
.Ltmp3:
0x83: {  	_ = 	snop;
	(pc) =	sbr.rel @p0 .LBB2_7-.Ltmp3, $4  }
0x84: {  	s9 =	simm.s32 $0x20  }
0x85: {  	[tilespmem:s26], [sflag:$0x1] =	stream.indirect.gather [hbm4b:s4+s22], $0x80, s9, s22, $0xb8;
	[tilespmem:$0x1FA80] =	vst v63  }
0x86: {  	s5 =	simm.s32 $0x40;
	s10 =	simm.s32 $0x30  }
0x87: {  	[tilespmem:s29], [sflag:$0x1] =	stream.indirect.gather [hbm4b:s4+s22], $0x80, s10, s22, $0xb8;
	[tilespmem:$0x1FA80] =	vst v63  }
0x88: {  	[tilespmem:s30], [sflag:$0x2] =	stream.indirect.gather [hbm4b:s4+s22], $0x80, s5, s22, $0xb8;
	[tilespmem:$0x1FA80] =	vst v63  }
0x89: {  	s10 =	simm.s32 $0x50  }
0x8a: {  	[tilespmem:s31], [sflag:$0x2] =	stream.indirect.gather [hbm4b:s4+s22], $0x80, s10, s22, $0xb8;
	[tilespmem:$0x1FA80] =	vst v63  }
0x8b: {  	s6 =	simm.s32 $0x60  }
0x8c: {  	[tilespmem:s0], [sflag:$0x2] =	stream.indirect.gather [hbm4b:s4+s22], $0x80, s6, s22, $0xb8;
	[tilespmem:$0x1FA80] =	vst v63  }
0x8d: {  	s8 =	simm.s32 $0x70  }
0x8e: {  	[tilespmem:s20], [sflag:$0x2] =	stream.indirect.gather [hbm4b:s4+s22], $0x80, s8, s22, $0xb8;
	[tilespmem:$0x1FA80] =	vst v63  }
0x8f: {  	_ =	swait.ge [sflag:s24], $0x2000  }
0x90: {  	[sflag:s24] =	ssyncset.done $0x0  }
0x91: {  	s9 =	simm.s32 $0x3F80;
	[sflag:s24] =	ssyncadd.s32 $0xFFFFE000  }
0x92: {  	[spmem:s2] =	stream.indirect.scatter.add.f32 [tilespmem:s21], [sflag:$0x3], $0x80, s9, s28, $0xb8;
	[tilespmem:$0x1FA80] =	vst v63  }
0x93: {  	_ =	swait.ge [sflag:s19], $0x2000  }
0x94: {  	[sflag:s19] =	ssyncset.done $0x0  }
0x95: {  	s10 =	simm.s32 $0x80;
	[sflag:s19] =	ssyncadd.s32 $0xFFFFE000  }
0x96: {  	[tilespmem:s21], [sflag:$0x1] =	stream.indirect.gather [hbm4b:s4+s22], $0x80, s10, s22, $0xb8;
	[tilespmem:$0x1FA80] =	vst v63  }
0x97: {  	s6 =	simm.s32 $0x90  }
0x98: {  	[tilespmem:s23], [sflag:$0x1] =	stream.indirect.gather [hbm4b:s4+s22], $0x80, s6, s22, $0xb8;
	[tilespmem:$0x1FA80] =	vst v63  }
0x99: {  	s8 =	simm.s32 $0xA0  }
0x9a: {  	[tilespmem:s26], [sflag:$0x1] =	stream.indirect.gather [hbm4b:s4+s22], $0x80, s8, s22, $0xb8;
	[tilespmem:$0x1FA80] =	vst v63  }
0x9b: {  	s9 =	simm.s32 $0xB0  }
0x9c: {  	[tilespmem:s29], [sflag:$0x1] =	stream.indirect.gather [hbm4b:s4+s22], $0x80, s9, s22, $0xb8;
	[tilespmem:$0x1FA80] =	vst v63  }
0x9d: {  	_ =	swait.ge [sflag:s1], $0x2000  }
0x9e: {  	[sflag:s1] =	ssyncset.done $0x0  }
0x9f: {  	s10 =	simm.s32 $0x3FC0;
	[sflag:s1] =	ssyncadd.s32 $0xFFFFE000  }
0xa0: {  	[spmem:s2] =	stream.indirect.scatter.add.f32 [tilespmem:s30], [sflag:$0x3], $0x80, s10, s28, $0xb8;
	[tilespmem:$0x1FA80] =	vst v63  }
0xa1: {  	_ =	swait.ge [sflag:s19], $0x2000  }
0xa2: {  	s5 =	simm.s32 $0x80;
	s6 =	simm.s32 $0x400;
	[sflag:s19] =	ssyncset.done $0x0  }
.LBB2_5:
0xa3: {  	s8 =	sadd.s32 $0x40, s5  }
0xa4: {  	[sflag:s19] =	ssyncadd.s32 $0xFFFFE000;
	s9 =	smov.u32 s6;
	s10 =	sadd.s32 $0x200, s6  }
0xa5: {  	[tilespmem:s30], [sflag:$0x2] =	stream.indirect.gather [hbm4b:s4+s22], $0x80, s8, s22, $0xb8;
	[tilespmem:$0x1FA80] =	vst v63  }
0xa6: {  	p1 =	seq.s32 s6, $0x3E00;
	s6 =	sadd.s32 $0x50, s5  }
0xa7: {  	[tilespmem:s31], [sflag:$0x2] =	stream.indirect.gather [hbm4b:s4+s22], $0x80, s6, s22, $0xb8;
	[tilespmem:$0x1FA80] =	vst v63  }
0xa8: {  	s6 =	sadd.s32 $0x60, s5  }
0xa9: {  	[tilespmem:s0], [sflag:$0x2] =	stream.indirect.gather [hbm4b:s4+s22], $0x80, s6, s22, $0xb8;
	[tilespmem:$0x1FA80] =	vst v63  }
0xaa: {  	s6 =	sadd.s32 $0x70, s5  }
0xab: {  	[tilespmem:s20], [sflag:$0x2] =	stream.indirect.gather [hbm4b:s4+s22], $0x80, s6, s22, $0xb8;
	[tilespmem:$0x1FA80] =	vst v63  }
0xac: {  	_ =	swait.ge [sflag:s24], $0x2000  }
0xad: {  	[sflag:s24] =	ssyncset.done $0x0  }
0xae: {  	s6 =	sadd.s32 $0x3F80, s5;
	[sflag:s24] =	ssyncadd.s32 $0xFFFFE000  }
0xaf: {  	[spmem:s2] =	stream.indirect.scatter.add.f32 [tilespmem:s21], [sflag:$0x3], $0x80, s6, s28, $0xb8;
	[tilespmem:$0x1FA80] =	vst v63  }
0xb0: {  	_ =	swait.ge [sflag:s19], $0x2000  }
0xb1: {  	[sflag:s19] =	ssyncset.done $0x0  }
0xb2: {  	s6 =	sadd.s32 $0x80, s5;
	[sflag:s19] =	ssyncadd.s32 $0xFFFFE000  }
0xb3: {  	[tilespmem:s21], [sflag:$0x1] =	stream.indirect.gather [hbm4b:s4+s22], $0x80, s6, s22, $0xb8;
	[tilespmem:$0x1FA80] =	vst v63  }
0xb4: {  	s6 =	sadd.s32 $0x90, s5  }
0xb5: {  	[tilespmem:s23], [sflag:$0x1] =	stream.indirect.gather [hbm4b:s4+s22], $0x80, s6, s22, $0xb8;
	[tilespmem:$0x1FA80] =	vst v63  }
0xb6: {  	s6 =	sadd.s32 $0xA0, s5  }
0xb7: {  	[tilespmem:s26], [sflag:$0x1] =	stream.indirect.gather [hbm4b:s4+s22], $0x80, s6, s22, $0xb8;
	[tilespmem:$0x1FA80] =	vst v63  }
0xb8: {  	s6 =	sadd.s32 $0xB0, s5  }
0xb9: {  	[tilespmem:s29], [sflag:$0x1] =	stream.indirect.gather [hbm4b:s4+s22], $0x80, s6, s22, $0xb8;
	[tilespmem:$0x1FA80] =	vst v63  }
0xba: {  	_ =	swait.ge [sflag:s1], $0x2000  }
.Ltmp4:
0xbb: {  	[sflag:s1] =	ssyncset.done $0x0;
	(pc) =	sbr.rel @!p1 .LBB2_5-.Ltmp4, $4  }
0xbc: {  	s5 =	sadd.s32 $0x3FC0, s5;
	[sflag:s1] =	ssyncadd.s32 $0xFFFFE000  }
0xbd: {  	[spmem:s2] =	stream.indirect.scatter.add.f32 [tilespmem:s30], [sflag:$0x3], $0x80, s5, s28, $0xb8;
	[tilespmem:$0x1FA80] =	vst v63  }
0xbe: {  	_ =	swait.ge [sflag:s19], $0x2000  }
0xbf: {  	s6 =	smov.u32 s10;
	s5 =	sshra.s32 s9, $0x2;
	[sflag:s19] =	ssyncset.done $0x0  }
0xc0: {  	s6 =	sadd.s32 $0x40, s5;
	[sflag:s19] =	ssyncadd.s32 $0xFFFFE000  }
0xc1: {  	[tilespmem:s30], [sflag:$0x2] =	stream.indirect.gather [hbm4b:s4+s22], $0x80, s6, s22, $0xb8;
	[tilespmem:$0x1FA80] =	vst v63  }
0xc2: {  	s8 =	sadd.s32 $0x50, s5  }
0xc3: {  	[tilespmem:s31], [sflag:$0x2] =	stream.indirect.gather [hbm4b:s4+s22], $0x80, s8, s22, $0xb8;
	[tilespmem:$0x1FA80] =	vst v63  }
0xc4: {  	s9 =	sadd.s32 $0x60, s5  }
0xc5: {  	[tilespmem:s0], [sflag:$0x2] =	stream.indirect.gather [hbm4b:s4+s22], $0x80, s9, s22, $0xb8;
	[tilespmem:$0x1FA80] =	vst v63  }
0xc6: {  	s10 =	sadd.s32 $0x70, s5  }
0xc7: {  	[tilespmem:s20], [sflag:$0x2] =	stream.indirect.gather [hbm4b:s4+s22], $0x80, s10, s22, $0xb8;
	[tilespmem:$0x1FA80] =	vst v63  }
0xc8: {  	_ =	swait.ge [sflag:s24], $0x2000  }
0xc9: {  	[sflag:s24] =	ssyncset.done $0x0  }
0xca: {  	s8 =	sadd.s32 $0x3F80, s5;
	[sflag:s24] =	ssyncadd.s32 $0xFFFFE000  }
0xcb: {  	[spmem:s2] =	stream.indirect.scatter.add.f32 [tilespmem:s21], [sflag:$0x3], $0x80, s8, s28, $0xb8;
	[tilespmem:$0x1FA80] =	vst v63  }
0xcc: {  	_ =	swait.ge [sflag:s19], $0x2000  }
0xcd: {  	[sflag:s19] =	ssyncset.done $0x0  }
0xce: {  	s9 =	sadd.s32 $0x80, s5;
	[sflag:s19] =	ssyncadd.s32 $0xFFFFE000  }
0xcf: {  	[tilespmem:s21], [sflag:$0x1] =	stream.indirect.gather [hbm4b:s4+s22], $0x80, s9, s22, $0xb8;
	[tilespmem:$0x1FA80] =	vst v63  }
0xd0: {  	s10 =	sadd.s32 $0x90, s5  }
0xd1: {  	[tilespmem:s23], [sflag:$0x1] =	stream.indirect.gather [hbm4b:s4+s22], $0x80, s10, s22, $0xb8;
	[tilespmem:$0x1FA80] =	vst v63  }
0xd2: {  	s8 =	sadd.s32 $0xA0, s5  }
0xd3: {  	[tilespmem:s26], [sflag:$0x1] =	stream.indirect.gather [hbm4b:s4+s22], $0x80, s8, s22, $0xb8;
	[tilespmem:$0x1FA80] =	vst v63  }
0xd4: {  	s9 =	sadd.s32 $0xB0, s5  }
0xd5: {  	[tilespmem:s29], [sflag:$0x1] =	stream.indirect.gather [hbm4b:s4+s22], $0x80, s9, s22, $0xb8;
	[tilespmem:$0x1FA80] =	vst v63  }
0xd6: {  	_ =	swait.ge [sflag:s1], $0x2000  }
0xd7: {  	[sflag:s1] =	ssyncset.done $0x0  }
.Ltmp5:
0xd8: {  	s10 =	sadd.s32 $0x3FC0, s5;
	[sflag:s1] =	ssyncadd.s32 $0xFFFFE000;
	(pc) =	sbr.rel .LBB2_10-.Ltmp5, $4  }
0xd9: {  	[spmem:s2] =	stream.indirect.scatter.add.f32 [tilespmem:s30], [sflag:$0x3], $0x80, s10, s28, $0xb8;
	[tilespmem:$0x1FA80] =	vst v63  }
0xda: {  	_ =	swait.ge [sflag:s19], $0x2000  }
0xdb: {  	[sflag:s19] =	ssyncset.done $0x0  }
0xdc: {  	[sflag:s19] =	ssyncadd.s32 $0xFFFFE000  }
.LBB2_7:
0xdd: {  	[tilespmem:s30], [sflag:$0x2] =	stream.indirect.gather [hbm4b:s4+s22], $0x80, s5, s22, $0xb8;
	[tilespmem:$0x1FA80] =	vst v63  }
0xde: {  	s10 =	simm.s32 $0x50  }
0xdf: {  	[tilespmem:s31], [sflag:$0x2] =	stream.indirect.gather [hbm4b:s4+s22], $0x80, s10, s22, $0xb8;
	[tilespmem:$0x1FA80] =	vst v63  }
0xe0: {  	s6 =	simm.s32 $0x60  }
0xe1: {  	[tilespmem:s0], [sflag:$0x2] =	stream.indirect.gather [hbm4b:s4+s22], $0x80, s6, s22, $0xb8;
	[tilespmem:$0x1FA80] =	vst v63  }
0xe2: {  	s8 =	simm.s32 $0x70  }
0xe3: {  	[tilespmem:s20], [sflag:$0x2] =	stream.indirect.gather [hbm4b:s4+s22], $0x80, s8, s22, $0xb8;
	[tilespmem:$0x1FA80] =	vst v63  }
0xe4: {  	_ =	swait.ge [sflag:s24], $0x2000  }
0xe5: {  	[sflag:s24] =	ssyncset.done $0x0  }
0xe6: {  	s9 =	simm.s32 $0x3F80;
	[sflag:s24] =	ssyncadd.s32 $0xFFFFE000  }
0xe7: {  	[spmem:s2] =	stream.indirect.scatter.add.f32 [tilespmem:s21], [sflag:$0x3], $0x80, s9, s28, $0xb8;
	[tilespmem:$0x1FA80] =	vst v63  }
0xe8: {  	_ =	swait.ge [sflag:s19], $0x2000  }
0xe9: {  	[sflag:s19] =	ssyncset.done $0x0  }
0xea: {  	s10 =	simm.s32 $0x80;
	[sflag:s19] =	ssyncadd.s32 $0xFFFFE000  }
0xeb: {  	[tilespmem:s21], [sflag:$0x1] =	stream.indirect.gather [hbm4b:s4+s22], $0x80, s10, s22, $0xb8;
	[tilespmem:$0x1FA80] =	vst v63  }
0xec: {  	s6 =	simm.s32 $0x90  }
0xed: {  	[tilespmem:s23], [sflag:$0x1] =	stream.indirect.gather [hbm4b:s4+s22], $0x80, s6, s22, $0xb8;
	[tilespmem:$0x1FA80] =	vst v63  }
0xee: {  	s8 =	simm.s32 $0xA0  }
0xef: {  	[tilespmem:s26], [sflag:$0x1] =	stream.indirect.gather [hbm4b:s4+s22], $0x80, s8, s22, $0xb8;
	[tilespmem:$0x1FA80] =	vst v63  }
0xf0: {  	s9 =	simm.s32 $0xB0  }
0xf1: {  	[tilespmem:s29], [sflag:$0x1] =	stream.indirect.gather [hbm4b:s4+s22], $0x80, s9, s22, $0xb8;
	[tilespmem:$0x1FA80] =	vst v63  }
0xf2: {  	_ =	swait.ge [sflag:s1], $0x2000  }
0xf3: {  	[sflag:s1] =	ssyncset.done $0x0  }
0xf4: {  	s10 =	simm.s32 $0x3FC0;
	[sflag:s1] =	ssyncadd.s32 $0xFFFFE000  }
0xf5: {  	[spmem:s2] =	stream.indirect.scatter.add.f32 [tilespmem:s30], [sflag:$0x3], $0x80, s10, s28, $0xb8;
	[tilespmem:$0x1FA80] =	vst v63  }
0xf6: {  	_ =	swait.ge [sflag:s19], $0x2000  }
0xf7: {  	s5 =	simm.s32 $0x80;
	s6 =	simm.s32 $0x400;
	[sflag:s19] =	ssyncset.done $0x0  }
.LBB2_8:
0xf8: {  	s8 =	sadd.s32 $0x40, s5  }
0xf9: {  	[sflag:s19] =	ssyncadd.s32 $0xFFFFE000;
	s9 =	smov.u32 s6;
	s10 =	sadd.s32 $0x200, s6  }
0xfa: {  	[tilespmem:s30], [sflag:$0x2] =	stream.indirect.gather [hbm4b:s4+s22], $0x80, s8, s22, $0xb8;
	[tilespmem:$0x1FA80] =	vst v63  }
0xfb: {  	p1 =	sne.s32 s6, $0xFA00;
	s6 =	sadd.s32 $0x50, s5  }
0xfc: {  	[tilespmem:s31], [sflag:$0x2] =	stream.indirect.gather [hbm4b:s4+s22], $0x80, s6, s22, $0xb8;
	[tilespmem:$0x1FA80] =	vst v63  }
0xfd: {  	s6 =	sadd.s32 $0x60, s5  }
0xfe: {  	[tilespmem:s0], [sflag:$0x2] =	stream.indirect.gather [hbm4b:s4+s22], $0x80, s6, s22, $0xb8;
	[tilespmem:$0x1FA80] =	vst v63  }
0xff: {  	s6 =	sadd.s32 $0x70, s5  }
0x100: {  	[tilespmem:s20], [sflag:$0x2] =	stream.indirect.gather [hbm4b:s4+s22], $0x80, s6, s22, $0xb8;
	[tilespmem:$0x1FA80] =	vst v63  }
0x101: {  	_ =	swait.ge [sflag:s24], $0x2000  }
0x102: {  	[sflag:s24] =	ssyncset.done $0x0  }
0x103: {  	s6 =	sadd.s32 $0x3F80, s5;
	[sflag:s24] =	ssyncadd.s32 $0xFFFFE000  }
0x104: {  	[spmem:s2] =	stream.indirect.scatter.add.f32 [tilespmem:s21], [sflag:$0x3], $0x80, s6, s28, $0xb8;
	[tilespmem:$0x1FA80] =	vst v63  }
0x105: {  	_ =	swait.ge [sflag:s19], $0x2000  }
0x106: {  	[sflag:s19] =	ssyncset.done $0x0  }
0x107: {  	s6 =	sadd.s32 $0x80, s5;
	[sflag:s19] =	ssyncadd.s32 $0xFFFFE000  }
0x108: {  	[tilespmem:s21], [sflag:$0x1] =	stream.indirect.gather [hbm4b:s4+s22], $0x80, s6, s22, $0xb8;
	[tilespmem:$0x1FA80] =	vst v63  }
0x109: {  	s6 =	sadd.s32 $0x90, s5  }
0x10a: {  	[tilespmem:s23], [sflag:$0x1] =	stream.indirect.gather [hbm4b:s4+s22], $0x80, s6, s22, $0xb8;
	[tilespmem:$0x1FA80] =	vst v63  }
0x10b: {  	s6 =	sadd.s32 $0xA0, s5  }
0x10c: {  	[tilespmem:s26], [sflag:$0x1] =	stream.indirect.gather [hbm4b:s4+s22], $0x80, s6, s22, $0xb8;
	[tilespmem:$0x1FA80] =	vst v63  }
0x10d: {  	s6 =	sadd.s32 $0xB0, s5  }
0x10e: {  	[tilespmem:s29], [sflag:$0x1] =	stream.indirect.gather [hbm4b:s4+s22], $0x80, s6, s22, $0xb8;
	[tilespmem:$0x1FA80] =	vst v63  }
0x10f: {  	_ =	swait.ge [sflag:s1], $0x2000  }
.Ltmp6:
0x110: {  	[sflag:s1] =	ssyncset.done $0x0;
	(pc) =	sbr.rel @p1 .LBB2_8-.Ltmp6, $4  }
0x111: {  	s5 =	sadd.s32 $0x3FC0, s5;
	[sflag:s1] =	ssyncadd.s32 $0xFFFFE000  }
0x112: {  	[spmem:s2] =	stream.indirect.scatter.add.f32 [tilespmem:s30], [sflag:$0x3], $0x80, s5, s28, $0xb8;
	[tilespmem:$0x1FA80] =	vst v63  }
0x113: {  	_ =	swait.ge [sflag:s19], $0x2000  }
0x114: {  	s6 =	smov.u32 s10;
	s5 =	sshra.s32 s9, $0x2;
	[sflag:s19] =	ssyncset.done $0x0  }
.Ltmp7:
0x115: {  	_ = 	snop;
	(pc) =	sbr.rel .LBB2_9-.Ltmp7, $1  }
0x116: {  	_ =	sdelay $0x3  }
.LBB2_11:
0x117: {  	_ =	sfence.sel $0x180000  }
0x118: {  	[bflag:$0x0] =	sbarrier.arrive $0xFFFF  }
0x119: {  	_ =	strace $0x9000004D  }
0x11a: {  	s0 =	stileid.u32;
	[bflag:$0x2] =	sbarrier.arrive $0xFFFF  }
0x11b: {  	p0 =	sne.s32 s0, $0x0;
	s0 =	rddreg [dreg:$0x3]  }
0x11c: {  	s0 =	sadd.s32 @!p0 $0x100000, s0  }
0x11d: {  	[sflag:s0] =	ssyncadd.tile.s32 @!p0 $0x1;
	_ =	shalt  }
.Lfunc_end2:
_tile_overlayer_lowered:
.L_overlay_start_2:
0x11e: {  	(tag) =	ssettag $0x2  }
0x11f: {  	s0 =	rddreg [dreg:$0x0];
	s2 =	stileid.u32  }
0x120: {  	s1 =	rddreg [dreg:$0x1];
	p0 =	sne.s32 s2, $0x0  }
0x121: {  	s3 =	rddreg [dreg:$0x2];
	[bflag:$0x3] =	sbarrier.arrive $0xFFFF;
	s2 =	simm.s32 @!p0 $0x1C03  }
0x122: {  	[timem:s3], [sflag:s2] =	dma.local @!p0 [hbm:s0], s1  }
0x123: {  	s0 =	simm.s32 @!p0 $0x3  }
0x124: {  	_ =	swait.ge @!p0 [sflag:s0], s1  }
0x125: {  	s1 =	ssub.s32 @!p0 $0x0, s1;
	[sflag:s0] =	ssyncset.done @!p0 $0x0  }
0x126: {  	[sflag:s0] =	ssyncadd.s32 @!p0 s1  }
0x127: {  	[bflag:$0x3] =	sbarrier.arrive $0xFFFF  }
0x128: {  	_ =	shalt  }

// kernel: kernel.8.cloned.1.call-start
scs
__scs_entry_jumppad:
0x0: {  	(pc) =	sbr.rel $0x88, $3  }
0x1: {  	(tag) =	ssettag $0x0;
	lr =	simm.s32 $0x1  }
0x2: {  	[smem:$0x3F9B] =	sst lr;
	_ =	strace $0xD0000000  }
0x3: {  	_ = 	snop  }
0x4: {  	_ = 	snop  }
0x5: {  	_ = 	snop  }
0x6: {  	_ = 	snop  }
0x7: {  	_ = 	snop  }
__scs_overlays_trampoline_lowered:
0x8: {  	[smem:$0x3FAA] =	sst s0  }
0x9: {  	[smem:$0x3FAB] =	sst s1  }
0xa: {  	[smem:$0x3FAC] =	sst s2  }
0xb: {  	[smem:$0x3FAD] =	sst s3  }
0xc: {  	[smem:$0x3FAE] =	sst s4  }
0xd: {  	[smem:$0x3FAF] =	sst s5  }
0xe: {  	[smem:$0x3FB0] =	sst s6  }
0xf: {  	[smem:$0x3FB1] =	sst s7  }
0x10: {  	[smem:$0x3FB2] =	sst s8  }
0x11: {  	[smem:$0x3FB3] =	sst s9;
	s0 =	simm.s32 @!p0 $0x0  }
0x12: {  	s1 =	sld [smem:$0x3F99];
	s0 =	simm.s32 @p0 $0x1  }
0x13: {  	[smem:$0x3FB4] =	sst s0;
	s0 =	simm.s32 @!p1 $0x0  }
0x14: {  	s2 =	sld [smem:$0x3F98];
	s0 =	simm.s32 @p1 $0x1  }
0x15: {  	[smem:$0x3FB5] =	sst s0;
	s0 =	simm.s32 @!p2 $0x0  }
0x16: {  	s3 =	sld [smem:$0x3FDB];
	s0 =	simm.s32 @p2 $0x1  }
0x17: {  	s4 =	simm.s32 $0x1BF5;
	[smem:$0x3FB7] =	sst s0  }
0x18: {  	s0 =	sld [smem:$0x3F9A];
	_ =	swait.ge [sflag:s4], $0x0  }
0x19: {  	s7 =	sld [smem:$0x3F9B]  }
0x1a: {  	s8 =	sadd.s32 $0xFFFFE003, lr  }
0x1b: {  	s9 =	sadd.s32 $0xFFFFFEF7, lr;
	s5 =	simm.s32 $0xFFFFFFFF;
	p2 =	slt.u32 s8, $0xFFFFF086  }
0x1c: {  	p1 =	slt.u32 s9, $0xF7A;
	s5 =	simm.s32 @!p2 $0x0  }
0x1d: {  	s5 =	simm.s32 @p1 $0x1;
	p0 =	seq.s32 s7, s2  }
0x1e: {  	s7 =	smul.u32 @!p0 $0xF7A, s2;
	p2 =	seq.s32 @!p0 s5, $0x0  }
0x1f: {  	s9 =	smul.u32 $0xF7A, s1;
	s8 =	simm.s32 @!p0 $0x1BF5;
	p2 =	por !p2, p0  }
0x20: {  	[sflag:s8] =	ssyncset.s32 @!p0 $0xFFFFF086;
	s6 =	sadd.s32 @!p0 s3, s7;
	s7 =	simm.s32 @!p0 $0x108  }
0x21: {  	s3 =	sadd.s32 s3, s9;
	s6 =	sadd.s32 @!p0 $0x88, s6;
	s7 =	simm.s32 @p2 $0x1082  }
0x22: {  	[simem:s7], [sflag:s8] =	dma.local @!p0 [hbm:s6], $0xF7A  }
0x23: {  	s9 =	sor.u32 $0xD0000000, s2;
	s6 =	simm.s32 $0x108;
	_ =	swait.ge @!p0 [sflag:s8], $0x0  }
0x24: {  	s3 =	sadd.s32 $0x88, s3;
	s6 =	simm.s32 @!p1 $0x1082;
	[sflag:s4] =	ssyncset.s32 $0xFFFFF086  }
0x25: {  	[simem:s6], [sflag:s4] =	dma.local [hbm:s3], $0xF7A  }
0x26: {  	[smem:$0x3F9B] =	sst s1;
	(tag) =	ssettag s2;
	_ =	strace s9  }
0x27: {  	s1 =	sld [smem:$0x3FAB]  }
0x28: {  	s2 =	sld [smem:$0x3FAC]  }
0x29: {  	s4 =	sld [smem:$0x3FAE]  }
0x2a: {  	p0 =	seq.s32 s5, $0x0;
	s5 =	sld [smem:$0x3FAF]  }
0x2b: {  	s6 =	sld [smem:$0x3FB0]  }
0x2c: {  	s7 =	sld [smem:$0x3FB1]  }
0x2d: {  	s3 =	simm.s32 $0x108;
	s8 =	sld [smem:$0x3FB2]  }
0x2e: {  	s3 =	simm.s32 @!p0 $0x1082;
	s9 =	sld [smem:$0x3FB3]  }
0x2f: {  	lr =	sadd.s32 s0, s3;
	s0 =	sld [smem:$0x3FAA]  }
0x30: {  	s3 =	sld [smem:$0x3FAD]  }
0x31: {  	[smem:$0x3FB6] =	sst s10  }
0x32: {  	s10 =	sld [smem:$0x3FB4];
	_ =	sdelay $0x3  }
0x33: {  	p0 =	seq.s32 s10, $0x1;
	s10 =	sld [smem:$0x3FB6];
	_ =	sdelay $0x3  }
0x34: {  	[smem:$0x3FB6] =	sst s10  }
0x35: {  	s10 =	sld [smem:$0x3FB5];
	_ =	sdelay $0x3  }
0x36: {  	p1 =	seq.s32 s10, $0x1;
	s10 =	sld [smem:$0x3FB6];
	_ =	sdelay $0x3  }
0x37: {  	[smem:$0x3FB6] =	sst s10  }
0x38: {  	s10 =	sld [smem:$0x3FB7]  }
0x39: {  	_ = 	snop;
	(pc) =	sbr.ind lr, $3  }
0x3a: {  	_ = 	snop  }
0x3b: {  	_ = 	snop  }
0x3c: {  	p2 =	seq.s32 s10, $0x1;
	s10 =	sld [smem:$0x3FB6]  }
0x3d: {  	_ =	shalt  }
0x3e: {  	_ =	shalt  }
0x3f: {  	_ =	shalt  }
0x40: {  	_ =	shalt  }
0x41: {  	_ =	shalt  }
0x42: {  	_ =	shalt  }
0x43: {  	_ =	shalt  }
0x44: {  	_ =	shalt  }
0x45: {  	_ =	shalt  }
0x46: {  	_ =	shalt  }
0x47: {  	_ =	shalt  }
0x48: {  	_ =	shalt  }
0x49: {  	_ =	shalt  }
0x4a: {  	_ =	shalt  }
0x4b: {  	_ =	shalt  }
0x4c: {  	_ =	shalt  }
0x4d: {  	_ =	shalt  }
0x4e: {  	_ =	shalt  }
0x4f: {  	_ =	shalt  }
0x50: {  	_ =	shalt  }
0x51: {  	_ =	shalt  }
0x52: {  	_ =	shalt  }
0x53: {  	_ =	shalt  }
0x54: {  	_ =	shalt  }
0x55: {  	_ =	shalt  }
0x56: {  	_ =	shalt  }
0x57: {  	_ =	shalt  }
0x58: {  	_ =	shalt  }
0x59: {  	_ =	shalt  }
0x5a: {  	_ =	shalt  }
0x5b: {  	_ =	shalt  }
0x5c: {  	_ =	shalt  }
0x5d: {  	_ =	shalt  }
0x5e: {  	_ =	shalt  }
0x5f: {  	_ =	shalt  }
0x60: {  	_ =	shalt  }
0x61: {  	_ =	shalt  }
0x62: {  	_ =	shalt  }
0x63: {  	_ =	shalt  }
0x64: {  	_ =	shalt  }
0x65: {  	_ =	shalt  }
0x66: {  	_ =	shalt  }
0x67: {  	_ =	shalt  }
0x68: {  	_ =	shalt  }
0x69: {  	_ =	shalt  }
0x6a: {  	_ =	shalt  }
0x6b: {  	_ =	shalt  }
0x6c: {  	_ =	shalt  }
0x6d: {  	_ =	shalt  }
0x6e: {  	_ =	shalt  }
0x6f: {  	_ =	shalt  }
0x70: {  	_ =	shalt  }
0x71: {  	_ =	shalt  }
0x72: {  	_ =	shalt  }
0x73: {  	_ =	shalt  }
0x74: {  	_ =	shalt  }
0x75: {  	_ =	shalt  }
0x76: {  	_ =	shalt  }
0x77: {  	_ =	shalt  }
0x78: {  	_ =	shalt  }
0x79: {  	_ =	shalt  }
0x7a: {  	_ =	shalt  }
0x7b: {  	_ =	shalt  }
0x7c: {  	_ =	shalt  }
0x7d: {  	_ =	shalt  }
0x7e: {  	_ =	shalt  }
0x7f: {  	_ =	shalt  }
0x80: {  	_ =	shalt  }
0x81: {  	_ =	shalt  }
0x82: {  	_ =	shalt  }
0x83: {  	_ =	shalt  }
0x84: {  	_ =	shalt  }
0x85: {  	_ =	shalt  }
0x86: {  	_ =	shalt  }
0x87: {  	_ =	shalt  }
.Lfunc_end0:
.L_simem_size_0:
called_computation_lowered:
.L_overlay_start_0:
0x88: {  	s2 =	sld [smem:$0x3FD9]  }
0x89: {  	s3 =	sld [smem:$0x3FFE];
	_ =	sdelay $0x1  }
0x8a: {  	s1 =	srdreg.scid  }
0x8b: {  	s0 =	sand.u32 $0x1, s1  }
0x8c: {  	s16 =	sshll.u32 s0, $0xA;
	s2 =	sadd.s32 s3, s2  }
0x8d: {  	s2 =	sadd.s32 s2, s16  }
0x8e: {  	[smem:$0x3FC2] =	sst s2  }
0x8f: {  	_ = 	snop  }
0x90: {  	(tm) =	ssettm $0x1  }
0x91: {  	s17 =	sld [smem:$0x3FFB];
	_ =	sdelay $0x3  }
0x92: {  	_ =	strace s17  }
0x93: {  	s2 =	sld [smem:$0x3FFC];
	_ =	sdelay $0x3  }
0x94: {  	_ =	strace s2  }
0x95: {  	s2 =	sld [smem:$0x3FFD];
	_ =	sdelay $0x3  }
0x96: {  	_ =	strace s2  }
0x97: {  	_ =	strace $0x8FFFFFFF  }
0x98: {  	s18 =	sld [smem:$0x3FDB];
	_ =	sdelay $0x1  }
0x99: {  	s19 =	simm.s32 $_scs_section_size  }
0x9a: {  	s4 =	simm.s32 $_size__tile_overlayer_lowered;
	s5 =	simm.s32 $_tile_overlayer_lowered  }
0x9b: {  	s22 =	simm.s32 $0x1BFF;
	s21 =	sshll.u32 s5, $0x1;
	s2 =	sadd.s32 s19, s18  }
0x9c: {  	s6 =	simm.s32 $0x0;
	s20 =	sshll.u32 s4, $0x1;
	s4 =	sadd.s32 s21, s2  }
0x9d: {  	[timem:s6], [sflag:s22] =	dma.local [hbm:s4], s20  }
0x9e: {  	_ =	swait.ge [sflag:s22], s20  }
0x9f: {  	s3 =	ssub.s32 $0x0, s20;
	[sflag:s22] =	ssyncset.done $0x0  }
0xa0: {  	[sflag:s22] =	ssyncadd.s32 s3;
	_ =	sdelay $0x1  }
0xa1: {  	s23 =	simm.s32 $0x1B8B  }
0xa2: {  	_ =	swait.ge [sflag:s23], $0x1  }
0xa3: {  	[sflag:s23] =	ssyncset.done $0x0  }
0xa4: {  	s25 =	simm.s32 $0x1B8E;
	s24 =	sld [smem:$0x3FFE];
	[sflag:s23] =	ssyncadd.s32 $0xFFFFFFFF  }
0xa5: {  	s26 =	simm.s32 $execute0_lowered;
	[smem:$0x3FD2] =	sst s25  }
0xa6: {  	s4 =	sshll.u32 s26, $0x1;
	_ =	strace $0x80000046;
	[dreg:$0x1] =	wrdreg $0xFFFFFFFF  }
0xa7: {  	s28 =	simm.s32 $_size_execute0_lowered;
	s2 =	sadd.s32 s2, s4;
	[dreg:$0x0] =	wrdreg $0x0  }
0xa8: {  	s4 =	sshll.u32 s28, $0x1;
	[dreg:$0x2] =	wrdreg s2  }
0xa9: {  	[dreg:$0x3] =	wrdreg s4  }
0xaa: {  	[dreg:$0x4] =	wrdreg $0xC0  }
0xab: {  	_ =	task [dreg:s6], $0x5FFFF  }
0xac: {  	[dreg:$0x1] =	wrdreg $0xFFFFFFFF  }
0xad: {  	[dreg:$0x0] =	wrdreg $0x60  }
0xae: {  	[dreg:$0x2] =	wrdreg s24  }
0xaf: {  	[dreg:$0x3] =	wrdreg $0x67800  }
0xb0: {  	[dreg:$0x4] =	wrdreg $0x9  }
0xb1: {  	_ =	task.clear_ibuf [dreg:s6], $0x5FFFF;
	_ =	strace $0x90000046  }
0xb2: {  	s29 =	simm.s32 $0x9;
	_ =	strace $0x80000048  }
0xb3: {  	_ =	swait.ge [sflag:s29], $0x1  }
0xb4: {  	[sflag:s29] =	ssyncadd.s32 $0xFFFFFFFF  }
0xb5: {  	_ =	strace $0x90000048  }
0xb6: {  	_ =	sfence  }
0xb7: {  	s30 =	sld [smem:$0x0];
	_ =	sdelay $0x2  }
0xb8: {  	s31 =	sshll.u32 s1, $0xD;
	s1 =	sshrl.u32 s1, $0x2  }
0xb9: {  	s3 =	sand.u32 $0x4000, s31;
	s1 =	sadd.s32 s1, s30  }
0xba: {  	s0 =	sor.u32 s3, s0;
	s1 =	sshll.u32 s1, $0x11  }
0xbb: {  	s0 =	sor.u32 s1, s0  }
0xbc: {  	s0 =	sadd.s32 $0x8F2B, s0  }
0xbd: {  	[sflag:s0] =	ssyncadd.remote.s32 $0x1  }
0xbe: {  	_ =	sfence.sel $0xFFFF  }
0xbf: {  	[dreg:$0x0] =	wrdreg $0xFFFFFFFF;
	(pc) =	sbr.abs _section_cstart, $3  }
0xc0: {  	[dreg:$0x1] =	wrdreg $0xFFFFFFFF  }
0xc1: {  	_ =	task.clear_ibuf [dreg:s6], $0x2FFFF;
	_ =	strace $0x9FFFFFFF  }
0xc2: {  	(tm) =	ssettm $0x7FFFFFFF  }
0xc3: {  	_ =	shalt  }
tec
execute0_lowered:
.L_overlay_start_1:
0x0: {  	(tag) =	ssettag $0x1  }
0x1: {  	s4 =	rddreg [dreg:$0x0]  }
0x2: {  	s1 =	rddreg [dreg:$0x1]  }
0x3: {  	s2 =	srdreg.scid;
	s0 =	rddreg [dreg:$0x2];
	s3 =	simm.s32 $0x0  }
0x4: {  	s13 =	simm.s32 $0x2780;
	s14 =	simm.s32 $0x80;
	s5 =	sand.u32 $0x1, s2  }
0x5: {  	s17 =	simm.s32 $0x0;
	s2 =	stileid.u32;
	s7 =	smul.u32 $0x138800, s5  }
0x6: {  	[smem:$0x7FF] =	sst s3;
	s6 =	sshll.u32 s5, $0x4;
	s8 =	smul.u32 $0x13800, s2  }
0x7: {  	_ =	strace $0x80000047;
	s5 =	ssub.s32 $0x2, s5;
	s30 =	smul.u32 $0x50000, s2  }
0x8: {  	s12 =	smul.u32 $0x4E000, s2;
	s15 =	sshll.u32 s2, $0x6;
	s6 =	sor.u32 s2, s6  }
0x9: {  	s9 =	sshrl.u32 s5, $0x1;
	s15 =	sor.u32 $0x1C01, s15;
	s6 =	smul.u32 $0x4F0, s6  }
0xa: {  	s7 =	sadd.s32 s8, s7;
	s11 =	ssub.s32 s5, s9;
	s31 =	sshrl.u32 s30, $0x2  }
0xb: {  	s12 =	sshrl.u32 s12, $0x2;
	s7 =	sshrl.u32 s7, $0x3;
	s5 =	sadd.s32 s31, s1  }
0xc: {  	s16 =	sadd.s32 s12, s1;
	s11 =	smax.u32 s11, $0x1;
	s12 =	simm.s32 $0x1  }
0xd: {  	s6 =	sadd.s32 s6, s4;
	s10 =	sadd.s32 s7, s4;
	s7 =	sadd.s32 $0x8000, s5  }
0xe: {  	s8 =	sadd.s32 $0xC000, s5;
	s9 =	sadd.s32 $0x10000, s5;
	s16 =	sshrl.u32 s16, $0x3  }
0xf: {  	v0 =	vimm.f32 $0.0e+00;
	v1 =	vimm.f32 $1.000000000e+00;
	s4 =	sadd.s32 $0x2200, s6;
	s6 =	sadd.s32 $0x4000, s5;
	s10 =	sadd.s32 $0xC000, s10  }
.LBB2_1:
0x10: {  	[tilespmem:s3], [sflag:$0x1] =	stream.linear.gather [hbm4b:s4+s3], $0x2780, $0x38;
	[tilespmem:$0xB780] =	vst v63  }
0x11: {  	_ =	swait.ge [sflag:s12], $0x2780  }
0x12: {  	[sflag:s12] =	ssyncset.done $0x0  }
0x13: {  	s18 =	simm.s32 $0x200;
	s19 =	simm.s32 $0x0;
	[sflag:s12] =	ssyncadd.s32 $0xFFFFD880  }
.LBB2_2:
0x14: {  	p0 =	sne.s32 s18, $0xFE00;
	[tilespmem:s19+$0x2780] =	vst v0;
	s20 =	smov.u32 s18;
	s18 =	sadd.s32 $0x200, s18  }
.Ltmp0:
0x15: {  	[tilespmem:s19+$0x2790] =	vst v0;
	(pc) =	sbr.rel @p0 .LBB2_2-.Ltmp0, $2  }
0x16: {  	_ =	sdelay $0x2  }
0x17: {  	s19 =	sshra.s32 s20, $0x2  }
0x18: {  	[tilespmem:s19+$0x2780] =	vst v0  }
0x19: {  	[tilespmem:s19+$0x2790] =	vst v0  }
0x1a: {  	[spmem:s5] =	stream.linear.scatter [tilespmem:s13], [sflag:$0x1], $0x4000, $0x38;
	[tilespmem:$0xB780] =	vst v63  }
0x1b: {  	_ =	swait.ge [sflag:s12], $0x4000  }
0x1c: {  	[sflag:s12] =	ssyncset.done $0x0  }
0x1d: {  	[sflag:s12] =	ssyncadd.s32 $0xFFFFC000  }
0x1e: {  	[spmem:s6] =	stream.linear.scatter [tilespmem:s13], [sflag:$0x1], $0x4000, $0x38;
	[tilespmem:$0xB780] =	vst v63  }
0x1f: {  	_ =	swait.ge [sflag:s12], $0x4000  }
0x20: {  	[sflag:s12] =	ssyncset.done $0x0  }
0x21: {  	[sflag:s12] =	ssyncadd.s32 $0xFFFFC000  }
0x22: {  	[spmem:s7] =	stream.linear.scatter [tilespmem:s13], [sflag:$0x1], $0x4000, $0x38;
	[tilespmem:$0xB780] =	vst v63  }
0x23: {  	_ =	swait.ge [sflag:s12], $0x4000  }
0x24: {  	[sflag:s12] =	ssyncset.done $0x0  }
0x25: {  	[sflag:s12] =	ssyncadd.s32 $0xFFFFC000  }
0x26: {  	[spmem:s8] =	stream.linear.scatter [tilespmem:s13], [sflag:$0x1], $0x4000, $0x38;
	[tilespmem:$0xB780] =	vst v63  }
0x27: {  	_ =	swait.ge [sflag:s12], $0x4000  }
0x28: {  	[sflag:s12] =	ssyncset.done $0x0  }
0x29: {  	[sflag:s12] =	ssyncadd.s32 $0xFFFFC000  }
0x2a: {  	[spmem:s9] =	stream.linear.scatter [tilespmem:s13], [sflag:$0x1], $0x4000, $0x38;
	[tilespmem:$0xB780] =	vst v63  }
0x2b: {  	_ =	swait.ge [sflag:s12], $0x4000  }
0x2c: {  	[sflag:s12] =	ssyncset.done $0x0  }
0x2d: {  	s18 =	simm.s32 $0x200;
	s19 =	simm.s32 $0x0;
	[sflag:s12] =	ssyncadd.s32 $0xFFFFC000  }
.LBB2_4:
0x2e: {  	p0 =	sne.s32 s18, $0xFE00;
	[tilespmem:s19+$0x2780] =	vst v1;
	s20 =	smov.u32 s18;
	s18 =	sadd.s32 $0x200, s18  }
.Ltmp1:
0x2f: {  	[tilespmem:s19+$0x2790] =	vst v1;
	(pc) =	sbr.rel @p0 .LBB2_4-.Ltmp1, $2  }
0x30: {  	_ =	sdelay $0x2  }
0x31: {  	s19 =	sshra.s32 s20, $0x2  }
0x32: {  	[tilespmem:s19+$0x2780] =	vst v1  }
0x33: {  	[tilespmem:s19+$0x2790] =	vst v1  }
0x34: {  	s18 =	simm.s32 $0x0;
	[bflag:$0x0] =	sbarrier.arrive $0xFFFF  }
0x35: {  	[spmem:s1] =	stream.indirect.scatter.add.f32 [tilespmem:s13], [sflag:$0x1], $0x20, s18, s14, $0xb8;
	[tilespmem:$0xB780] =	vst v63  }
0x36: {  	_ =	swait.ge [sflag:s12], $0x1000  }
0x37: {  	s18 =	simm.s32 $0x200;
	[sflag:s12] =	ssyncset.done $0x0  }
.LBB2_6:
0x38: {  	s19 =	sshra.s32 s18, $0x2;
	[sflag:s12] =	ssyncadd.s32 $0xFFFFF000;
	p0 =	sne.s32 s18, $0x9C00  }
0x39: {  	[spmem:s1] =	stream.indirect.scatter.add.f32 [tilespmem:s13], [sflag:$0x1], $0x20, s19, s14, $0xb8;
	[tilespmem:$0xB780] =	vst v63  }
.Ltmp2:
0x3a: {  	_ = 	snop;
	(pc) =	sbr.rel @p0 .LBB2_6-.Ltmp2, $4  }
0x3b: {  	_ = 	snop  }
0x3c: {  	s18 =	sadd.s32 $0x200, s18  }
0x3d: {  	_ =	swait.ge [sflag:s12], $0x1000  }
0x3e: {  	[sflag:s12] =	ssyncset.done $0x0  }
0x3f: {  	s17 =	sadd.s32 $0x1, s17  }
0x40: {  	[sflag:s12] =	ssyncadd.s32 $0xFFFFF000;
	p0 =	sne.s32 s17, s11  }
.Ltmp3:
0x41: {  	[bflag:$0x0] =	sbarrier.arrive $0xFFFF;
	(pc) =	sbr.rel @p0 .LBB2_1-.Ltmp3, $4  }
0x42: {  	[hbm:s10], [sflag:s15] =	dma.local [spmem:s16], $0x2800  }
0x43: {  	_ =	swait.ge [sflag:s12], $0x2800  }
0x44: {  	[sflag:s12] =	ssyncset.done $0x0  }
0x45: {  	[sflag:s12] =	ssyncadd.s32 $0xFFFFD800  }
0x46: {  	_ =	sfence.sel $0x180000  }
0x47: {  	[bflag:$0x0] =	sbarrier.arrive $0xFFFF  }
0x48: {  	p0 =	sne.s32 s2, $0x0;
	_ =	strace $0x90000047  }
0x49: {  	s0 =	sadd.s32 @!p0 $0x100000, s0;
	[bflag:$0x2] =	sbarrier.arrive $0xFFFF  }
0x4a: {  	[sflag:s0] =	ssyncadd.tile.s32 @!p0 $0x1;
	_ =	shalt  }
.Lfunc_end2:
_tile_overlayer_lowered:
.L_overlay_start_2:
0x4b: {  	(tag) =	ssettag $0x2  }
0x4c: {  	s0 =	rddreg [dreg:$0x0];
	s2 =	stileid.u32  }
0x4d: {  	s1 =	rddreg [dreg:$0x1];
	p0 =	sne.s32 s2, $0x0  }
0x4e: {  	s3 =	rddreg [dreg:$0x2];
	[bflag:$0x3] =	sbarrier.arrive $0xFFFF;
	s2 =	simm.s32 @!p0 $0x1C01  }
0x4f: {  	[timem:s3], [sflag:s2] =	dma.local @!p0 [hbm:s0], s1  }
0x50: {  	s0 =	simm.s32 @!p0 $0x1  }
0x51: {  	_ =	swait.ge @!p0 [sflag:s0], s1  }
0x52: {  	s1 =	ssub.s32 @!p0 $0x0, s1;
	[sflag:s0] =	ssyncset.done @!p0 $0x0  }
0x53: {  	[sflag:s0] =	ssyncadd.s32 @!p0 s1  }
0x54: {  	[bflag:$0x3] =	sbarrier.arrive $0xFFFF  }
0x55: {  	_ =	shalt  }

</sc_bundles>
